<compile_context>
chip_gen: v7x
topology: tpu7x:2x2x1
jax: 0.10.2.dev20260603
libtpu: 0.0.44.dev20260713+nightly
codegen_flags: <defaults>
</compile_context>

<pallas_src>
import jax
import jax.numpy as jnp
from jax import lax
from jax.experimental import pallas as pl
from jax.experimental.pallas import tpu as pltpu
from jax.experimental.pallas import tpu_sc as plsc

_SEQ = 8192
_D = 768
_B = 4

_NC = 2
_NS = 16
_NW = _NC * _NS
_ROWS_W = _SEQ // _NW
_R = 16
_NJ = _ROWS_W // _R
_NITEMS = _NJ * _B
_LANES = 16


def _sc_body(in_hbm, tab_hbm, out_hbm, tab_v, in_v, out_v,
             tab_sem, in_sem, out_sem):
    wid = lax.axis_index("s") * _NC + lax.axis_index("c")
    rbase = wid * _ROWS_W

    def tab_copy(j, jp):
        return pltpu.make_async_copy(
            tab_hbm.at[pl.ds(rbase + j * _R, _R)], tab_v.at[jp], tab_sem.at[jp])

    def in_copy(t, p):
        r0 = rbase + (t // _B) * _R
        return pltpu.make_async_copy(
            in_hbm.at[t % _B, pl.ds(r0, _R)], in_v.at[p], in_sem.at[p])

    def out_copy(t, p):
        r0 = rbase + (t // _B) * _R
        return pltpu.make_async_copy(
            out_v.at[p], out_hbm.at[t % _B, pl.ds(r0, _R)], out_sem.at[p])

    tab_copy(0, 0).start()
    in_copy(0, 0).start()

    def item(t, _):
        j = t // _B
        b = t % _B
        p = t % 2
        jp = j % 2

        @pl.when(t + 1 < _NITEMS)
        def _():
            in_copy(t + 1, (t + 1) % 2).start()

        @pl.when((b == 0) & (j + 1 < _NJ))
        def _():
            tab_copy(j + 1, (j + 1) % 2).start()

        in_copy(t, p).wait()

        @pl.when(b == 0)
        def _():
            tab_copy(j, jp).wait()

        @pl.when(t >= 2)
        def _():
            out_copy(t - 2, p).wait()

        @plsc.parallel_loop(0, _R, step=1, unroll=2)
        def _(r):
            for c in range(0, _D, _LANES):
                sl = pl.ds(c, _LANES)
                out_v[p, r, sl] = in_v[p, r, sl] + tab_v[jp, r, sl]

        out_copy(t, p).start()
        return 0

    lax.fori_loop(0, _NITEMS, item, 0)

    out_copy(_NITEMS - 2, 0).wait()
    out_copy(_NITEMS - 1, 1).wait()


@jax.jit
def kernel(inputs, pos_table):
    mesh = plsc.VectorSubcoreMesh(core_axis_name="c", subcore_axis_name="s")
    k = pl.kernel(
        _sc_body,
        out_type=jax.ShapeDtypeStruct((_B, _SEQ, _D), jnp.float32),
        mesh=mesh,
        scratch_types=[
            pltpu.VMEM((2, _R, _D), jnp.float32),
            pltpu.VMEM((2, _R, _D), jnp.float32),
            pltpu.VMEM((2, _R, _D), jnp.float32),
            pltpu.SemaphoreType.DMA((2,)),
            pltpu.SemaphoreType.DMA((2,)),
            pltpu.SemaphoreType.DMA((2,)),
        ],
        compiler_params=pltpu.CompilerParams(
            disable_bounds_checks=True,
            disable_semaphore_checks=True,
        ),
    )
    return k(inputs, pos_table)

# --- scband reference (transcript-rebuilt; emitter-appended) ---
"""Pipeline reference for scband-positional-embedding-17746804867390 (READ-ONLY COPY).

The authoritative reference and input builder live on the scoring server;
editing this copy changes nothing except your own understanding.
"""

import jax, jax.numpy as jnp
import numpy as np

SEQ_LEN = 8192
D_MODEL = 768
BATCH = 4

def setup_inputs(seed: int = 0) -> dict:
    key = jax.random.key(seed)
    k1, k2 = jax.random.split(key)
    inputs = jax.random.normal(k1, (BATCH, SEQ_LEN, D_MODEL), dtype=jnp.float32)
    # Embedding table: Keras Embedding default init ~ uniform(-0.05, 0.05)
    pos_table = jax.random.uniform(k2, (SEQ_LEN, D_MODEL), dtype=jnp.float32, minval=-0.05, maxval=0.05)
    return {"inputs": inputs, "pos_table": pos_table}

def reference(inputs, pos_table):
    positions = jnp.arange(SEQ_LEN)
    embedded_positions = jnp.take(pos_table, positions, axis=0)  # [S, d_model]
    return inputs + embedded_positions[None, :, :]

if __name__ == "__main__":
    import jax
    _d = setup_inputs()
    print(jax.jit(kernel)(*tuple(_d.values())))

</pallas_src>

<mosaic_0001>
#map = affine_map<(d0, d1) -> (0, 0, 0)>
#map1 = affine_map<(d0, d1) -> (0, 0)>
module attributes {stable_mosaic.version = 14 : i64} {
  func.func @_sc_body(%arg0: i32, %arg1: i32, %arg2: memref<4x8192x768xf32, #tpu.memory_space<hbm>>, %arg3: memref<8192x768xf32, #tpu.memory_space<hbm>>, %arg4: memref<4x8192x768xf32, #tpu.memory_space<hbm>>, %arg5: memref<2x16x768xf32, #tpu.memory_space<vmem>>, %arg6: memref<2x16x768xf32, #tpu.memory_space<vmem>>, %arg7: memref<2x16x768xf32, #tpu.memory_space<vmem>>, %arg8: memref<2x!tpu.dma_semaphore, #tpu.memory_space<semaphore_mem>>, %arg9: memref<2x!tpu.dma_semaphore, #tpu.memory_space<semaphore_mem>>, %arg10: memref<2x!tpu.dma_semaphore, #tpu.memory_space<semaphore_mem>>) attributes {dimension_semantics = [#tpu.dimension_semantics<core_parallel>, #tpu.dimension_semantics<subcore_parallel>], iteration_bounds = array<i64: 2, 16>, scalar_prefetch = 0 : i64, scratch_operands = 6 : i64, tpu.core_type = #tpu.core_type<sc_vector_subcore>, window_params = [{transform_indices = #map}, {transform_indices = #map1}, {transform_indices = #map}]} {
    %mul3A = arith.constant 2 : i32
    %mul3A_0 = arith.muli %arg1, %mul3A : i32
    %add3A = arith.addi %mul3A_0, %arg0 : i32
    %mul3A_1 = arith.constant 256 : i32
    %mul3A_2 = arith.muli %add3A, %mul3A_1 : i32
    %add3A_3 = arith.constant 0 : i32
    %add3A_4 = arith.addi %mul3A_2, %add3A_3 : i32
    %dma_start3A = arith.constant 0 : i32
    %dma_start3A_5 = arith.constant 0 : i32
    %dma_start3A_6 = arith.constant 0 : i32
    %dma_start3A_7 = arith.constant 0 : i32
    %dma_start3A_8 = tpu.memref_slice %arg5[%dma_start3A, %dma_start3A_6, %dma_start3A_7] : memref<2x16x768xf32, #tpu.memory_space<vmem>> -> memref<1x16x768xf32, #tpu.memory_space<vmem>>
    %dma_start3A_9 = tpu.memref_squeeze %dma_start3A_8 : memref<1x16x768xf32, #tpu.memory_space<vmem>> -> memref<16x768xf32, #tpu.memory_space<vmem>>
    %dma_start3A_10 = arith.constant 0 : i32
    %dma_start3A_11 = tpu.memref_slice %arg3[%add3A_4, %dma_start3A_10] : memref<8192x768xf32, #tpu.memory_space<hbm>> -> memref<16x768xf32, #tpu.memory_space<hbm>>
    %dma_start3A_12 = tpu.memref_slice %arg8[%dma_start3A_5] : memref<2x!tpu.dma_semaphore, #tpu.memory_space<semaphore_mem>> -> memref<1x!tpu.dma_semaphore, #tpu.memory_space<semaphore_mem>>
    %dma_start3A_13 = tpu.memref_squeeze %dma_start3A_12 : memref<1x!tpu.dma_semaphore, #tpu.memory_space<semaphore_mem>> -> memref<!tpu.dma_semaphore, #tpu.memory_space<semaphore_mem>>
    %dma_start3A_14 = arith.constant 0 : i32
    %dma_start3A_15 = arith.constant 0 : i32
    %dma_start3A_16 = tpu.memref_slice %arg5[%dma_start3A, %dma_start3A_14, %dma_start3A_15] : memref<2x16x768xf32, #tpu.memory_space<vmem>> -> memref<1x16x768xf32, #tpu.memory_space<vmem>>
    %dma_start3A_17 = tpu.memref_squeeze %dma_start3A_16 : memref<1x16x768xf32, #tpu.memory_space<vmem>> -> memref<16x768xf32, #tpu.memory_space<vmem>>
    %dma_start3A_18 = arith.constant 0 : i32
    %dma_start3A_19 = tpu.memref_slice %arg3[%add3A_4, %dma_start3A_18] : memref<8192x768xf32, #tpu.memory_space<hbm>> -> memref<16x768xf32, #tpu.memory_space<hbm>>
    tpu.enqueue_dma source(%dma_start3A_19 : memref<16x768xf32, #tpu.memory_space<hbm>>) target(%dma_start3A_17 : memref<16x768xf32, #tpu.memory_space<vmem>>) target_semaphore(%dma_start3A_13 : memref<!tpu.dma_semaphore, #tpu.memory_space<semaphore_mem>>)
    %add3A_20 = arith.constant 0 : i32
    %add3A_21 = arith.addi %mul3A_2, %add3A_20 : i32
    %dma_start3A_22 = arith.constant 0 : i32
    %dma_start3A_23 = arith.constant 0 : i32
    %dma_start3A_24 = arith.constant 0 : i32
    %dma_start3A_25 = arith.constant 0 : i32
    %dma_start3A_26 = arith.constant 0 : i32
    %dma_start3A_27 = tpu.memref_slice %arg6[%dma_start3A_23, %dma_start3A_25, %dma_start3A_26] : memref<2x16x768xf32, #tpu.memory_space<vmem>> -> memref<1x16x768xf32, #tpu.memory_space<vmem>>
    %dma_start3A_28 = tpu.memref_squeeze %dma_start3A_27 : memref<1x16x768xf32, #tpu.memory_space<vmem>> -> memref<16x768xf32, #tpu.memory_space<vmem>>
    %dma_start3A_29 = arith.constant 0 : i32
    %dma_start3A_30 = tpu.memref_slice %arg2[%dma_start3A_22, %add3A_21, %dma_start3A_29] : memref<4x8192x768xf32, #tpu.memory_space<hbm>> -> memref<1x16x768xf32, #tpu.memory_space<hbm>>
    %dma_start3A_31 = tpu.memref_squeeze %dma_start3A_30 : memref<1x16x768xf32, #tpu.memory_space<hbm>> -> memref<16x768xf32, #tpu.memory_space<hbm>>
    %dma_start3A_32 = tpu.memref_slice %arg9[%dma_start3A_24] : memref<2x!tpu.dma_semaphore, #tpu.memory_space<semaphore_mem>> -> memref<1x!tpu.dma_semaphore, #tpu.memory_space<semaphore_mem>>
    %dma_start3A_33 = tpu.memref_squeeze %dma_start3A_32 : memref<1x!tpu.dma_semaphore, #tpu.memory_space<semaphore_mem>> -> memref<!tpu.dma_semaphore, #tpu.memory_space<semaphore_mem>>
    %dma_start3A_34 = arith.constant 0 : i32
    %dma_start3A_35 = arith.constant 0 : i32
    %dma_start3A_36 = tpu.memref_slice %arg6[%dma_start3A_23, %dma_start3A_34, %dma_start3A_35] : memref<2x16x768xf32, #tpu.memory_space<vmem>> -> memref<1x16x768xf32, #tpu.memory_space<vmem>>
    %dma_start3A_37 = tpu.memref_squeeze %dma_start3A_36 : memref<1x16x768xf32, #tpu.memory_space<vmem>> -> memref<16x768xf32, #tpu.memory_space<vmem>>
    %dma_start3A_38 = arith.constant 0 : i32
    %dma_start3A_39 = tpu.memref_slice %arg2[%dma_start3A_22, %add3A_21, %dma_start3A_38] : memref<4x8192x768xf32, #tpu.memory_space<hbm>> -> memref<1x16x768xf32, #tpu.memory_space<hbm>>
    %dma_start3A_40 = tpu.memref_squeeze %dma_start3A_39 : memref<1x16x768xf32, #tpu.memory_space<hbm>> -> memref<16x768xf32, #tpu.memory_space<hbm>>
    tpu.enqueue_dma source(%dma_start3A_40 : memref<16x768xf32, #tpu.memory_space<hbm>>) target(%dma_start3A_37 : memref<16x768xf32, #tpu.memory_space<vmem>>) target_semaphore(%dma_start3A_33 : memref<!tpu.dma_semaphore, #tpu.memory_space<semaphore_mem>>)
    %scan3A = arith.constant 0 : i32
    %scan3A_41 = arith.constant 0 : i32
    %scan3A_42 = arith.constant 64 : i32
    %scan3A_43 = arith.addi %scan3A_41, %scan3A_42 : i32
    %scan3A_44 = arith.constant 1 : i32
    %scan3A_45 = scf.for %scan3A_88 = %scan3A_41 to %scan3A_43 step %scan3A_44 iter_args(%scan3A_89 = %scan3A) -> (i32)  : i32 {
      %jit3A = arith.constant 4 : i32
      %div3A = arith.divsi %scan3A_88, %jit3A : i32
      %sign3A = arith.constant 0 : i32
      %sign3A_90 = arith.cmpi sgt, %scan3A_88, %sign3A : i32
      %sign3A_91 = arith.extui %sign3A_90 : i1 to i32
      %sign3A_92 = arith.constant 0 : i32
      %sign3A_93 = arith.cmpi slt, %scan3A_88, %sign3A_92 : i32
      %sign3A_94 = arith.extui %sign3A_93 : i1 to i32
      %sign3A_95 = arith.subi %sign3A_91, %sign3A_94 : i32
      %sign3A_96 = arith.constant 0 : i32
      %sign3A_97 = arith.cmpi sgt, %jit3A, %sign3A_96 : i32
      %sign3A_98 = arith.extui %sign3A_97 : i1 to i32
      %sign3A_99 = arith.constant 0 : i32
      %sign3A_100 = arith.cmpi slt, %jit3A, %sign3A_99 : i32
      %sign3A_101 = arith.extui %sign3A_100 : i1 to i32
      %sign3A_102 = arith.subi %sign3A_98, %sign3A_101 : i32
      %ne3A = arith.cmpi ne, %sign3A_95, %sign3A_102 : i32
      %rem3A = arith.remsi %scan3A_88, %jit3A : i32
      %ne3A_103 = arith.constant 0 : i32
      %ne3A_104 = arith.cmpi ne, %rem3A, %ne3A_103 : i32
      %and3A = arith.andi %ne3A, %ne3A_104 : i1
      %sub3A = arith.constant 1 : i32
      %sub3A_105 = arith.subi %div3A, %sub3A : i32
      %select_n3A = arith.select %and3A, %sub3A_105, %div3A : i32
      %jit3A_106 = arith.constant 4 : i32
      %eq3A = arith.constant 0 : i32
      %eq3A_107 = arith.cmpi eq, %jit3A_106, %eq3A : i32
      %jit3A_108 = arith.constant 1 : i32
      %select_n3A_109 = arith.select %eq3A_107, %jit3A_108, %jit3A_106 : i32
      %rem3A_110 = arith.remsi %scan3A_88, %select_n3A_109 : i32
      %ne3A_111 = arith.constant 0 : i32
      %ne3A_112 = arith.cmpi ne, %rem3A_110, %ne3A_111 : i32
      %lt3A = arith.constant 0 : i32
      %lt3A_113 = arith.cmpi slt, %rem3A_110, %lt3A : i32
      %lt3A_114 = arith.constant 0 : i32
      %lt3A_115 = arith.cmpi slt, %select_n3A_109, %lt3A_114 : i32
      %ne3A_116 = arith.xori %lt3A_113, %lt3A_115 : i1
      %and3A_117 = arith.andi %ne3A_116, %ne3A_112 : i1
      %add3A_118 = arith.addi %rem3A_110, %select_n3A_109 : i32
      %select_n3A_119 = arith.select %and3A_117, %add3A_118, %rem3A_110 : i32
      %jit3A_120 = arith.constant 2 : i32
      %eq3A_121 = arith.constant 0 : i32
      %eq3A_122 = arith.cmpi eq, %jit3A_120, %eq3A_121 : i32
      %jit3A_123 = arith.constant 1 : i32
      %select_n3A_124 = arith.select %eq3A_122, %jit3A_123, %jit3A_120 : i32
      %rem3A_125 = arith.remsi %scan3A_88, %select_n3A_124 : i32
      %ne3A_126 = arith.constant 0 : i32
      %ne3A_127 = arith.cmpi ne, %rem3A_125, %ne3A_126 : i32
      %lt3A_128 = arith.constant 0 : i32
      %lt3A_129 = arith.cmpi slt, %rem3A_125, %lt3A_128 : i32
      %lt3A_130 = arith.constant 0 : i32
      %lt3A_131 = arith.cmpi slt, %select_n3A_124, %lt3A_130 : i32
      %ne3A_132 = arith.xori %lt3A_129, %lt3A_131 : i1
      %and3A_133 = arith.andi %ne3A_132, %ne3A_127 : i1
      %add3A_134 = arith.addi %rem3A_125, %select_n3A_124 : i32
      %select_n3A_135 = arith.select %and3A_133, %add3A_134, %rem3A_125 : i32
      %jit3A_136 = arith.constant 2 : i32
      %eq3A_137 = arith.constant 0 : i32
      %eq3A_138 = arith.cmpi eq, %jit3A_136, %eq3A_137 : i32
      %jit3A_139 = arith.constant 1 : i32
      %select_n3A_140 = arith.select %eq3A_138, %jit3A_139, %jit3A_136 : i32
      %rem3A_141 = arith.remsi %select_n3A, %select_n3A_140 : i32
      %ne3A_142 = arith.constant 0 : i32
      %ne3A_143 = arith.cmpi ne, %rem3A_141, %ne3A_142 : i32
      %lt3A_144 = arith.constant 0 : i32
      %lt3A_145 = arith.cmpi slt, %rem3A_141, %lt3A_144 : i32
      %lt3A_146 = arith.constant 0 : i32
      %lt3A_147 = arith.cmpi slt, %select_n3A_140, %lt3A_146 : i32
      %ne3A_148 = arith.xori %lt3A_145, %lt3A_147 : i1
      %and3A_149 = arith.andi %ne3A_148, %ne3A_143 : i1
      %add3A_150 = arith.addi %rem3A_141, %select_n3A_140 : i32
      %select_n3A_151 = arith.select %and3A_149, %add3A_150, %rem3A_141 : i32
      %add3A_152 = arith.constant 1 : i32
      %add3A_153 = arith.addi %scan3A_88, %add3A_152 : i32
      %lt3A_154 = arith.constant 64 : i32
      %lt3A_155 = arith.cmpi slt, %add3A_153, %lt3A_154 : i32
      %convert_element_type3A = arith.extui %lt3A_155 : i1 to i32
      %cond3A = arith.constant 0 : i32
      %cond3A_156 = arith.cmpi ne, %convert_element_type3A, %cond3A : i32
      scf.if %cond3A_156 {
        %add3A_297 = arith.constant 1 : i32
        %add3A_298 = arith.addi %scan3A_88, %add3A_297 : i32
        %add3A_299 = arith.constant 1 : i32
        %add3A_300 = arith.addi %scan3A_88, %add3A_299 : i32
        %jit3A_301 = arith.constant 2 : i32
        %eq3A_302 = arith.constant 0 : i32
        %eq3A_303 = arith.cmpi eq, %jit3A_301, %eq3A_302 : i32
        %jit3A_304 = arith.constant 1 : i32
        %select_n3A_305 = arith.select %eq3A_303, %jit3A_304, %jit3A_301 : i32
        %rem3A_306 = arith.remsi %add3A_300, %select_n3A_305 : i32
        %ne3A_307 = arith.constant 0 : i32
        %ne3A_308 = arith.cmpi ne, %rem3A_306, %ne3A_307 : i32
        %lt3A_309 = arith.constant 0 : i32
        %lt3A_310 = arith.cmpi slt, %rem3A_306, %lt3A_309 : i32
        %lt3A_311 = arith.constant 0 : i32
        %lt3A_312 = arith.cmpi slt, %select_n3A_305, %lt3A_311 : i32
        %ne3A_313 = arith.xori %lt3A_310, %lt3A_312 : i1
        %and3A_314 = arith.andi %ne3A_313, %ne3A_308 : i1
        %add3A_315 = arith.addi %rem3A_306, %select_n3A_305 : i32
        %select_n3A_316 = arith.select %and3A_314, %add3A_315, %rem3A_306 : i32
        %jit3A_317 = arith.constant 4 : i32
        %div3A_318 = arith.divsi %add3A_298, %jit3A_317 : i32
        %sign3A_319 = arith.constant 0 : i32
        %sign3A_320 = arith.cmpi sgt, %add3A_298, %sign3A_319 : i32
        %sign3A_321 = arith.extui %sign3A_320 : i1 to i32
        %sign3A_322 = arith.constant 0 : i32
        %sign3A_323 = arith.cmpi slt, %add3A_298, %sign3A_322 : i32
        %sign3A_324 = arith.extui %sign3A_323 : i1 to i32
        %sign3A_325 = arith.subi %sign3A_321, %sign3A_324 : i32
        %sign3A_326 = arith.constant 0 : i32
        %sign3A_327 = arith.cmpi sgt, %jit3A_317, %sign3A_326 : i32
        %sign3A_328 = arith.extui %sign3A_327 : i1 to i32
        %sign3A_329 = arith.constant 0 : i32
        %sign3A_330 = arith.cmpi slt, %jit3A_317, %sign3A_329 : i32
        %sign3A_331 = arith.extui %sign3A_330 : i1 to i32
        %sign3A_332 = arith.subi %sign3A_328, %sign3A_331 : i32
        %ne3A_333 = arith.cmpi ne, %sign3A_325, %sign3A_332 : i32
        %rem3A_334 = arith.remsi %add3A_298, %jit3A_317 : i32
        %ne3A_335 = arith.constant 0 : i32
        %ne3A_336 = arith.cmpi ne, %rem3A_334, %ne3A_335 : i32
        %and3A_337 = arith.andi %ne3A_333, %ne3A_336 : i1
        %sub3A_338 = arith.constant 1 : i32
        %sub3A_339 = arith.subi %div3A_318, %sub3A_338 : i32
        %select_n3A_340 = arith.select %and3A_337, %sub3A_339, %div3A_318 : i32
        %mul3A_341 = arith.constant 16 : i32
        %mul3A_342 = arith.muli %select_n3A_340, %mul3A_341 : i32
        %add3A_343 = arith.addi %mul3A_2, %mul3A_342 : i32
        %jit3A_344 = arith.constant 4 : i32
        %eq3A_345 = arith.constant 0 : i32
        %eq3A_346 = arith.cmpi eq, %jit3A_344, %eq3A_345 : i32
        %jit3A_347 = arith.constant 1 : i32
        %select_n3A_348 = arith.select %eq3A_346, %jit3A_347, %jit3A_344 : i32
        %rem3A_349 = arith.remsi %add3A_298, %select_n3A_348 : i32
        %ne3A_350 = arith.constant 0 : i32
        %ne3A_351 = arith.cmpi ne, %rem3A_349, %ne3A_350 : i32
        %lt3A_352 = arith.constant 0 : i32
        %lt3A_353 = arith.cmpi slt, %rem3A_349, %lt3A_352 : i32
        %lt3A_354 = arith.constant 0 : i32
        %lt3A_355 = arith.cmpi slt, %select_n3A_348, %lt3A_354 : i32
        %ne3A_356 = arith.xori %lt3A_353, %lt3A_355 : i1
        %and3A_357 = arith.andi %ne3A_356, %ne3A_351 : i1
        %add3A_358 = arith.addi %rem3A_349, %select_n3A_348 : i32
        %select_n3A_359 = arith.select %and3A_357, %add3A_358, %rem3A_349 : i32
        %dma_start3A_360 = arith.constant 0 : i32
        %dma_start3A_361 = arith.constant 0 : i32
        %dma_start3A_362 = tpu.memref_slice %arg6[%select_n3A_316, %dma_start3A_360, %dma_start3A_361] : memref<2x16x768xf32, #tpu.memory_space<vmem>> -> memref<1x16x768xf32, #tpu.memory_space<vmem>>
        %dma_start3A_363 = tpu.memref_squeeze %dma_start3A_362 : memref<1x16x768xf32, #tpu.memory_space<vmem>> -> memref<16x768xf32, #tpu.memory_space<vmem>>
        %dma_start3A_364 = arith.constant 0 : i32
        %dma_start3A_365 = tpu.memref_slice %arg2[%select_n3A_359, %add3A_343, %dma_start3A_364] : memref<4x8192x768xf32, #tpu.memory_space<hbm>> -> memref<1x16x768xf32, #tpu.memory_space<hbm>>
        %dma_start3A_366 = tpu.memref_squeeze %dma_start3A_365 : memref<1x16x768xf32, #tpu.memory_space<hbm>> -> memref<16x768xf32, #tpu.memory_space<hbm>>
        %dma_start3A_367 = tpu.memref_slice %arg9[%select_n3A_316] : memref<2x!tpu.dma_semaphore, #tpu.memory_space<semaphore_mem>> -> memref<1x!tpu.dma_semaphore, #tpu.memory_space<semaphore_mem>>
        %dma_start3A_368 = tpu.memref_squeeze %dma_start3A_367 : memref<1x!tpu.dma_semaphore, #tpu.memory_space<semaphore_mem>> -> memref<!tpu.dma_semaphore, #tpu.memory_space<semaphore_mem>>
        %dma_start3A_369 = arith.constant 0 : i32
        %dma_start3A_370 = arith.constant 0 : i32
        %dma_start3A_371 = tpu.memref_slice %arg6[%select_n3A_316, %dma_start3A_369, %dma_start3A_370] : memref<2x16x768xf32, #tpu.memory_space<vmem>> -> memref<1x16x768xf32, #tpu.memory_space<vmem>>
        %dma_start3A_372 = tpu.memref_squeeze %dma_start3A_371 : memref<1x16x768xf32, #tpu.memory_space<vmem>> -> memref<16x768xf32, #tpu.memory_space<vmem>>
        %dma_start3A_373 = arith.constant 0 : i32
        %dma_start3A_374 = tpu.memref_slice %arg2[%select_n3A_359, %add3A_343, %dma_start3A_373] : memref<4x8192x768xf32, #tpu.memory_space<hbm>> -> memref<1x16x768xf32, #tpu.memory_space<hbm>>
        %dma_start3A_375 = tpu.memref_squeeze %dma_start3A_374 : memref<1x16x768xf32, #tpu.memory_space<hbm>> -> memref<16x768xf32, #tpu.memory_space<hbm>>
        tpu.enqueue_dma source(%dma_start3A_375 : memref<16x768xf32, #tpu.memory_space<hbm>>) target(%dma_start3A_372 : memref<16x768xf32, #tpu.memory_space<vmem>>) target_semaphore(%dma_start3A_368 : memref<!tpu.dma_semaphore, #tpu.memory_space<semaphore_mem>>)
      } else {
      }
      %eq3A_157 = arith.constant 0 : i32
      %eq3A_158 = arith.cmpi eq, %select_n3A_119, %eq3A_157 : i32
      %add3A_159 = arith.constant 1 : i32
      %add3A_160 = arith.addi %select_n3A, %add3A_159 : i32
      %lt3A_161 = arith.constant 16 : i32
      %lt3A_162 = arith.cmpi slt, %add3A_160, %lt3A_161 : i32
      %and3A_163 = arith.andi %eq3A_158, %lt3A_162 : i1
      %convert_element_type3A_164 = arith.extui %and3A_163 : i1 to i32
      %cond3A_165 = arith.constant 0 : i32
      %cond3A_166 = arith.cmpi ne, %convert_element_type3A_164, %cond3A_165 : i32
      scf.if %cond3A_166 {
        %add3A_297 = arith.constant 1 : i32
        %add3A_298 = arith.addi %select_n3A, %add3A_297 : i32
        %add3A_299 = arith.constant 1 : i32
        %add3A_300 = arith.addi %select_n3A, %add3A_299 : i32
        %jit3A_301 = arith.constant 2 : i32
        %eq3A_302 = arith.constant 0 : i32
        %eq3A_303 = arith.cmpi eq, %jit3A_301, %eq3A_302 : i32
        %jit3A_304 = arith.constant 1 : i32
        %select_n3A_305 = arith.select %eq3A_303, %jit3A_304, %jit3A_301 : i32
        %rem3A_306 = arith.remsi %add3A_300, %select_n3A_305 : i32
        %ne3A_307 = arith.constant 0 : i32
        %ne3A_308 = arith.cmpi ne, %rem3A_306, %ne3A_307 : i32
        %lt3A_309 = arith.constant 0 : i32
        %lt3A_310 = arith.cmpi slt, %rem3A_306, %lt3A_309 : i32
        %lt3A_311 = arith.constant 0 : i32
        %lt3A_312 = arith.cmpi slt, %select_n3A_305, %lt3A_311 : i32
        %ne3A_313 = arith.xori %lt3A_310, %lt3A_312 : i1
        %and3A_314 = arith.andi %ne3A_313, %ne3A_308 : i1
        %add3A_315 = arith.addi %rem3A_306, %select_n3A_305 : i32
        %select_n3A_316 = arith.select %and3A_314, %add3A_315, %rem3A_306 : i32
        %mul3A_317 = arith.constant 16 : i32
        %mul3A_318 = arith.muli %add3A_298, %mul3A_317 : i32
        %add3A_319 = arith.addi %mul3A_2, %mul3A_318 : i32
        %dma_start3A_320 = arith.constant 0 : i32
        %dma_start3A_321 = arith.constant 0 : i32
        %dma_start3A_322 = tpu.memref_slice %arg5[%select_n3A_316, %dma_start3A_320, %dma_start3A_321] : memref<2x16x768xf32, #tpu.memory_space<vmem>> -> memref<1x16x768xf32, #tpu.memory_space<vmem>>
        %dma_start3A_323 = tpu.memref_squeeze %dma_start3A_322 : memref<1x16x768xf32, #tpu.memory_space<vmem>> -> memref<16x768xf32, #tpu.memory_space<vmem>>
        %dma_start3A_324 = arith.constant 0 : i32
        %dma_start3A_325 = tpu.memref_slice %arg3[%add3A_319, %dma_start3A_324] : memref<8192x768xf32, #tpu.memory_space<hbm>> -> memref<16x768xf32, #tpu.memory_space<hbm>>
        %dma_start3A_326 = tpu.memref_slice %arg8[%select_n3A_316] : memref<2x!tpu.dma_semaphore, #tpu.memory_space<semaphore_mem>> -> memref<1x!tpu.dma_semaphore, #tpu.memory_space<semaphore_mem>>
        %dma_start3A_327 = tpu.memref_squeeze %dma_start3A_326 : memref<1x!tpu.dma_semaphore, #tpu.memory_space<semaphore_mem>> -> memref<!tpu.dma_semaphore, #tpu.memory_space<semaphore_mem>>
        %dma_start3A_328 = arith.constant 0 : i32
        %dma_start3A_329 = arith.constant 0 : i32
        %dma_start3A_330 = tpu.memref_slice %arg5[%select_n3A_316, %dma_start3A_328, %dma_start3A_329] : memref<2x16x768xf32, #tpu.memory_space<vmem>> -> memref<1x16x768xf32, #tpu.memory_space<vmem>>
        %dma_start3A_331 = tpu.memref_squeeze %dma_start3A_330 : memref<1x16x768xf32, #tpu.memory_space<vmem>> -> memref<16x768xf32, #tpu.memory_space<vmem>>
        %dma_start3A_332 = arith.constant 0 : i32
        %dma_start3A_333 = tpu.memref_slice %arg3[%add3A_319, %dma_start3A_332] : memref<8192x768xf32, #tpu.memory_space<hbm>> -> memref<16x768xf32, #tpu.memory_space<hbm>>
        tpu.enqueue_dma source(%dma_start3A_333 : memref<16x768xf32, #tpu.memory_space<hbm>>) target(%dma_start3A_331 : memref<16x768xf32, #tpu.memory_space<vmem>>) target_semaphore(%dma_start3A_327 : memref<!tpu.dma_semaphore, #tpu.memory_space<semaphore_mem>>)
      } else {
      }
      %jit3A_167 = arith.constant 4 : i32
      %div3A_168 = arith.divsi %scan3A_88, %jit3A_167 : i32
      %sign3A_169 = arith.constant 0 : i32
      %sign3A_170 = arith.cmpi sgt, %scan3A_88, %sign3A_169 : i32
      %sign3A_171 = arith.extui %sign3A_170 : i1 to i32
      %sign3A_172 = arith.constant 0 : i32
      %sign3A_173 = arith.cmpi slt, %scan3A_88, %sign3A_172 : i32
      %sign3A_174 = arith.extui %sign3A_173 : i1 to i32
      %sign3A_175 = arith.subi %sign3A_171, %sign3A_174 : i32
      %sign3A_176 = arith.constant 0 : i32
      %sign3A_177 = arith.cmpi sgt, %jit3A_167, %sign3A_176 : i32
      %sign3A_178 = arith.extui %sign3A_177 : i1 to i32
      %sign3A_179 = arith.constant 0 : i32
      %sign3A_180 = arith.cmpi slt, %jit3A_167, %sign3A_179 : i32
      %sign3A_181 = arith.extui %sign3A_180 : i1 to i32
      %sign3A_182 = arith.subi %sign3A_178, %sign3A_181 : i32
      %ne3A_183 = arith.cmpi ne, %sign3A_175, %sign3A_182 : i32
      %rem3A_184 = arith.remsi %scan3A_88, %jit3A_167 : i32
      %ne3A_185 = arith.constant 0 : i32
      %ne3A_186 = arith.cmpi ne, %rem3A_184, %ne3A_185 : i32
      %and3A_187 = arith.andi %ne3A_183, %ne3A_186 : i1
      %sub3A_188 = arith.constant 1 : i32
      %sub3A_189 = arith.subi %div3A_168, %sub3A_188 : i32
      %select_n3A_190 = arith.select %and3A_187, %sub3A_189, %div3A_168 : i32
      %mul3A_191 = arith.constant 16 : i32
      %mul3A_192 = arith.muli %select_n3A_190, %mul3A_191 : i32
      %add3A_193 = arith.addi %mul3A_2, %mul3A_192 : i32
      %jit3A_194 = arith.constant 4 : i32
      %eq3A_195 = arith.constant 0 : i32
      %eq3A_196 = arith.cmpi eq, %jit3A_194, %eq3A_195 : i32
      %jit3A_197 = arith.constant 1 : i32
      %select_n3A_198 = arith.select %eq3A_196, %jit3A_197, %jit3A_194 : i32
      %rem3A_199 = arith.remsi %scan3A_88, %select_n3A_198 : i32
      %ne3A_200 = arith.constant 0 : i32
      %ne3A_201 = arith.cmpi ne, %rem3A_199, %ne3A_200 : i32
      %lt3A_202 = arith.constant 0 : i32
      %lt3A_203 = arith.cmpi slt, %rem3A_199, %lt3A_202 : i32
      %lt3A_204 = arith.constant 0 : i32
      %lt3A_205 = arith.cmpi slt, %select_n3A_198, %lt3A_204 : i32
      %ne3A_206 = arith.xori %lt3A_203, %lt3A_205 : i1
      %and3A_207 = arith.andi %ne3A_206, %ne3A_201 : i1
      %add3A_208 = arith.addi %rem3A_199, %select_n3A_198 : i32
      %select_n3A_209 = arith.select %and3A_207, %add3A_208, %rem3A_199 : i32
      %dma_wait3A_210 = arith.constant 0 : i32
      %dma_wait3A_211 = arith.constant 0 : i32
      %dma_wait3A_212 = tpu.memref_slice %arg6[%select_n3A_135, %dma_wait3A_210, %dma_wait3A_211] : memref<2x16x768xf32, #tpu.memory_space<vmem>> -> memref<1x16x768xf32, #tpu.memory_space<vmem>>
      %dma_wait3A_213 = tpu.memref_squeeze %dma_wait3A_212 : memref<1x16x768xf32, #tpu.memory_space<vmem>> -> memref<16x768xf32, #tpu.memory_space<vmem>>
      %dma_wait3A_214 = arith.constant 0 : i32
      %dma_wait3A_215 = tpu.memref_slice %arg2[%select_n3A_209, %add3A_193, %dma_wait3A_214] : memref<4x8192x768xf32, #tpu.memory_space<hbm>> -> memref<1x16x768xf32, #tpu.memory_space<hbm>>
      %dma_wait3A_216 = tpu.memref_squeeze %dma_wait3A_215 : memref<1x16x768xf32, #tpu.memory_space<hbm>> -> memref<16x768xf32, #tpu.memory_space<hbm>>
      %dma_wait3A_217 = tpu.memref_slice %arg9[%select_n3A_135] : memref<2x!tpu.dma_semaphore, #tpu.memory_space<semaphore_mem>> -> memref<1x!tpu.dma_semaphore, #tpu.memory_space<semaphore_mem>>
      %dma_wait3A_218 = tpu.memref_squeeze %dma_wait3A_217 : memref<1x!tpu.dma_semaphore, #tpu.memory_space<semaphore_mem>> -> memref<!tpu.dma_semaphore, #tpu.memory_space<semaphore_mem>>
      %dma_wait3A_219 = arith.constant 0 : i32
      %dma_wait3A_220 = arith.constant 0 : i32
      %dma_wait3A_221 = tpu.memref_slice %arg6[%select_n3A_135, %dma_wait3A_219, %dma_wait3A_220] : memref<2x16x768xf32, #tpu.memory_space<vmem>> -> memref<1x16x768xf32, #tpu.memory_space<vmem>>
      %dma_wait3A_222 = tpu.memref_squeeze %dma_wait3A_221 : memref<1x16x768xf32, #tpu.memory_space<vmem>> -> memref<16x768xf32, #tpu.memory_space<vmem>>
      %dma_wait3A_223 = arith.constant 0 : i32
      %dma_wait3A_224 = tpu.memref_slice %arg2[%select_n3A_209, %add3A_193, %dma_wait3A_223] : memref<4x8192x768xf32, #tpu.memory_space<hbm>> -> memref<1x16x768xf32, #tpu.memory_space<hbm>>
      %dma_wait3A_225 = tpu.memref_squeeze %dma_wait3A_224 : memref<1x16x768xf32, #tpu.memory_space<hbm>> -> memref<16x768xf32, #tpu.memory_space<hbm>>
      tpu.wait_dma2 semaphore(%dma_wait3A_218 : memref<!tpu.dma_semaphore, #tpu.memory_space<semaphore_mem>>) src(%dma_wait3A_225 : memref<16x768xf32, #tpu.memory_space<hbm>>) dst(%dma_wait3A_222 : memref<16x768xf32, #tpu.memory_space<vmem>>)
      %eq3A_226 = arith.constant 0 : i32
      %eq3A_227 = arith.cmpi eq, %select_n3A_119, %eq3A_226 : i32
      %convert_element_type3A_228 = arith.extui %eq3A_227 : i1 to i32
      %cond3A_229 = arith.constant 0 : i32
      %cond3A_230 = arith.cmpi ne, %convert_element_type3A_228, %cond3A_229 : i32
      scf.if %cond3A_230 {
        %mul3A_297 = arith.constant 16 : i32
        %mul3A_298 = arith.muli %select_n3A, %mul3A_297 : i32
        %add3A_299 = arith.addi %mul3A_2, %mul3A_298 : i32
        %dma_wait3A_300 = arith.constant 0 : i32
        %dma_wait3A_301 = arith.constant 0 : i32
        %dma_wait3A_302 = tpu.memref_slice %arg5[%select_n3A_151, %dma_wait3A_300, %dma_wait3A_301] : memref<2x16x768xf32, #tpu.memory_space<vmem>> -> memref<1x16x768xf32, #tpu.memory_space<vmem>>
        %dma_wait3A_303 = tpu.memref_squeeze %dma_wait3A_302 : memref<1x16x768xf32, #tpu.memory_space<vmem>> -> memref<16x768xf32, #tpu.memory_space<vmem>>
        %dma_wait3A_304 = arith.constant 0 : i32
        %dma_wait3A_305 = tpu.memref_slice %arg3[%add3A_299, %dma_wait3A_304] : memref<8192x768xf32, #tpu.memory_space<hbm>> -> memref<16x768xf32, #tpu.memory_space<hbm>>
        %dma_wait3A_306 = tpu.memref_slice %arg8[%select_n3A_151] : memref<2x!tpu.dma_semaphore, #tpu.memory_space<semaphore_mem>> -> memref<1x!tpu.dma_semaphore, #tpu.memory_space<semaphore_mem>>
        %dma_wait3A_307 = tpu.memref_squeeze %dma_wait3A_306 : memref<1x!tpu.dma_semaphore, #tpu.memory_space<semaphore_mem>> -> memref<!tpu.dma_semaphore, #tpu.memory_space<semaphore_mem>>
        %dma_wait3A_308 = arith.constant 0 : i32
        %dma_wait3A_309 = arith.constant 0 : i32
        %dma_wait3A_310 = tpu.memref_slice %arg5[%select_n3A_151, %dma_wait3A_308, %dma_wait3A_309] : memref<2x16x768xf32, #tpu.memory_space<vmem>> -> memref<1x16x768xf32, #tpu.memory_space<vmem>>
        %dma_wait3A_311 = tpu.memref_squeeze %dma_wait3A_310 : memref<1x16x768xf32, #tpu.memory_space<vmem>> -> memref<16x768xf32, #tpu.memory_space<vmem>>
        %dma_wait3A_312 = arith.constant 0 : i32
        %dma_wait3A_313 = tpu.memref_slice %arg3[%add3A_299, %dma_wait3A_312] : memref<8192x768xf32, #tpu.memory_space<hbm>> -> memref<16x768xf32, #tpu.memory_space<hbm>>
        tpu.wait_dma2 semaphore(%dma_wait3A_307 : memref<!tpu.dma_semaphore, #tpu.memory_space<semaphore_mem>>) src(%dma_wait3A_313 : memref<16x768xf32, #tpu.memory_space<hbm>>) dst(%dma_wait3A_311 : memref<16x768xf32, #tpu.memory_space<vmem>>)
      } else {
      }
      %ge3A = arith.constant 2 : i32
      %ge3A_231 = arith.cmpi sge, %scan3A_88, %ge3A : i32
      %convert_element_type3A_232 = arith.extui %ge3A_231 : i1 to i32
      %cond3A_233 = arith.constant 0 : i32
      %cond3A_234 = arith.cmpi ne, %convert_element_type3A_232, %cond3A_233 : i32
      scf.if %cond3A_234 {
        %sub3A_297 = arith.constant 2 : i32
        %sub3A_298 = arith.subi %scan3A_88, %sub3A_297 : i32
        %jit3A_299 = arith.constant 4 : i32
        %div3A_300 = arith.divsi %sub3A_298, %jit3A_299 : i32
        %sign3A_301 = arith.constant 0 : i32
        %sign3A_302 = arith.cmpi sgt, %sub3A_298, %sign3A_301 : i32
        %sign3A_303 = arith.extui %sign3A_302 : i1 to i32
        %sign3A_304 = arith.constant 0 : i32
        %sign3A_305 = arith.cmpi slt, %sub3A_298, %sign3A_304 : i32
        %sign3A_306 = arith.extui %sign3A_305 : i1 to i32
        %sign3A_307 = arith.subi %sign3A_303, %sign3A_306 : i32
        %sign3A_308 = arith.constant 0 : i32
        %sign3A_309 = arith.cmpi sgt, %jit3A_299, %sign3A_308 : i32
        %sign3A_310 = arith.extui %sign3A_309 : i1 to i32
        %sign3A_311 = arith.constant 0 : i32
        %sign3A_312 = arith.cmpi slt, %jit3A_299, %sign3A_311 : i32
        %sign3A_313 = arith.extui %sign3A_312 : i1 to i32
        %sign3A_314 = arith.subi %sign3A_310, %sign3A_313 : i32
        %ne3A_315 = arith.cmpi ne, %sign3A_307, %sign3A_314 : i32
        %rem3A_316 = arith.remsi %sub3A_298, %jit3A_299 : i32
        %ne3A_317 = arith.constant 0 : i32
        %ne3A_318 = arith.cmpi ne, %rem3A_316, %ne3A_317 : i32
        %and3A_319 = arith.andi %ne3A_315, %ne3A_318 : i1
        %sub3A_320 = arith.constant 1 : i32
        %sub3A_321 = arith.subi %div3A_300, %sub3A_320 : i32
        %select_n3A_322 = arith.select %and3A_319, %sub3A_321, %div3A_300 : i32
        %mul3A_323 = arith.constant 16 : i32
        %mul3A_324 = arith.muli %select_n3A_322, %mul3A_323 : i32
        %add3A_325 = arith.addi %mul3A_2, %mul3A_324 : i32
        %jit3A_326 = arith.constant 4 : i32
        %eq3A_327 = arith.constant 0 : i32
        %eq3A_328 = arith.cmpi eq, %jit3A_326, %eq3A_327 : i32
        %jit3A_329 = arith.constant 1 : i32
        %select_n3A_330 = arith.select %eq3A_328, %jit3A_329, %jit3A_326 : i32
        %rem3A_331 = arith.remsi %sub3A_298, %select_n3A_330 : i32
        %ne3A_332 = arith.constant 0 : i32
        %ne3A_333 = arith.cmpi ne, %rem3A_331, %ne3A_332 : i32
        %lt3A_334 = arith.constant 0 : i32
        %lt3A_335 = arith.cmpi slt, %rem3A_331, %lt3A_334 : i32
        %lt3A_336 = arith.constant 0 : i32
        %lt3A_337 = arith.cmpi slt, %select_n3A_330, %lt3A_336 : i32
        %ne3A_338 = arith.xori %lt3A_335, %lt3A_337 : i1
        %and3A_339 = arith.andi %ne3A_338, %ne3A_333 : i1
        %add3A_340 = arith.addi %rem3A_331, %select_n3A_330 : i32
        %select_n3A_341 = arith.select %and3A_339, %add3A_340, %rem3A_331 : i32
        %dma_wait3A_342 = arith.constant 0 : i32
        %dma_wait3A_343 = arith.constant 0 : i32
        %dma_wait3A_344 = tpu.memref_slice %arg7[%select_n3A_135, %dma_wait3A_342, %dma_wait3A_343] : memref<2x16x768xf32, #tpu.memory_space<vmem>> -> memref<1x16x768xf32, #tpu.memory_space<vmem>>
        %dma_wait3A_345 = tpu.memref_squeeze %dma_wait3A_344 : memref<1x16x768xf32, #tpu.memory_space<vmem>> -> memref<16x768xf32, #tpu.memory_space<vmem>>
        %dma_wait3A_346 = arith.constant 0 : i32
        %dma_wait3A_347 = tpu.memref_slice %arg4[%select_n3A_341, %add3A_325, %dma_wait3A_346] : memref<4x8192x768xf32, #tpu.memory_space<hbm>> -> memref<1x16x768xf32, #tpu.memory_space<hbm>>
        %dma_wait3A_348 = tpu.memref_squeeze %dma_wait3A_347 : memref<1x16x768xf32, #tpu.memory_space<hbm>> -> memref<16x768xf32, #tpu.memory_space<hbm>>
        %dma_wait3A_349 = tpu.memref_slice %arg10[%select_n3A_135] : memref<2x!tpu.dma_semaphore, #tpu.memory_space<semaphore_mem>> -> memref<1x!tpu.dma_semaphore, #tpu.memory_space<semaphore_mem>>
        %dma_wait3A_350 = tpu.memref_squeeze %dma_wait3A_349 : memref<1x!tpu.dma_semaphore, #tpu.memory_space<semaphore_mem>> -> memref<!tpu.dma_semaphore, #tpu.memory_space<semaphore_mem>>
        %dma_wait3A_351 = arith.constant 0 : i32
        %dma_wait3A_352 = tpu.memref_slice %arg4[%select_n3A_341, %add3A_325, %dma_wait3A_351] : memref<4x8192x768xf32, #tpu.memory_space<hbm>> -> memref<1x16x768xf32, #tpu.memory_space<hbm>>
        %dma_wait3A_353 = tpu.memref_squeeze %dma_wait3A_352 : memref<1x16x768xf32, #tpu.memory_space<hbm>> -> memref<16x768xf32, #tpu.memory_space<hbm>>
        %dma_wait3A_354 = arith.constant 0 : i32
        %dma_wait3A_355 = arith.constant 0 : i32
        %dma_wait3A_356 = tpu.memref_slice %arg7[%select_n3A_135, %dma_wait3A_354, %dma_wait3A_355] : memref<2x16x768xf32, #tpu.memory_space<vmem>> -> memref<1x16x768xf32, #tpu.memory_space<vmem>>
        %dma_wait3A_357 = tpu.memref_squeeze %dma_wait3A_356 : memref<1x16x768xf32, #tpu.memory_space<vmem>> -> memref<16x768xf32, #tpu.memory_space<vmem>>
        tpu.wait_dma2 semaphore(%dma_wait3A_350 : memref<!tpu.dma_semaphore, #tpu.memory_space<semaphore_mem>>) src(%dma_wait3A_357 : memref<16x768xf32, #tpu.memory_space<vmem>>) dst(%dma_wait3A_353 : memref<16x768xf32, #tpu.memory_space<hbm>>)
      } else {
      }
      %parallel_loop3A = arith.constant 0 : i32
      %parallel_loop3A_235 = arith.constant 16 : i32
      %parallel_loop3A_236 = arith.constant 1 : i32
      scf.for %parallel_loop3A_297 = %parallel_loop3A to %parallel_loop3A_235 step %parallel_loop3A_236  : i32 {
        %parallel_loop3A_298 = arith.index_cast %select_n3A_135 : i32 to index
        %parallel_loop3A_299 = arith.index_cast %parallel_loop3A_297 : i32 to index
        %parallel_loop3A_300 = arith.constant 0 : index
        %parallel_loop3A_301 = tpu.vector_load %arg6[%parallel_loop3A_298, %parallel_loop3A_299, %parallel_loop3A_300] {strides = array<i32>} : memref<2x16x768xf32, #tpu.memory_space<vmem>>, vector<1x1x16xf32>,
        %parallel_loop3A_302 = vector.shape_cast %parallel_loop3A_301 : vector<1x1x16xf32> to vector<16xf32>
        %parallel_loop3A_303 = arith.index_cast %select_n3A_151 : i32 to index
        %parallel_loop3A_304 = arith.index_cast %parallel_loop3A_297 : i32 to index
        %parallel_loop3A_305 = arith.constant 0 : index
        %parallel_loop3A_306 = tpu.vector_load %arg5[%parallel_loop3A_303, %parallel_loop3A_304, %parallel_loop3A_305] {strides = array<i32>} : memref<2x16x768xf32, #tpu.memory_space<vmem>>, vector<1x1x16xf32>,
        %parallel_loop3A_307 = vector.shape_cast %parallel_loop3A_306 : vector<1x1x16xf32> to vector<16xf32>
        %parallel_loop3A_308 = arith.addf %parallel_loop3A_302, %parallel_loop3A_307 : vector<16xf32>
        %parallel_loop3A_309 = arith.index_cast %select_n3A_135 : i32 to index
        %parallel_loop3A_310 = arith.index_cast %parallel_loop3A_297 : i32 to index
        %parallel_loop3A_311 = arith.constant 0 : index
        %parallel_loop3A_312 = tpu.vector_load %arg7[%parallel_loop3A_309, %parallel_loop3A_310, %parallel_loop3A_311] {strides = array<i32>} : memref<2x16x768xf32, #tpu.memory_space<vmem>>, vector<1x1x16xf32>,
        %parallel_loop3A_313 = vector.shape_cast %parallel_loop3A_312 : vector<1x1x16xf32> to vector<16xf32>
        %parallel_loop3A_314 = vector.shape_cast %parallel_loop3A_308 : vector<16xf32> to vector<1x1x16xf32>
        tpu.vector_store %arg7[%parallel_loop3A_309, %parallel_loop3A_310, %parallel_loop3A_311], %parallel_loop3A_314 {strides = array<i32>} : memref<2x16x768xf32, #tpu.memory_space<vmem>>, vector<1x1x16xf32>,
        %parallel_loop3A_315 = arith.index_cast %select_n3A_135 : i32 to index
        %parallel_loop3A_316 = arith.index_cast %parallel_loop3A_297 : i32 to index
        %parallel_loop3A_317 = arith.constant 16 : index
        %parallel_loop3A_318 = tpu.vector_load %arg6[%parallel_loop3A_315, %parallel_loop3A_316, %parallel_loop3A_317] {strides = array<i32>} : memref<2x16x768xf32, #tpu.memory_space<vmem>>, vector<1x1x16xf32>,
        %parallel_loop3A_319 = vector.shape_cast %parallel_loop3A_318 : vector<1x1x16xf32> to vector<16xf32>
        %parallel_loop3A_320 = arith.index_cast %select_n3A_151 : i32 to index
        %parallel_loop3A_321 = arith.index_cast %parallel_loop3A_297 : i32 to index
        %parallel_loop3A_322 = arith.constant 16 : index
        %parallel_loop3A_323 = tpu.vector_load %arg5[%parallel_loop3A_320, %parallel_loop3A_321, %parallel_loop3A_322] {strides = array<i32>} : memref<2x16x768xf32, #tpu.memory_space<vmem>>, vector<1x1x16xf32>,
        %parallel_loop3A_324 = vector.shape_cast %parallel_loop3A_323 : vector<1x1x16xf32> to vector<16xf32>
        %parallel_loop3A_325 = arith.addf %parallel_loop3A_319, %parallel_loop3A_324 : vector<16xf32>
        %parallel_loop3A_326 = arith.index_cast %select_n3A_135 : i32 to index
        %parallel_loop3A_327 = arith.index_cast %parallel_loop3A_297 : i32 to index
        %parallel_loop3A_328 = arith.constant 16 : index
        %parallel_loop3A_329 = tpu.vector_load %arg7[%parallel_loop3A_326, %parallel_loop3A_327, %parallel_loop3A_328] {strides = array<i32>} : memref<2x16x768xf32, #tpu.memory_space<vmem>>, vector<1x1x16xf32>,
        %parallel_loop3A_330 = vector.shape_cast %parallel_loop3A_329 : vector<1x1x16xf32> to vector<16xf32>
        %parallel_loop3A_331 = vector.shape_cast %parallel_loop3A_325 : vector<16xf32> to vector<1x1x16xf32>
        tpu.vector_store %arg7[%parallel_loop3A_326, %parallel_loop3A_327, %parallel_loop3A_328], %parallel_loop3A_331 {strides = array<i32>} : memref<2x16x768xf32, #tpu.memory_space<vmem>>, vector<1x1x16xf32>,
        %parallel_loop3A_332 = arith.index_cast %select_n3A_135 : i32 to index
        %parallel_loop3A_333 = arith.index_cast %parallel_loop3A_297 : i32 to index
        %parallel_loop3A_334 = arith.constant 32 : index
        %parallel_loop3A_335 = tpu.vector_load %arg6[%parallel_loop3A_332, %parallel_loop3A_333, %parallel_loop3A_334] {strides = array<i32>} : memref<2x16x768xf32, #tpu.memory_space<vmem>>, vector<1x1x16xf32>,
        %parallel_loop3A_336 = vector.shape_cast %parallel_loop3A_335 : vector<1x1x16xf32> to vector<16xf32>
        %parallel_loop3A_337 = arith.index_cast %select_n3A_151 : i32 to index
        %parallel_loop3A_338 = arith.index_cast %parallel_loop3A_297 : i32 to index
        %parallel_loop3A_339 = arith.constant 32 : index
        %parallel_loop3A_340 = tpu.vector_load %arg5[%parallel_loop3A_337, %parallel_loop3A_338, %parallel_loop3A_339] {strides = array<i32>} : memref<2x16x768xf32, #tpu.memory_space<vmem>>, vector<1x1x16xf32>,
        %parallel_loop3A_341 = vector.shape_cast %parallel_loop3A_340 : vector<1x1x16xf32> to vector<16xf32>
        %parallel_loop3A_342 = arith.addf %parallel_loop3A_336, %parallel_loop3A_341 : vector<16xf32>
        %parallel_loop3A_343 = arith.index_cast %select_n3A_135 : i32 to index
        %parallel_loop3A_344 = arith.index_cast %parallel_loop3A_297 : i32 to index
        %parallel_loop3A_345 = arith.constant 32 : index
        %parallel_loop3A_346 = tpu.vector_load %arg7[%parallel_loop3A_343, %parallel_loop3A_344, %parallel_loop3A_345] {strides = array<i32>} : memref<2x16x768xf32, #tpu.memory_space<vmem>>, vector<1x1x16xf32>,
        %parallel_loop3A_347 = vector.shape_cast %parallel_loop3A_346 : vector<1x1x16xf32> to vector<16xf32>
        %parallel_loop3A_348 = vector.shape_cast %parallel_loop3A_342 : vector<16xf32> to vector<1x1x16xf32>
        tpu.vector_store %arg7[%parallel_loop3A_343, %parallel_loop3A_344, %parallel_loop3A_345], %parallel_loop3A_348 {strides = array<i32>} : memref<2x16x768xf32, #tpu.memory_space<vmem>>, vector<1x1x16xf32>,
        %parallel_loop3A_349 = arith.index_cast %select_n3A_135 : i32 to index
        %parallel_loop3A_350 = arith.index_cast %parallel_loop3A_297 : i32 to index
        %parallel_loop3A_351 = arith.constant 48 : index
        %parallel_loop3A_352 = tpu.vector_load %arg6[%parallel_loop3A_349, %parallel_loop3A_350, %parallel_loop3A_351] {strides = array<i32>} : memref<2x16x768xf32, #tpu.memory_space<vmem>>, vector<1x1x16xf32>,
        %parallel_loop3A_353 = vector.shape_cast %parallel_loop3A_352 : vector<1x1x16xf32> to vector<16xf32>
        %parallel_loop3A_354 = arith.index_cast %select_n3A_151 : i32 to index
        %parallel_loop3A_355 = arith.index_cast %parallel_loop3A_297 : i32 to index
        %parallel_loop3A_356 = arith.constant 48 : index
        %parallel_loop3A_357 = tpu.vector_load %arg5[%parallel_loop3A_354, %parallel_loop3A_355, %parallel_loop3A_356] {strides = array<i32>} : memref<2x16x768xf32, #tpu.memory_space<vmem>>, vector<1x1x16xf32>,
        %parallel_loop3A_358 = vector.shape_cast %parallel_loop3A_357 : vector<1x1x16xf32> to vector<16xf32>
        %parallel_loop3A_359 = arith.addf %parallel_loop3A_353, %parallel_loop3A_358 : vector<16xf32>
        %parallel_loop3A_360 = arith.index_cast %select_n3A_135 : i32 to index
        %parallel_loop3A_361 = arith.index_cast %parallel_loop3A_297 : i32 to index
        %parallel_loop3A_362 = arith.constant 48 : index
        %parallel_loop3A_363 = tpu.vector_load %arg7[%parallel_loop3A_360, %parallel_loop3A_361, %parallel_loop3A_362] {strides = array<i32>} : memref<2x16x768xf32, #tpu.memory_space<vmem>>, vector<1x1x16xf32>,
        %parallel_loop3A_364 = vector.shape_cast %parallel_loop3A_363 : vector<1x1x16xf32> to vector<16xf32>
        %parallel_loop3A_365 = vector.shape_cast %parallel_loop3A_359 : vector<16xf32> to vector<1x1x16xf32>
        tpu.vector_store %arg7[%parallel_loop3A_360, %parallel_loop3A_361, %parallel_loop3A_362], %parallel_loop3A_365 {strides = array<i32>} : memref<2x16x768xf32, #tpu.memory_space<vmem>>, vector<1x1x16xf32>,
        %parallel_loop3A_366 = arith.index_cast %select_n3A_135 : i32 to index
        %parallel_loop3A_367 = arith.index_cast %parallel_loop3A_297 : i32 to index
        %parallel_loop3A_368 = arith.constant 64 : index
        %parallel_loop3A_369 = tpu.vector_load %arg6[%parallel_loop3A_366, %parallel_loop3A_367, %parallel_loop3A_368] {strides = array<i32>} : memref<2x16x768xf32, #tpu.memory_space<vmem>>, vector<1x1x16xf32>,
        %parallel_loop3A_370 = vector.shape_cast %parallel_loop3A_369 : vector<1x1x16xf32> to vector<16xf32>
        %parallel_loop3A_371 = arith.index_cast %select_n3A_151 : i32 to index
        %parallel_loop3A_372 = arith.index_cast %parallel_loop3A_297 : i32 to index
        %parallel_loop3A_373 = arith.constant 64 : index
        %parallel_loop3A_374 = tpu.vector_load %arg5[%parallel_loop3A_371, %parallel_loop3A_372, %parallel_loop3A_373] {strides = array<i32>} : memref<2x16x768xf32, #tpu.memory_space<vmem>>, vector<1x1x16xf32>,
        %parallel_loop3A_375 = vector.shape_cast %parallel_loop3A_374 : vector<1x1x16xf32> to vector<16xf32>
        %parallel_loop3A_376 = arith.addf %parallel_loop3A_370, %parallel_loop3A_375 : vector<16xf32>
        %parallel_loop3A_377 = arith.index_cast %select_n3A_135 : i32 to index
        %parallel_loop3A_378 = arith.index_cast %parallel_loop3A_297 : i32 to index
        %parallel_loop3A_379 = arith.constant 64 : index
        %parallel_loop3A_380 = tpu.vector_load %arg7[%parallel_loop3A_377, %parallel_loop3A_378, %parallel_loop3A_379] {strides = array<i32>} : memref<2x16x768xf32, #tpu.memory_space<vmem>>, vector<1x1x16xf32>,
        %parallel_loop3A_381 = vector.shape_cast %parallel_loop3A_380 : vector<1x1x16xf32> to vector<16xf32>
        %parallel_loop3A_382 = vector.shape_cast %parallel_loop3A_376 : vector<16xf32> to vector<1x1x16xf32>
        tpu.vector_store %arg7[%parallel_loop3A_377, %parallel_loop3A_378, %parallel_loop3A_379], %parallel_loop3A_382 {strides = array<i32>} : memref<2x16x768xf32, #tpu.memory_space<vmem>>, vector<1x1x16xf32>,
        %parallel_loop3A_383 = arith.index_cast %select_n3A_135 : i32 to index
        %parallel_loop3A_384 = arith.index_cast %parallel_loop3A_297 : i32 to index
        %parallel_loop3A_385 = arith.constant 80 : index
        %parallel_loop3A_386 = tpu.vector_load %arg6[%parallel_loop3A_383, %parallel_loop3A_384, %parallel_loop3A_385] {strides = array<i32>} : memref<2x16x768xf32, #tpu.memory_space<vmem>>, vector<1x1x16xf32>,
        %parallel_loop3A_387 = vector.shape_cast %parallel_loop3A_386 : vector<1x1x16xf32> to vector<16xf32>
        %parallel_loop3A_388 = arith.index_cast %select_n3A_151 : i32 to index
        %parallel_loop3A_389 = arith.index_cast %parallel_loop3A_297 : i32 to index
        %parallel_loop3A_390 = arith.constant 80 : index
        %parallel_loop3A_391 = tpu.vector_load %arg5[%parallel_loop3A_388, %parallel_loop3A_389, %parallel_loop3A_390] {strides = array<i32>} : memref<2x16x768xf32, #tpu.memory_space<vmem>>, vector<1x1x16xf32>,
        %parallel_loop3A_392 = vector.shape_cast %parallel_loop3A_391 : vector<1x1x16xf32> to vector<16xf32>
        %parallel_loop3A_393 = arith.addf %parallel_loop3A_387, %parallel_loop3A_392 : vector<16xf32>
        %parallel_loop3A_394 = arith.index_cast %select_n3A_135 : i32 to index
        %parallel_loop3A_395 = arith.index_cast %parallel_loop3A_297 : i32 to index
        %parallel_loop3A_396 = arith.constant 80 : index
        %parallel_loop3A_397 = tpu.vector_load %arg7[%parallel_loop3A_394, %parallel_loop3A_395, %parallel_loop3A_396] {strides = array<i32>} : memref<2x16x768xf32, #tpu.memory_space<vmem>>, vector<1x1x16xf32>,
        %parallel_loop3A_398 = vector.shape_cast %parallel_loop3A_397 : vector<1x1x16xf32> to vector<16xf32>
        %parallel_loop3A_399 = vector.shape_cast %parallel_loop3A_393 : vector<16xf32> to vector<1x1x16xf32>
        tpu.vector_store %arg7[%parallel_loop3A_394, %parallel_loop3A_395, %parallel_loop3A_396], %parallel_loop3A_399 {strides = array<i32>} : memref<2x16x768xf32, #tpu.memory_space<vmem>>, vector<1x1x16xf32>,
        %parallel_loop3A_400 = arith.index_cast %select_n3A_135 : i32 to index
        %parallel_loop3A_401 = arith.index_cast %parallel_loop3A_297 : i32 to index
        %parallel_loop3A_402 = arith.constant 96 : index
        %parallel_loop3A_403 = tpu.vector_load %arg6[%parallel_loop3A_400, %parallel_loop3A_401, %parallel_loop3A_402] {strides = array<i32>} : memref<2x16x768xf32, #tpu.memory_space<vmem>>, vector<1x1x16xf32>,
        %parallel_loop3A_404 = vector.shape_cast %parallel_loop3A_403 : vector<1x1x16xf32> to vector<16xf32>
        %parallel_loop3A_405 = arith.index_cast %select_n3A_151 : i32 to index
        %parallel_loop3A_406 = arith.index_cast %parallel_loop3A_297 : i32 to index
        %parallel_loop3A_407 = arith.constant 96 : index
        %parallel_loop3A_408 = tpu.vector_load %arg5[%parallel_loop3A_405, %parallel_loop3A_406, %parallel_loop3A_407] {strides = array<i32>} : memref<2x16x768xf32, #tpu.memory_space<vmem>>, vector<1x1x16xf32>,
        %parallel_loop3A_409 = vector.shape_cast %parallel_loop3A_408 : vector<1x1x16xf32> to vector<16xf32>
        %parallel_loop3A_410 = arith.addf %parallel_loop3A_404, %parallel_loop3A_409 : vector<16xf32>
        %parallel_loop3A_411 = arith.index_cast %select_n3A_135 : i32 to index
        %parallel_loop3A_412 = arith.index_cast %parallel_loop3A_297 : i32 to index
        %parallel_loop3A_413 = arith.constant 96 : index
        %parallel_loop3A_414 = tpu.vector_load %arg7[%parallel_loop3A_411, %parallel_loop3A_412, %parallel_loop3A_413] {strides = array<i32>} : memref<2x16x768xf32, #tpu.memory_space<vmem>>, vector<1x1x16xf32>,
        %parallel_loop3A_415 = vector.shape_cast %parallel_loop3A_414 : vector<1x1x16xf32> to vector<16xf32>
        %parallel_loop3A_416 = vector.shape_cast %parallel_loop3A_410 : vector<16xf32> to vector<1x1x16xf32>
        tpu.vector_store %arg7[%parallel_loop3A_411, %parallel_loop3A_412, %parallel_loop3A_413], %parallel_loop3A_416 {strides = array<i32>} : memref<2x16x768xf32, #tpu.memory_space<vmem>>, vector<1x1x16xf32>,
        %parallel_loop3A_417 = arith.index_cast %select_n3A_135 : i32 to index
        %parallel_loop3A_418 = arith.index_cast %parallel_loop3A_297 : i32 to index
        %parallel_loop3A_419 = arith.constant 112 : index
        %parallel_loop3A_420 = tpu.vector_load %arg6[%parallel_loop3A_417, %parallel_loop3A_418, %parallel_loop3A_419] {strides = array<i32>} : memref<2x16x768xf32, #tpu.memory_space<vmem>>, vector<1x1x16xf32>,
        %parallel_loop3A_421 = vector.shape_cast %parallel_loop3A_420 : vector<1x1x16xf32> to vector<16xf32>
        %parallel_loop3A_422 = arith.index_cast %select_n3A_151 : i32 to index
        %parallel_loop3A_423 = arith.index_cast %parallel_loop3A_297 : i32 to index
        %parallel_loop3A_424 = arith.constant 112 : index
        %parallel_loop3A_425 = tpu.vector_load %arg5[%parallel_loop3A_422, %parallel_loop3A_423, %parallel_loop3A_424] {strides = array<i32>} : memref<2x16x768xf32, #tpu.memory_space<vmem>>, vector<1x1x16xf32>,
        %parallel_loop3A_426 = vector.shape_cast %parallel_loop3A_425 : vector<1x1x16xf32> to vector<16xf32>
        %parallel_loop3A_427 = arith.addf %parallel_loop3A_421, %parallel_loop3A_426 : vector<16xf32>
        %parallel_loop3A_428 = arith.index_cast %select_n3A_135 : i32 to index
        %parallel_loop3A_429 = arith.index_cast %parallel_loop3A_297 : i32 to index
        %parallel_loop3A_430 = arith.constant 112 : index
        %parallel_loop3A_431 = tpu.vector_load %arg7[%parallel_loop3A_428, %parallel_loop3A_429, %parallel_loop3A_430] {strides = array<i32>} : memref<2x16x768xf32, #tpu.memory_space<vmem>>, vector<1x1x16xf32>,
        %parallel_loop3A_432 = vector.shape_cast %parallel_loop3A_431 : vector<1x1x16xf32> to vector<16xf32>
        %parallel_loop3A_433 = vector.shape_cast %parallel_loop3A_427 : vector<16xf32> to vector<1x1x16xf32>
        tpu.vector_store %arg7[%parallel_loop3A_428, %parallel_loop3A_429, %parallel_loop3A_430], %parallel_loop3A_433 {strides = array<i32>} : memref<2x16x768xf32, #tpu.memory_space<vmem>>, vector<1x1x16xf32>,
        %parallel_loop3A_434 = arith.index_cast %select_n3A_135 : i32 to index
        %parallel_loop3A_435 = arith.index_cast %parallel_loop3A_297 : i32 to index
        %parallel_loop3A_436 = arith.constant 128 : index
        %parallel_loop3A_437 = tpu.vector_load %arg6[%parallel_loop3A_434, %parallel_loop3A_435, %parallel_loop3A_436] {strides = array<i32>} : memref<2x16x768xf32, #tpu.memory_space<vmem>>, vector<1x1x16xf32>,
        %parallel_loop3A_438 = vector.shape_cast %parallel_loop3A_437 : vector<1x1x16xf32> to vector<16xf32>
        %parallel_loop3A_439 = arith.index_cast %select_n3A_151 : i32 to index
        %parallel_loop3A_440 = arith.index_cast %parallel_loop3A_297 : i32 to index
        %parallel_loop3A_441 = arith.constant 128 : index
        %parallel_loop3A_442 = tpu.vector_load %arg5[%parallel_loop3A_439, %parallel_loop3A_440, %parallel_loop3A_441] {strides = array<i32>} : memref<2x16x768xf32, #tpu.memory_space<vmem>>, vector<1x1x16xf32>,
        %parallel_loop3A_443 = vector.shape_cast %parallel_loop3A_442 : vector<1x1x16xf32> to vector<16xf32>
        %parallel_loop3A_444 = arith.addf %parallel_loop3A_438, %parallel_loop3A_443 : vector<16xf32>
        %parallel_loop3A_445 = arith.index_cast %select_n3A_135 : i32 to index
        %parallel_loop3A_446 = arith.index_cast %parallel_loop3A_297 : i32 to index
        %parallel_loop3A_447 = arith.constant 128 : index
        %parallel_loop3A_448 = tpu.vector_load %arg7[%parallel_loop3A_445, %parallel_loop3A_446, %parallel_loop3A_447] {strides = array<i32>} : memref<2x16x768xf32, #tpu.memory_space<vmem>>, vector<1x1x16xf32>,
        %parallel_loop3A_449 = vector.shape_cast %parallel_loop3A_448 : vector<1x1x16xf32> to vector<16xf32>
        %parallel_loop3A_450 = vector.shape_cast %parallel_loop3A_444 : vector<16xf32> to vector<1x1x16xf32>
        tpu.vector_store %arg7[%parallel_loop3A_445, %parallel_loop3A_446, %parallel_loop3A_447], %parallel_loop3A_450 {strides = array<i32>} : memref<2x16x768xf32, #tpu.memory_space<vmem>>, vector<1x1x16xf32>,
        %parallel_loop3A_451 = arith.index_cast %select_n3A_135 : i32 to index
        %parallel_loop3A_452 = arith.index_cast %parallel_loop3A_297 : i32 to index
        %parallel_loop3A_453 = arith.constant 144 : index
        %parallel_loop3A_454 = tpu.vector_load %arg6[%parallel_loop3A_451, %parallel_loop3A_452, %parallel_loop3A_453] {strides = array<i32>} : memref<2x16x768xf32, #tpu.memory_space<vmem>>, vector<1x1x16xf32>,
        %parallel_loop3A_455 = vector.shape_cast %parallel_loop3A_454 : vector<1x1x16xf32> to vector<16xf32>
        %parallel_loop3A_456 = arith.index_cast %select_n3A_151 : i32 to index
        %parallel_loop3A_457 = arith.index_cast %parallel_loop3A_297 : i32 to index
        %parallel_loop3A_458 = arith.constant 144 : index
        %parallel_loop3A_459 = tpu.vector_load %arg5[%parallel_loop3A_456, %parallel_loop3A_457, %parallel_loop3A_458] {strides = array<i32>} : memref<2x16x768xf32, #tpu.memory_space<vmem>>, vector<1x1x16xf32>,
        %parallel_loop3A_460 = vector.shape_cast %parallel_loop3A_459 : vector<1x1x16xf32> to vector<16xf32>
        %parallel_loop3A_461 = arith.addf %parallel_loop3A_455, %parallel_loop3A_460 : vector<16xf32>
        %parallel_loop3A_462 = arith.index_cast %select_n3A_135 : i32 to index
        %parallel_loop3A_463 = arith.index_cast %parallel_loop3A_297 : i32 to index
        %parallel_loop3A_464 = arith.constant 144 : index
        %parallel_loop3A_465 = tpu.vector_load %arg7[%parallel_loop3A_462, %parallel_loop3A_463, %parallel_loop3A_464] {strides = array<i32>} : memref<2x16x768xf32, #tpu.memory_space<vmem>>, vector<1x1x16xf32>,
        %parallel_loop3A_466 = vector.shape_cast %parallel_loop3A_465 : vector<1x1x16xf32> to vector<16xf32>
        %parallel_loop3A_467 = vector.shape_cast %parallel_loop3A_461 : vector<16xf32> to vector<1x1x16xf32>
        tpu.vector_store %arg7[%parallel_loop3A_462, %parallel_loop3A_463, %parallel_loop3A_464], %parallel_loop3A_467 {strides = array<i32>} : memref<2x16x768xf32, #tpu.memory_space<vmem>>, vector<1x1x16xf32>,
        %parallel_loop3A_468 = arith.index_cast %select_n3A_135 : i32 to index
        %parallel_loop3A_469 = arith.index_cast %parallel_loop3A_297 : i32 to index
        %parallel_loop3A_470 = arith.constant 160 : index
        %parallel_loop3A_471 = tpu.vector_load %arg6[%parallel_loop3A_468, %parallel_loop3A_469, %parallel_loop3A_470] {strides = array<i32>} : memref<2x16x768xf32, #tpu.memory_space<vmem>>, vector<1x1x16xf32>,
        %parallel_loop3A_472 = vector.shape_cast %parallel_loop3A_471 : vector<1x1x16xf32> to vector<16xf32>
        %parallel_loop3A_473 = arith.index_cast %select_n3A_151 : i32 to index
        %parallel_loop3A_474 = arith.index_cast %parallel_loop3A_297 : i32 to index
        %parallel_loop3A_475 = arith.constant 160 : index
        %parallel_loop3A_476 = tpu.vector_load %arg5[%parallel_loop3A_473, %parallel_loop3A_474, %parallel_loop3A_475] {strides = array<i32>} : memref<2x16x768xf32, #tpu.memory_space<vmem>>, vector<1x1x16xf32>,
        %parallel_loop3A_477 = vector.shape_cast %parallel_loop3A_476 : vector<1x1x16xf32> to vector<16xf32>
        %parallel_loop3A_478 = arith.addf %parallel_loop3A_472, %parallel_loop3A_477 : vector<16xf32>
        %parallel_loop3A_479 = arith.index_cast %select_n3A_135 : i32 to index
        %parallel_loop3A_480 = arith.index_cast %parallel_loop3A_297 : i32 to index
        %parallel_loop3A_481 = arith.constant 160 : index
        %parallel_loop3A_482 = tpu.vector_load %arg7[%parallel_loop3A_479, %parallel_loop3A_480, %parallel_loop3A_481] {strides = array<i32>} : memref<2x16x768xf32, #tpu.memory_space<vmem>>, vector<1x1x16xf32>,
        %parallel_loop3A_483 = vector.shape_cast %parallel_loop3A_482 : vector<1x1x16xf32> to vector<16xf32>
        %parallel_loop3A_484 = vector.shape_cast %parallel_loop3A_478 : vector<16xf32> to vector<1x1x16xf32>
        tpu.vector_store %arg7[%parallel_loop3A_479, %parallel_loop3A_480, %parallel_loop3A_481], %parallel_loop3A_484 {strides = array<i32>} : memref<2x16x768xf32, #tpu.memory_space<vmem>>, vector<1x1x16xf32>,
        %parallel_loop3A_485 = arith.index_cast %select_n3A_135 : i32 to index
        %parallel_loop3A_486 = arith.index_cast %parallel_loop3A_297 : i32 to index
        %parallel_loop3A_487 = arith.constant 176 : index
        %parallel_loop3A_488 = tpu.vector_load %arg6[%parallel_loop3A_485, %parallel_loop3A_486, %parallel_loop3A_487] {strides = array<i32>} : memref<2x16x768xf32, #tpu.memory_space<vmem>>, vector<1x1x16xf32>,
        %parallel_loop3A_489 = vector.shape_cast %parallel_loop3A_488 : vector<1x1x16xf32> to vector<16xf32>
        %parallel_loop3A_490 = arith.index_cast %select_n3A_151 : i32 to index
        %parallel_loop3A_491 = arith.index_cast %parallel_loop3A_297 : i32 to index
        %parallel_loop3A_492 = arith.constant 176 : index
        %parallel_loop3A_493 = tpu.vector_load %arg5[%parallel_loop3A_490, %parallel_loop3A_491, %parallel_loop3A_492] {strides = array<i32>} : memref<2x16x768xf32, #tpu.memory_space<vmem>>, vector<1x1x16xf32>,
        %parallel_loop3A_494 = vector.shape_cast %parallel_loop3A_493 : vector<1x1x16xf32> to vector<16xf32>
        %parallel_loop3A_495 = arith.addf %parallel_loop3A_489, %parallel_loop3A_494 : vector<16xf32>
        %parallel_loop3A_496 = arith.index_cast %select_n3A_135 : i32 to index
        %parallel_loop3A_497 = arith.index_cast %parallel_loop3A_297 : i32 to index
        %parallel_loop3A_498 = arith.constant 176 : index
        %parallel_loop3A_499 = tpu.vector_load %arg7[%parallel_loop3A_496, %parallel_loop3A_497, %parallel_loop3A_498] {strides = array<i32>} : memref<2x16x768xf32, #tpu.memory_space<vmem>>, vector<1x1x16xf32>,
        %parallel_loop3A_500 = vector.shape_cast %parallel_loop3A_499 : vector<1x1x16xf32> to vector<16xf32>
        %parallel_loop3A_501 = vector.shape_cast %parallel_loop3A_495 : vector<16xf32> to vector<1x1x16xf32>
        tpu.vector_store %arg7[%parallel_loop3A_496, %parallel_loop3A_497, %parallel_loop3A_498], %parallel_loop3A_501 {strides = array<i32>} : memref<2x16x768xf32, #tpu.memory_space<vmem>>, vector<1x1x16xf32>,
        %parallel_loop3A_502 = arith.index_cast %select_n3A_135 : i32 to index
        %parallel_loop3A_503 = arith.index_cast %parallel_loop3A_297 : i32 to index
        %parallel_loop3A_504 = arith.constant 192 : index
        %parallel_loop3A_505 = tpu.vector_load %arg6[%parallel_loop3A_502, %parallel_loop3A_503, %parallel_loop3A_504] {strides = array<i32>} : memref<2x16x768xf32, #tpu.memory_space<vmem>>, vector<1x1x16xf32>,
        %parallel_loop3A_506 = vector.shape_cast %parallel_loop3A_505 : vector<1x1x16xf32> to vector<16xf32>
        %parallel_loop3A_507 = arith.index_cast %select_n3A_151 : i32 to index
        %parallel_loop3A_508 = arith.index_cast %parallel_loop3A_297 : i32 to index
        %parallel_loop3A_509 = arith.constant 192 : index
        %parallel_loop3A_510 = tpu.vector_load %arg5[%parallel_loop3A_507, %parallel_loop3A_508, %parallel_loop3A_509] {strides = array<i32>} : memref<2x16x768xf32, #tpu.memory_space<vmem>>, vector<1x1x16xf32>,
        %parallel_loop3A_511 = vector.shape_cast %parallel_loop3A_510 : vector<1x1x16xf32> to vector<16xf32>
        %parallel_loop3A_512 = arith.addf %parallel_loop3A_506, %parallel_loop3A_511 : vector<16xf32>
        %parallel_loop3A_513 = arith.index_cast %select_n3A_135 : i32 to index
        %parallel_loop3A_514 = arith.index_cast %parallel_loop3A_297 : i32 to index
        %parallel_loop3A_515 = arith.constant 192 : index
        %parallel_loop3A_516 = tpu.vector_load %arg7[%parallel_loop3A_513, %parallel_loop3A_514, %parallel_loop3A_515] {strides = array<i32>} : memref<2x16x768xf32, #tpu.memory_space<vmem>>, vector<1x1x16xf32>,
        %parallel_loop3A_517 = vector.shape_cast %parallel_loop3A_516 : vector<1x1x16xf32> to vector<16xf32>
        %parallel_loop3A_518 = vector.shape_cast %parallel_loop3A_512 : vector<16xf32> to vector<1x1x16xf32>
        tpu.vector_store %arg7[%parallel_loop3A_513, %parallel_loop3A_514, %parallel_loop3A_515], %parallel_loop3A_518 {strides = array<i32>} : memref<2x16x768xf32, #tpu.memory_space<vmem>>, vector<1x1x16xf32>,
        %parallel_loop3A_519 = arith.index_cast %select_n3A_135 : i32 to index
        %parallel_loop3A_520 = arith.index_cast %parallel_loop3A_297 : i32 to index
        %parallel_loop3A_521 = arith.constant 208 : index
        %parallel_loop3A_522 = tpu.vector_load %arg6[%parallel_loop3A_519, %parallel_loop3A_520, %parallel_loop3A_521] {strides = array<i32>} : memref<2x16x768xf32, #tpu.memory_space<vmem>>, vector<1x1x16xf32>,
        %parallel_loop3A_523 = vector.shape_cast %parallel_loop3A_522 : vector<1x1x16xf32> to vector<16xf32>
        %parallel_loop3A_524 = arith.index_cast %select_n3A_151 : i32 to index
        %parallel_loop3A_525 = arith.index_cast %parallel_loop3A_297 : i32 to index
        %parallel_loop3A_526 = arith.constant 208 : index
        %parallel_loop3A_527 = tpu.vector_load %arg5[%parallel_loop3A_524, %parallel_loop3A_525, %parallel_loop3A_526] {strides = array<i32>} : memref<2x16x768xf32, #tpu.memory_space<vmem>>, vector<1x1x16xf32>,
        %parallel_loop3A_528 = vector.shape_cast %parallel_loop3A_527 : vector<1x1x16xf32> to vector<16xf32>
        %parallel_loop3A_529 = arith.addf %parallel_loop3A_523, %parallel_loop3A_528 : vector<16xf32>
        %parallel_loop3A_530 = arith.index_cast %select_n3A_135 : i32 to index
        %parallel_loop3A_531 = arith.index_cast %parallel_loop3A_297 : i32 to index
        %parallel_loop3A_532 = arith.constant 208 : index
        %parallel_loop3A_533 = tpu.vector_load %arg7[%parallel_loop3A_530, %parallel_loop3A_531, %parallel_loop3A_532] {strides = array<i32>} : memref<2x16x768xf32, #tpu.memory_space<vmem>>, vector<1x1x16xf32>,
        %parallel_loop3A_534 = vector.shape_cast %parallel_loop3A_533 : vector<1x1x16xf32> to vector<16xf32>
        %parallel_loop3A_535 = vector.shape_cast %parallel_loop3A_529 : vector<16xf32> to vector<1x1x16xf32>
        tpu.vector_store %arg7[%parallel_loop3A_530, %parallel_loop3A_531, %parallel_loop3A_532], %parallel_loop3A_535 {strides = array<i32>} : memref<2x16x768xf32, #tpu.memory_space<vmem>>, vector<1x1x16xf32>,
        %parallel_loop3A_536 = arith.index_cast %select_n3A_135 : i32 to index
        %parallel_loop3A_537 = arith.index_cast %parallel_loop3A_297 : i32 to index
        %parallel_loop3A_538 = arith.constant 224 : index
        %parallel_loop3A_539 = tpu.vector_load %arg6[%parallel_loop3A_536, %parallel_loop3A_537, %parallel_loop3A_538] {strides = array<i32>} : memref<2x16x768xf32, #tpu.memory_space<vmem>>, vector<1x1x16xf32>,
        %parallel_loop3A_540 = vector.shape_cast %parallel_loop3A_539 : vector<1x1x16xf32> to vector<16xf32>
        %parallel_loop3A_541 = arith.index_cast %select_n3A_151 : i32 to index
        %parallel_loop3A_542 = arith.index_cast %parallel_loop3A_297 : i32 to index
        %parallel_loop3A_543 = arith.constant 224 : index
        %parallel_loop3A_544 = tpu.vector_load %arg5[%parallel_loop3A_541, %parallel_loop3A_542, %parallel_loop3A_543] {strides = array<i32>} : memref<2x16x768xf32, #tpu.memory_space<vmem>>, vector<1x1x16xf32>,
        %parallel_loop3A_545 = vector.shape_cast %parallel_loop3A_544 : vector<1x1x16xf32> to vector<16xf32>
        %parallel_loop3A_546 = arith.addf %parallel_loop3A_540, %parallel_loop3A_545 : vector<16xf32>
        %parallel_loop3A_547 = arith.index_cast %select_n3A_135 : i32 to index
        %parallel_loop3A_548 = arith.index_cast %parallel_loop3A_297 : i32 to index
        %parallel_loop3A_549 = arith.constant 224 : index
        %parallel_loop3A_550 = tpu.vector_load %arg7[%parallel_loop3A_547, %parallel_loop3A_548, %parallel_loop3A_549] {strides = array<i32>} : memref<2x16x768xf32, #tpu.memory_space<vmem>>, vector<1x1x16xf32>,
        %parallel_loop3A_551 = vector.shape_cast %parallel_loop3A_550 : vector<1x1x16xf32> to vector<16xf32>
        %parallel_loop3A_552 = vector.shape_cast %parallel_loop3A_546 : vector<16xf32> to vector<1x1x16xf32>
        tpu.vector_store %arg7[%parallel_loop3A_547, %parallel_loop3A_548, %parallel_loop3A_549], %parallel_loop3A_552 {strides = array<i32>} : memref<2x16x768xf32, #tpu.memory_space<vmem>>, vector<1x1x16xf32>,
        %parallel_loop3A_553 = arith.index_cast %select_n3A_135 : i32 to index
        %parallel_loop3A_554 = arith.index_cast %parallel_loop3A_297 : i32 to index
        %parallel_loop3A_555 = arith.constant 240 : index
        %parallel_loop3A_556 = tpu.vector_load %arg6[%parallel_loop3A_553, %parallel_loop3A_554, %parallel_loop3A_555] {strides = array<i32>} : memref<2x16x768xf32, #tpu.memory_space<vmem>>, vector<1x1x16xf32>,
        %parallel_loop3A_557 = vector.shape_cast %parallel_loop3A_556 : vector<1x1x16xf32> to vector<16xf32>
        %parallel_loop3A_558 = arith.index_cast %select_n3A_151 : i32 to index
        %parallel_loop3A_559 = arith.index_cast %parallel_loop3A_297 : i32 to index
        %parallel_loop3A_560 = arith.constant 240 : index
        %parallel_loop3A_561 = tpu.vector_load %arg5[%parallel_loop3A_558, %parallel_loop3A_559, %parallel_loop3A_560] {strides = array<i32>} : memref<2x16x768xf32, #tpu.memory_space<vmem>>, vector<1x1x16xf32>,
        %parallel_loop3A_562 = vector.shape_cast %parallel_loop3A_561 : vector<1x1x16xf32> to vector<16xf32>
        %parallel_loop3A_563 = arith.addf %parallel_loop3A_557, %parallel_loop3A_562 : vector<16xf32>
        %parallel_loop3A_564 = arith.index_cast %select_n3A_135 : i32 to index
        %parallel_loop3A_565 = arith.index_cast %parallel_loop3A_297 : i32 to index
        %parallel_loop3A_566 = arith.constant 240 : index
        %parallel_loop3A_567 = tpu.vector_load %arg7[%parallel_loop3A_564, %parallel_loop3A_565, %parallel_loop3A_566] {strides = array<i32>} : memref<2x16x768xf32, #tpu.memory_space<vmem>>, vector<1x1x16xf32>,
        %parallel_loop3A_568 = vector.shape_cast %parallel_loop3A_567 : vector<1x1x16xf32> to vector<16xf32>
        %parallel_loop3A_569 = vector.shape_cast %parallel_loop3A_563 : vector<16xf32> to vector<1x1x16xf32>
        tpu.vector_store %arg7[%parallel_loop3A_564, %parallel_loop3A_565, %parallel_loop3A_566], %parallel_loop3A_569 {strides = array<i32>} : memref<2x16x768xf32, #tpu.memory_space<vmem>>, vector<1x1x16xf32>,
        %parallel_loop3A_570 = arith.index_cast %select_n3A_135 : i32 to index
        %parallel_loop3A_571 = arith.index_cast %parallel_loop3A_297 : i32 to index
        %parallel_loop3A_572 = arith.constant 256 : index
        %parallel_loop3A_573 = tpu.vector_load %arg6[%parallel_loop3A_570, %parallel_loop3A_571, %parallel_loop3A_572] {strides = array<i32>} : memref<2x16x768xf32, #tpu.memory_space<vmem>>, vector<1x1x16xf32>,
        %parallel_loop3A_574 = vector.shape_cast %parallel_loop3A_573 : vector<1x1x16xf32> to vector<16xf32>
        %parallel_loop3A_575 = arith.index_cast %select_n3A_151 : i32 to index
        %parallel_loop3A_576 = arith.index_cast %parallel_loop3A_297 : i32 to index
        %parallel_loop3A_577 = arith.constant 256 : index
        %parallel_loop3A_578 = tpu.vector_load %arg5[%parallel_loop3A_575, %parallel_loop3A_576, %parallel_loop3A_577] {strides = array<i32>} : memref<2x16x768xf32, #tpu.memory_space<vmem>>, vector<1x1x16xf32>,
        %parallel_loop3A_579 = vector.shape_cast %parallel_loop3A_578 : vector<1x1x16xf32> to vector<16xf32>
        %parallel_loop3A_580 = arith.addf %parallel_loop3A_574, %parallel_loop3A_579 : vector<16xf32>
        %parallel_loop3A_581 = arith.index_cast %select_n3A_135 : i32 to index
        %parallel_loop3A_582 = arith.index_cast %parallel_loop3A_297 : i32 to index
        %parallel_loop3A_583 = arith.constant 256 : index
        %parallel_loop3A_584 = tpu.vector_load %arg7[%parallel_loop3A_581, %parallel_loop3A_582, %parallel_loop3A_583] {strides = array<i32>} : memref<2x16x768xf32, #tpu.memory_space<vmem>>, vector<1x1x16xf32>,
        %parallel_loop3A_585 = vector.shape_cast %parallel_loop3A_584 : vector<1x1x16xf32> to vector<16xf32>
        %parallel_loop3A_586 = vector.shape_cast %parallel_loop3A_580 : vector<16xf32> to vector<1x1x16xf32>
        tpu.vector_store %arg7[%parallel_loop3A_581, %parallel_loop3A_582, %parallel_loop3A_583], %parallel_loop3A_586 {strides = array<i32>} : memref<2x16x768xf32, #tpu.memory_space<vmem>>, vector<1x1x16xf32>,
        %parallel_loop3A_587 = arith.index_cast %select_n3A_135 : i32 to index
        %parallel_loop3A_588 = arith.index_cast %parallel_loop3A_297 : i32 to index
        %parallel_loop3A_589 = arith.constant 272 : index
        %parallel_loop3A_590 = tpu.vector_load %arg6[%parallel_loop3A_587, %parallel_loop3A_588, %parallel_loop3A_589] {strides = array<i32>} : memref<2x16x768xf32, #tpu.memory_space<vmem>>, vector<1x1x16xf32>,
        %parallel_loop3A_591 = vector.shape_cast %parallel_loop3A_590 : vector<1x1x16xf32> to vector<16xf32>
        %parallel_loop3A_592 = arith.index_cast %select_n3A_151 : i32 to index
        %parallel_loop3A_593 = arith.index_cast %parallel_loop3A_297 : i32 to index
        %parallel_loop3A_594 = arith.constant 272 : index
        %parallel_loop3A_595 = tpu.vector_load %arg5[%parallel_loop3A_592, %parallel_loop3A_593, %parallel_loop3A_594] {strides = array<i32>} : memref<2x16x768xf32, #tpu.memory_space<vmem>>, vector<1x1x16xf32>,
        %parallel_loop3A_596 = vector.shape_cast %parallel_loop3A_595 : vector<1x1x16xf32> to vector<16xf32>
        %parallel_loop3A_597 = arith.addf %parallel_loop3A_591, %parallel_loop3A_596 : vector<16xf32>
        %parallel_loop3A_598 = arith.index_cast %select_n3A_135 : i32 to index
        %parallel_loop3A_599 = arith.index_cast %parallel_loop3A_297 : i32 to index
        %parallel_loop3A_600 = arith.constant 272 : index
        %parallel_loop3A_601 = tpu.vector_load %arg7[%parallel_loop3A_598, %parallel_loop3A_599, %parallel_loop3A_600] {strides = array<i32>} : memref<2x16x768xf32, #tpu.memory_space<vmem>>, vector<1x1x16xf32>,
        %parallel_loop3A_602 = vector.shape_cast %parallel_loop3A_601 : vector<1x1x16xf32> to vector<16xf32>
        %parallel_loop3A_603 = vector.shape_cast %parallel_loop3A_597 : vector<16xf32> to vector<1x1x16xf32>
        tpu.vector_store %arg7[%parallel_loop3A_598, %parallel_loop3A_599, %parallel_loop3A_600], %parallel_loop3A_603 {strides = array<i32>} : memref<2x16x768xf32, #tpu.memory_space<vmem>>, vector<1x1x16xf32>,
        %parallel_loop3A_604 = arith.index_cast %select_n3A_135 : i32 to index
        %parallel_loop3A_605 = arith.index_cast %parallel_loop3A_297 : i32 to index
        %parallel_loop3A_606 = arith.constant 288 : index
        %parallel_loop3A_607 = tpu.vector_load %arg6[%parallel_loop3A_604, %parallel_loop3A_605, %parallel_loop3A_606] {strides = array<i32>} : memref<2x16x768xf32, #tpu.memory_space<vmem>>, vector<1x1x16xf32>,
        %parallel_loop3A_608 = vector.shape_cast %parallel_loop3A_607 : vector<1x1x16xf32> to vector<16xf32>
        %parallel_loop3A_609 = arith.index_cast %select_n3A_151 : i32 to index
        %parallel_loop3A_610 = arith.index_cast %parallel_loop3A_297 : i32 to index
        %parallel_loop3A_611 = arith.constant 288 : index
        %parallel_loop3A_612 = tpu.vector_load %arg5[%parallel_loop3A_609, %parallel_loop3A_610, %parallel_loop3A_611] {strides = array<i32>} : memref<2x16x768xf32, #tpu.memory_space<vmem>>, vector<1x1x16xf32>,
        %parallel_loop3A_613 = vector.shape_cast %parallel_loop3A_612 : vector<1x1x16xf32> to vector<16xf32>
        %parallel_loop3A_614 = arith.addf %parallel_loop3A_608, %parallel_loop3A_613 : vector<16xf32>
        %parallel_loop3A_615 = arith.index_cast %select_n3A_135 : i32 to index
        %parallel_loop3A_616 = arith.index_cast %parallel_loop3A_297 : i32 to index
        %parallel_loop3A_617 = arith.constant 288 : index
        %parallel_loop3A_618 = tpu.vector_load %arg7[%parallel_loop3A_615, %parallel_loop3A_616, %parallel_loop3A_617] {strides = array<i32>} : memref<2x16x768xf32, #tpu.memory_space<vmem>>, vector<1x1x16xf32>,
        %parallel_loop3A_619 = vector.shape_cast %parallel_loop3A_618 : vector<1x1x16xf32> to vector<16xf32>
        %parallel_loop3A_620 = vector.shape_cast %parallel_loop3A_614 : vector<16xf32> to vector<1x1x16xf32>
        tpu.vector_store %arg7[%parallel_loop3A_615, %parallel_loop3A_616, %parallel_loop3A_617], %parallel_loop3A_620 {strides = array<i32>} : memref<2x16x768xf32, #tpu.memory_space<vmem>>, vector<1x1x16xf32>,
        %parallel_loop3A_621 = arith.index_cast %select_n3A_135 : i32 to index
        %parallel_loop3A_622 = arith.index_cast %parallel_loop3A_297 : i32 to index
        %parallel_loop3A_623 = arith.constant 304 : index
        %parallel_loop3A_624 = tpu.vector_load %arg6[%parallel_loop3A_621, %parallel_loop3A_622, %parallel_loop3A_623] {strides = array<i32>} : memref<2x16x768xf32, #tpu.memory_space<vmem>>, vector<1x1x16xf32>,
        %parallel_loop3A_625 = vector.shape_cast %parallel_loop3A_624 : vector<1x1x16xf32> to vector<16xf32>
        %parallel_loop3A_626 = arith.index_cast %select_n3A_151 : i32 to index
        %parallel_loop3A_627 = arith.index_cast %parallel_loop3A_297 : i32 to index
        %parallel_loop3A_628 = arith.constant 304 : index
        %parallel_loop3A_629 = tpu.vector_load %arg5[%parallel_loop3A_626, %parallel_loop3A_627, %parallel_loop3A_628] {strides = array<i32>} : memref<2x16x768xf32, #tpu.memory_space<vmem>>, vector<1x1x16xf32>,
        %parallel_loop3A_630 = vector.shape_cast %parallel_loop3A_629 : vector<1x1x16xf32> to vector<16xf32>
        %parallel_loop3A_631 = arith.addf %parallel_loop3A_625, %parallel_loop3A_630 : vector<16xf32>
        %parallel_loop3A_632 = arith.index_cast %select_n3A_135 : i32 to index
        %parallel_loop3A_633 = arith.index_cast %parallel_loop3A_297 : i32 to index
        %parallel_loop3A_634 = arith.constant 304 : index
        %parallel_loop3A_635 = tpu.vector_load %arg7[%parallel_loop3A_632, %parallel_loop3A_633, %parallel_loop3A_634] {strides = array<i32>} : memref<2x16x768xf32, #tpu.memory_space<vmem>>, vector<1x1x16xf32>,
        %parallel_loop3A_636 = vector.shape_cast %parallel_loop3A_635 : vector<1x1x16xf32> to vector<16xf32>
        %parallel_loop3A_637 = vector.shape_cast %parallel_loop3A_631 : vector<16xf32> to vector<1x1x16xf32>
        tpu.vector_store %arg7[%parallel_loop3A_632, %parallel_loop3A_633, %parallel_loop3A_634], %parallel_loop3A_637 {strides = array<i32>} : memref<2x16x768xf32, #tpu.memory_space<vmem>>, vector<1x1x16xf32>,
        %parallel_loop3A_638 = arith.index_cast %select_n3A_135 : i32 to index
        %parallel_loop3A_639 = arith.index_cast %parallel_loop3A_297 : i32 to index
        %parallel_loop3A_640 = arith.constant 320 : index
        %parallel_loop3A_641 = tpu.vector_load %arg6[%parallel_loop3A_638, %parallel_loop3A_639, %parallel_loop3A_640] {strides = array<i32>} : memref<2x16x768xf32, #tpu.memory_space<vmem>>, vector<1x1x16xf32>,
        %parallel_loop3A_642 = vector.shape_cast %parallel_loop3A_641 : vector<1x1x16xf32> to vector<16xf32>
        %parallel_loop3A_643 = arith.index_cast %select_n3A_151 : i32 to index
        %parallel_loop3A_644 = arith.index_cast %parallel_loop3A_297 : i32 to index
        %parallel_loop3A_645 = arith.constant 320 : index
        %parallel_loop3A_646 = tpu.vector_load %arg5[%parallel_loop3A_643, %parallel_loop3A_644, %parallel_loop3A_645] {strides = array<i32>} : memref<2x16x768xf32, #tpu.memory_space<vmem>>, vector<1x1x16xf32>,
        %parallel_loop3A_647 = vector.shape_cast %parallel_loop3A_646 : vector<1x1x16xf32> to vector<16xf32>
        %parallel_loop3A_648 = arith.addf %parallel_loop3A_642, %parallel_loop3A_647 : vector<16xf32>
        %parallel_loop3A_649 = arith.index_cast %select_n3A_135 : i32 to index
        %parallel_loop3A_650 = arith.index_cast %parallel_loop3A_297 : i32 to index
        %parallel_loop3A_651 = arith.constant 320 : index
        %parallel_loop3A_652 = tpu.vector_load %arg7[%parallel_loop3A_649, %parallel_loop3A_650, %parallel_loop3A_651] {strides = array<i32>} : memref<2x16x768xf32, #tpu.memory_space<vmem>>, vector<1x1x16xf32>,
        %parallel_loop3A_653 = vector.shape_cast %parallel_loop3A_652 : vector<1x1x16xf32> to vector<16xf32>
        %parallel_loop3A_654 = vector.shape_cast %parallel_loop3A_648 : vector<16xf32> to vector<1x1x16xf32>
        tpu.vector_store %arg7[%parallel_loop3A_649, %parallel_loop3A_650, %parallel_loop3A_651], %parallel_loop3A_654 {strides = array<i32>} : memref<2x16x768xf32, #tpu.memory_space<vmem>>, vector<1x1x16xf32>,
        %parallel_loop3A_655 = arith.index_cast %select_n3A_135 : i32 to index
        %parallel_loop3A_656 = arith.index_cast %parallel_loop3A_297 : i32 to index
        %parallel_loop3A_657 = arith.constant 336 : index
        %parallel_loop3A_658 = tpu.vector_load %arg6[%parallel_loop3A_655, %parallel_loop3A_656, %parallel_loop3A_657] {strides = array<i32>} : memref<2x16x768xf32, #tpu.memory_space<vmem>>, vector<1x1x16xf32>,
        %parallel_loop3A_659 = vector.shape_cast %parallel_loop3A_658 : vector<1x1x16xf32> to vector<16xf32>
        %parallel_loop3A_660 = arith.index_cast %select_n3A_151 : i32 to index
        %parallel_loop3A_661 = arith.index_cast %parallel_loop3A_297 : i32 to index
        %parallel_loop3A_662 = arith.constant 336 : index
        %parallel_loop3A_663 = tpu.vector_load %arg5[%parallel_loop3A_660, %parallel_loop3A_661, %parallel_loop3A_662] {strides = array<i32>} : memref<2x16x768xf32, #tpu.memory_space<vmem>>, vector<1x1x16xf32>,
        %parallel_loop3A_664 = vector.shape_cast %parallel_loop3A_663 : vector<1x1x16xf32> to vector<16xf32>
        %parallel_loop3A_665 = arith.addf %parallel_loop3A_659, %parallel_loop3A_664 : vector<16xf32>
        %parallel_loop3A_666 = arith.index_cast %select_n3A_135 : i32 to index
        %parallel_loop3A_667 = arith.index_cast %parallel_loop3A_297 : i32 to index
        %parallel_loop3A_668 = arith.constant 336 : index
        %parallel_loop3A_669 = tpu.vector_load %arg7[%parallel_loop3A_666, %parallel_loop3A_667, %parallel_loop3A_668] {strides = array<i32>} : memref<2x16x768xf32, #tpu.memory_space<vmem>>, vector<1x1x16xf32>,
        %parallel_loop3A_670 = vector.shape_cast %parallel_loop3A_669 : vector<1x1x16xf32> to vector<16xf32>
        %parallel_loop3A_671 = vector.shape_cast %parallel_loop3A_665 : vector<16xf32> to vector<1x1x16xf32>
        tpu.vector_store %arg7[%parallel_loop3A_666, %parallel_loop3A_667, %parallel_loop3A_668], %parallel_loop3A_671 {strides = array<i32>} : memref<2x16x768xf32, #tpu.memory_space<vmem>>, vector<1x1x16xf32>,
        %parallel_loop3A_672 = arith.index_cast %select_n3A_135 : i32 to index
        %parallel_loop3A_673 = arith.index_cast %parallel_loop3A_297 : i32 to index
        %parallel_loop3A_674 = arith.constant 352 : index
        %parallel_loop3A_675 = tpu.vector_load %arg6[%parallel_loop3A_672, %parallel_loop3A_673, %parallel_loop3A_674] {strides = array<i32>} : memref<2x16x768xf32, #tpu.memory_space<vmem>>, vector<1x1x16xf32>,
        %parallel_loop3A_676 = vector.shape_cast %parallel_loop3A_675 : vector<1x1x16xf32> to vector<16xf32>
        %parallel_loop3A_677 = arith.index_cast %select_n3A_151 : i32 to index
        %parallel_loop3A_678 = arith.index_cast %parallel_loop3A_297 : i32 to index
        %parallel_loop3A_679 = arith.constant 352 : index
        %parallel_loop3A_680 = tpu.vector_load %arg5[%parallel_loop3A_677, %parallel_loop3A_678, %parallel_loop3A_679] {strides = array<i32>} : memref<2x16x768xf32, #tpu.memory_space<vmem>>, vector<1x1x16xf32>,
        %parallel_loop3A_681 = vector.shape_cast %parallel_loop3A_680 : vector<1x1x16xf32> to vector<16xf32>
        %parallel_loop3A_682 = arith.addf %parallel_loop3A_676, %parallel_loop3A_681 : vector<16xf32>
        %parallel_loop3A_683 = arith.index_cast %select_n3A_135 : i32 to index
        %parallel_loop3A_684 = arith.index_cast %parallel_loop3A_297 : i32 to index
        %parallel_loop3A_685 = arith.constant 352 : index
        %parallel_loop3A_686 = tpu.vector_load %arg7[%parallel_loop3A_683, %parallel_loop3A_684, %parallel_loop3A_685] {strides = array<i32>} : memref<2x16x768xf32, #tpu.memory_space<vmem>>, vector<1x1x16xf32>,
        %parallel_loop3A_687 = vector.shape_cast %parallel_loop3A_686 : vector<1x1x16xf32> to vector<16xf32>
        %parallel_loop3A_688 = vector.shape_cast %parallel_loop3A_682 : vector<16xf32> to vector<1x1x16xf32>
        tpu.vector_store %arg7[%parallel_loop3A_683, %parallel_loop3A_684, %parallel_loop3A_685], %parallel_loop3A_688 {strides = array<i32>} : memref<2x16x768xf32, #tpu.memory_space<vmem>>, vector<1x1x16xf32>,
        %parallel_loop3A_689 = arith.index_cast %select_n3A_135 : i32 to index
        %parallel_loop3A_690 = arith.index_cast %parallel_loop3A_297 : i32 to index
        %parallel_loop3A_691 = arith.constant 368 : index
        %parallel_loop3A_692 = tpu.vector_load %arg6[%parallel_loop3A_689, %parallel_loop3A_690, %parallel_loop3A_691] {strides = array<i32>} : memref<2x16x768xf32, #tpu.memory_space<vmem>>, vector<1x1x16xf32>,
        %parallel_loop3A_693 = vector.shape_cast %parallel_loop3A_692 : vector<1x1x16xf32> to vector<16xf32>
        %parallel_loop3A_694 = arith.index_cast %select_n3A_151 : i32 to index
        %parallel_loop3A_695 = arith.index_cast %parallel_loop3A_297 : i32 to index
        %parallel_loop3A_696 = arith.constant 368 : index
        %parallel_loop3A_697 = tpu.vector_load %arg5[%parallel_loop3A_694, %parallel_loop3A_695, %parallel_loop3A_696] {strides = array<i32>} : memref<2x16x768xf32, #tpu.memory_space<vmem>>, vector<1x1x16xf32>,
        %parallel_loop3A_698 = vector.shape_cast %parallel_loop3A_697 : vector<1x1x16xf32> to vector<16xf32>
        %parallel_loop3A_699 = arith.addf %parallel_loop3A_693, %parallel_loop3A_698 : vector<16xf32>
        %parallel_loop3A_700 = arith.index_cast %select_n3A_135 : i32 to index
        %parallel_loop3A_701 = arith.index_cast %parallel_loop3A_297 : i32 to index
        %parallel_loop3A_702 = arith.constant 368 : index
        %parallel_loop3A_703 = tpu.vector_load %arg7[%parallel_loop3A_700, %parallel_loop3A_701, %parallel_loop3A_702] {strides = array<i32>} : memref<2x16x768xf32, #tpu.memory_space<vmem>>, vector<1x1x16xf32>,
        %parallel_loop3A_704 = vector.shape_cast %parallel_loop3A_703 : vector<1x1x16xf32> to vector<16xf32>
        %parallel_loop3A_705 = vector.shape_cast %parallel_loop3A_699 : vector<16xf32> to vector<1x1x16xf32>
        tpu.vector_store %arg7[%parallel_loop3A_700, %parallel_loop3A_701, %parallel_loop3A_702], %parallel_loop3A_705 {strides = array<i32>} : memref<2x16x768xf32, #tpu.memory_space<vmem>>, vector<1x1x16xf32>,
        %parallel_loop3A_706 = arith.index_cast %select_n3A_135 : i32 to index
        %parallel_loop3A_707 = arith.index_cast %parallel_loop3A_297 : i32 to index
        %parallel_loop3A_708 = arith.constant 384 : index
        %parallel_loop3A_709 = tpu.vector_load %arg6[%parallel_loop3A_706, %parallel_loop3A_707, %parallel_loop3A_708] {strides = array<i32>} : memref<2x16x768xf32, #tpu.memory_space<vmem>>, vector<1x1x16xf32>,
        %parallel_loop3A_710 = vector.shape_cast %parallel_loop3A_709 : vector<1x1x16xf32> to vector<16xf32>
        %parallel_loop3A_711 = arith.index_cast %select_n3A_151 : i32 to index
        %parallel_loop3A_712 = arith.index_cast %parallel_loop3A_297 : i32 to index
        %parallel_loop3A_713 = arith.constant 384 : index
        %parallel_loop3A_714 = tpu.vector_load %arg5[%parallel_loop3A_711, %parallel_loop3A_712, %parallel_loop3A_713] {strides = array<i32>} : memref<2x16x768xf32, #tpu.memory_space<vmem>>, vector<1x1x16xf32>,
        %parallel_loop3A_715 = vector.shape_cast %parallel_loop3A_714 : vector<1x1x16xf32> to vector<16xf32>
        %parallel_loop3A_716 = arith.addf %parallel_loop3A_710, %parallel_loop3A_715 : vector<16xf32>
        %parallel_loop3A_717 = arith.index_cast %select_n3A_135 : i32 to index
        %parallel_loop3A_718 = arith.index_cast %parallel_loop3A_297 : i32 to index
        %parallel_loop3A_719 = arith.constant 384 : index
        %parallel_loop3A_720 = tpu.vector_load %arg7[%parallel_loop3A_717, %parallel_loop3A_718, %parallel_loop3A_719] {strides = array<i32>} : memref<2x16x768xf32, #tpu.memory_space<vmem>>, vector<1x1x16xf32>,
        %parallel_loop3A_721 = vector.shape_cast %parallel_loop3A_720 : vector<1x1x16xf32> to vector<16xf32>
        %parallel_loop3A_722 = vector.shape_cast %parallel_loop3A_716 : vector<16xf32> to vector<1x1x16xf32>
        tpu.vector_store %arg7[%parallel_loop3A_717, %parallel_loop3A_718, %parallel_loop3A_719], %parallel_loop3A_722 {strides = array<i32>} : memref<2x16x768xf32, #tpu.memory_space<vmem>>, vector<1x1x16xf32>,
        %parallel_loop3A_723 = arith.index_cast %select_n3A_135 : i32 to index
        %parallel_loop3A_724 = arith.index_cast %parallel_loop3A_297 : i32 to index
        %parallel_loop3A_725 = arith.constant 400 : index
        %parallel_loop3A_726 = tpu.vector_load %arg6[%parallel_loop3A_723, %parallel_loop3A_724, %parallel_loop3A_725] {strides = array<i32>} : memref<2x16x768xf32, #tpu.memory_space<vmem>>, vector<1x1x16xf32>,
        %parallel_loop3A_727 = vector.shape_cast %parallel_loop3A_726 : vector<1x1x16xf32> to vector<16xf32>
        %parallel_loop3A_728 = arith.index_cast %select_n3A_151 : i32 to index
        %parallel_loop3A_729 = arith.index_cast %parallel_loop3A_297 : i32 to index
        %parallel_loop3A_730 = arith.constant 400 : index
        %parallel_loop3A_731 = tpu.vector_load %arg5[%parallel_loop3A_728, %parallel_loop3A_729, %parallel_loop3A_730] {strides = array<i32>} : memref<2x16x768xf32, #tpu.memory_space<vmem>>, vector<1x1x16xf32>,
        %parallel_loop3A_732 = vector.shape_cast %parallel_loop3A_731 : vector<1x1x16xf32> to vector<16xf32>
        %parallel_loop3A_733 = arith.addf %parallel_loop3A_727, %parallel_loop3A_732 : vector<16xf32>
        %parallel_loop3A_734 = arith.index_cast %select_n3A_135 : i32 to index
        %parallel_loop3A_735 = arith.index_cast %parallel_loop3A_297 : i32 to index
        %parallel_loop3A_736 = arith.constant 400 : index
        %parallel_loop3A_737 = tpu.vector_load %arg7[%parallel_loop3A_734, %parallel_loop3A_735, %parallel_loop3A_736] {strides = array<i32>} : memref<2x16x768xf32, #tpu.memory_space<vmem>>, vector<1x1x16xf32>,
        %parallel_loop3A_738 = vector.shape_cast %parallel_loop3A_737 : vector<1x1x16xf32> to vector<16xf32>
        %parallel_loop3A_739 = vector.shape_cast %parallel_loop3A_733 : vector<16xf32> to vector<1x1x16xf32>
        tpu.vector_store %arg7[%parallel_loop3A_734, %parallel_loop3A_735, %parallel_loop3A_736], %parallel_loop3A_739 {strides = array<i32>} : memref<2x16x768xf32, #tpu.memory_space<vmem>>, vector<1x1x16xf32>,
        %parallel_loop3A_740 = arith.index_cast %select_n3A_135 : i32 to index
        %parallel_loop3A_741 = arith.index_cast %parallel_loop3A_297 : i32 to index
        %parallel_loop3A_742 = arith.constant 416 : index
        %parallel_loop3A_743 = tpu.vector_load %arg6[%parallel_loop3A_740, %parallel_loop3A_741, %parallel_loop3A_742] {strides = array<i32>} : memref<2x16x768xf32, #tpu.memory_space<vmem>>, vector<1x1x16xf32>,
        %parallel_loop3A_744 = vector.shape_cast %parallel_loop3A_743 : vector<1x1x16xf32> to vector<16xf32>
        %parallel_loop3A_745 = arith.index_cast %select_n3A_151 : i32 to index
        %parallel_loop3A_746 = arith.index_cast %parallel_loop3A_297 : i32 to index
        %parallel_loop3A_747 = arith.constant 416 : index
        %parallel_loop3A_748 = tpu.vector_load %arg5[%parallel_loop3A_745, %parallel_loop3A_746, %parallel_loop3A_747] {strides = array<i32>} : memref<2x16x768xf32, #tpu.memory_space<vmem>>, vector<1x1x16xf32>,
        %parallel_loop3A_749 = vector.shape_cast %parallel_loop3A_748 : vector<1x1x16xf32> to vector<16xf32>
        %parallel_loop3A_750 = arith.addf %parallel_loop3A_744, %parallel_loop3A_749 : vector<16xf32>
        %parallel_loop3A_751 = arith.index_cast %select_n3A_135 : i32 to index
        %parallel_loop3A_752 = arith.index_cast %parallel_loop3A_297 : i32 to index
        %parallel_loop3A_753 = arith.constant 416 : index
        %parallel_loop3A_754 = tpu.vector_load %arg7[%parallel_loop3A_751, %parallel_loop3A_752, %parallel_loop3A_753] {strides = array<i32>} : memref<2x16x768xf32, #tpu.memory_space<vmem>>, vector<1x1x16xf32>,
        %parallel_loop3A_755 = vector.shape_cast %parallel_loop3A_754 : vector<1x1x16xf32> to vector<16xf32>
        %parallel_loop3A_756 = vector.shape_cast %parallel_loop3A_750 : vector<16xf32> to vector<1x1x16xf32>
        tpu.vector_store %arg7[%parallel_loop3A_751, %parallel_loop3A_752, %parallel_loop3A_753], %parallel_loop3A_756 {strides = array<i32>} : memref<2x16x768xf32, #tpu.memory_space<vmem>>, vector<1x1x16xf32>,
        %parallel_loop3A_757 = arith.index_cast %select_n3A_135 : i32 to index
        %parallel_loop3A_758 = arith.index_cast %parallel_loop3A_297 : i32 to index
        %parallel_loop3A_759 = arith.constant 432 : index
        %parallel_loop3A_760 = tpu.vector_load %arg6[%parallel_loop3A_757, %parallel_loop3A_758, %parallel_loop3A_759] {strides = array<i32>} : memref<2x16x768xf32, #tpu.memory_space<vmem>>, vector<1x1x16xf32>,
        %parallel_loop3A_761 = vector.shape_cast %parallel_loop3A_760 : vector<1x1x16xf32> to vector<16xf32>
        %parallel_loop3A_762 = arith.index_cast %select_n3A_151 : i32 to index
        %parallel_loop3A_763 = arith.index_cast %parallel_loop3A_297 : i32 to index
        %parallel_loop3A_764 = arith.constant 432 : index
        %parallel_loop3A_765 = tpu.vector_load %arg5[%parallel_loop3A_762, %parallel_loop3A_763, %parallel_loop3A_764] {strides = array<i32>} : memref<2x16x768xf32, #tpu.memory_space<vmem>>, vector<1x1x16xf32>,
        %parallel_loop3A_766 = vector.shape_cast %parallel_loop3A_765 : vector<1x1x16xf32> to vector<16xf32>
        %parallel_loop3A_767 = arith.addf %parallel_loop3A_761, %parallel_loop3A_766 : vector<16xf32>
        %parallel_loop3A_768 = arith.index_cast %select_n3A_135 : i32 to index
        %parallel_loop3A_769 = arith.index_cast %parallel_loop3A_297 : i32 to index
        %parallel_loop3A_770 = arith.constant 432 : index
        %parallel_loop3A_771 = tpu.vector_load %arg7[%parallel_loop3A_768, %parallel_loop3A_769, %parallel_loop3A_770] {strides = array<i32>} : memref<2x16x768xf32, #tpu.memory_space<vmem>>, vector<1x1x16xf32>,
        %parallel_loop3A_772 = vector.shape_cast %parallel_loop3A_771 : vector<1x1x16xf32> to vector<16xf32>
        %parallel_loop3A_773 = vector.shape_cast %parallel_loop3A_767 : vector<16xf32> to vector<1x1x16xf32>
        tpu.vector_store %arg7[%parallel_loop3A_768, %parallel_loop3A_769, %parallel_loop3A_770], %parallel_loop3A_773 {strides = array<i32>} : memref<2x16x768xf32, #tpu.memory_space<vmem>>, vector<1x1x16xf32>,
        %parallel_loop3A_774 = arith.index_cast %select_n3A_135 : i32 to index
        %parallel_loop3A_775 = arith.index_cast %parallel_loop3A_297 : i32 to index
        %parallel_loop3A_776 = arith.constant 448 : index
        %parallel_loop3A_777 = tpu.vector_load %arg6[%parallel_loop3A_774, %parallel_loop3A_775, %parallel_loop3A_776] {strides = array<i32>} : memref<2x16x768xf32, #tpu.memory_space<vmem>>, vector<1x1x16xf32>,
        %parallel_loop3A_778 = vector.shape_cast %parallel_loop3A_777 : vector<1x1x16xf32> to vector<16xf32>
        %parallel_loop3A_779 = arith.index_cast %select_n3A_151 : i32 to index
        %parallel_loop3A_780 = arith.index_cast %parallel_loop3A_297 : i32 to index
        %parallel_loop3A_781 = arith.constant 448 : index
        %parallel_loop3A_782 = tpu.vector_load %arg5[%parallel_loop3A_779, %parallel_loop3A_780, %parallel_loop3A_781] {strides = array<i32>} : memref<2x16x768xf32, #tpu.memory_space<vmem>>, vector<1x1x16xf32>,
        %parallel_loop3A_783 = vector.shape_cast %parallel_loop3A_782 : vector<1x1x16xf32> to vector<16xf32>
        %parallel_loop3A_784 = arith.addf %parallel_loop3A_778, %parallel_loop3A_783 : vector<16xf32>
        %parallel_loop3A_785 = arith.index_cast %select_n3A_135 : i32 to index
        %parallel_loop3A_786 = arith.index_cast %parallel_loop3A_297 : i32 to index
        %parallel_loop3A_787 = arith.constant 448 : index
        %parallel_loop3A_788 = tpu.vector_load %arg7[%parallel_loop3A_785, %parallel_loop3A_786, %parallel_loop3A_787] {strides = array<i32>} : memref<2x16x768xf32, #tpu.memory_space<vmem>>, vector<1x1x16xf32>,
        %parallel_loop3A_789 = vector.shape_cast %parallel_loop3A_788 : vector<1x1x16xf32> to vector<16xf32>
        %parallel_loop3A_790 = vector.shape_cast %parallel_loop3A_784 : vector<16xf32> to vector<1x1x16xf32>
        tpu.vector_store %arg7[%parallel_loop3A_785, %parallel_loop3A_786, %parallel_loop3A_787], %parallel_loop3A_790 {strides = array<i32>} : memref<2x16x768xf32, #tpu.memory_space<vmem>>, vector<1x1x16xf32>,
        %parallel_loop3A_791 = arith.index_cast %select_n3A_135 : i32 to index
        %parallel_loop3A_792 = arith.index_cast %parallel_loop3A_297 : i32 to index
        %parallel_loop3A_793 = arith.constant 464 : index
        %parallel_loop3A_794 = tpu.vector_load %arg6[%parallel_loop3A_791, %parallel_loop3A_792, %parallel_loop3A_793] {strides = array<i32>} : memref<2x16x768xf32, #tpu.memory_space<vmem>>, vector<1x1x16xf32>,
        %parallel_loop3A_795 = vector.shape_cast %parallel_loop3A_794 : vector<1x1x16xf32> to vector<16xf32>
        %parallel_loop3A_796 = arith.index_cast %select_n3A_151 : i32 to index
        %parallel_loop3A_797 = arith.index_cast %parallel_loop3A_297 : i32 to index
        %parallel_loop3A_798 = arith.constant 464 : index
        %parallel_loop3A_799 = tpu.vector_load %arg5[%parallel_loop3A_796, %parallel_loop3A_797, %parallel_loop3A_798] {strides = array<i32>} : memref<2x16x768xf32, #tpu.memory_space<vmem>>, vector<1x1x16xf32>,
        %parallel_loop3A_800 = vector.shape_cast %parallel_loop3A_799 : vector<1x1x16xf32> to vector<16xf32>
        %parallel_loop3A_801 = arith.addf %parallel_loop3A_795, %parallel_loop3A_800 : vector<16xf32>
        %parallel_loop3A_802 = arith.index_cast %select_n3A_135 : i32 to index
        %parallel_loop3A_803 = arith.index_cast %parallel_loop3A_297 : i32 to index
        %parallel_loop3A_804 = arith.constant 464 : index
        %parallel_loop3A_805 = tpu.vector_load %arg7[%parallel_loop3A_802, %parallel_loop3A_803, %parallel_loop3A_804] {strides = array<i32>} : memref<2x16x768xf32, #tpu.memory_space<vmem>>, vector<1x1x16xf32>,
        %parallel_loop3A_806 = vector.shape_cast %parallel_loop3A_805 : vector<1x1x16xf32> to vector<16xf32>
        %parallel_loop3A_807 = vector.shape_cast %parallel_loop3A_801 : vector<16xf32> to vector<1x1x16xf32>
        tpu.vector_store %arg7[%parallel_loop3A_802, %parallel_loop3A_803, %parallel_loop3A_804], %parallel_loop3A_807 {strides = array<i32>} : memref<2x16x768xf32, #tpu.memory_space<vmem>>, vector<1x1x16xf32>,
        %parallel_loop3A_808 = arith.index_cast %select_n3A_135 : i32 to index
        %parallel_loop3A_809 = arith.index_cast %parallel_loop3A_297 : i32 to index
        %parallel_loop3A_810 = arith.constant 480 : index
        %parallel_loop3A_811 = tpu.vector_load %arg6[%parallel_loop3A_808, %parallel_loop3A_809, %parallel_loop3A_810] {strides = array<i32>} : memref<2x16x768xf32, #tpu.memory_space<vmem>>, vector<1x1x16xf32>,
        %parallel_loop3A_812 = vector.shape_cast %parallel_loop3A_811 : vector<1x1x16xf32> to vector<16xf32>
        %parallel_loop3A_813 = arith.index_cast %select_n3A_151 : i32 to index
        %parallel_loop3A_814 = arith.index_cast %parallel_loop3A_297 : i32 to index
        %parallel_loop3A_815 = arith.constant 480 : index
        %parallel_loop3A_816 = tpu.vector_load %arg5[%parallel_loop3A_813, %parallel_loop3A_814, %parallel_loop3A_815] {strides = array<i32>} : memref<2x16x768xf32, #tpu.memory_space<vmem>>, vector<1x1x16xf32>,
        %parallel_loop3A_817 = vector.shape_cast %parallel_loop3A_816 : vector<1x1x16xf32> to vector<16xf32>
        %parallel_loop3A_818 = arith.addf %parallel_loop3A_812, %parallel_loop3A_817 : vector<16xf32>
        %parallel_loop3A_819 = arith.index_cast %select_n3A_135 : i32 to index
        %parallel_loop3A_820 = arith.index_cast %parallel_loop3A_297 : i32 to index
        %parallel_loop3A_821 = arith.constant 480 : index
        %parallel_loop3A_822 = tpu.vector_load %arg7[%parallel_loop3A_819, %parallel_loop3A_820, %parallel_loop3A_821] {strides = array<i32>} : memref<2x16x768xf32, #tpu.memory_space<vmem>>, vector<1x1x16xf32>,
        %parallel_loop3A_823 = vector.shape_cast %parallel_loop3A_822 : vector<1x1x16xf32> to vector<16xf32>
        %parallel_loop3A_824 = vector.shape_cast %parallel_loop3A_818 : vector<16xf32> to vector<1x1x16xf32>
        tpu.vector_store %arg7[%parallel_loop3A_819, %parallel_loop3A_820, %parallel_loop3A_821], %parallel_loop3A_824 {strides = array<i32>} : memref<2x16x768xf32, #tpu.memory_space<vmem>>, vector<1x1x16xf32>,
        %parallel_loop3A_825 = arith.index_cast %select_n3A_135 : i32 to index
        %parallel_loop3A_826 = arith.index_cast %parallel_loop3A_297 : i32 to index
        %parallel_loop3A_827 = arith.constant 496 : index
        %parallel_loop3A_828 = tpu.vector_load %arg6[%parallel_loop3A_825, %parallel_loop3A_826, %parallel_loop3A_827] {strides = array<i32>} : memref<2x16x768xf32, #tpu.memory_space<vmem>>, vector<1x1x16xf32>,
        %parallel_loop3A_829 = vector.shape_cast %parallel_loop3A_828 : vector<1x1x16xf32> to vector<16xf32>
        %parallel_loop3A_830 = arith.index_cast %select_n3A_151 : i32 to index
        %parallel_loop3A_831 = arith.index_cast %parallel_loop3A_297 : i32 to index
        %parallel_loop3A_832 = arith.constant 496 : index
        %parallel_loop3A_833 = tpu.vector_load %arg5[%parallel_loop3A_830, %parallel_loop3A_831, %parallel_loop3A_832] {strides = array<i32>} : memref<2x16x768xf32, #tpu.memory_space<vmem>>, vector<1x1x16xf32>,
        %parallel_loop3A_834 = vector.shape_cast %parallel_loop3A_833 : vector<1x1x16xf32> to vector<16xf32>
        %parallel_loop3A_835 = arith.addf %parallel_loop3A_829, %parallel_loop3A_834 : vector<16xf32>
        %parallel_loop3A_836 = arith.index_cast %select_n3A_135 : i32 to index
        %parallel_loop3A_837 = arith.index_cast %parallel_loop3A_297 : i32 to index
        %parallel_loop3A_838 = arith.constant 496 : index
        %parallel_loop3A_839 = tpu.vector_load %arg7[%parallel_loop3A_836, %parallel_loop3A_837, %parallel_loop3A_838] {strides = array<i32>} : memref<2x16x768xf32, #tpu.memory_space<vmem>>, vector<1x1x16xf32>,
        %parallel_loop3A_840 = vector.shape_cast %parallel_loop3A_839 : vector<1x1x16xf32> to vector<16xf32>
        %parallel_loop3A_841 = vector.shape_cast %parallel_loop3A_835 : vector<16xf32> to vector<1x1x16xf32>
        tpu.vector_store %arg7[%parallel_loop3A_836, %parallel_loop3A_837, %parallel_loop3A_838], %parallel_loop3A_841 {strides = array<i32>} : memref<2x16x768xf32, #tpu.memory_space<vmem>>, vector<1x1x16xf32>,
        %parallel_loop3A_842 = arith.index_cast %select_n3A_135 : i32 to index
        %parallel_loop3A_843 = arith.index_cast %parallel_loop3A_297 : i32 to index
        %parallel_loop3A_844 = arith.constant 512 : index
        %parallel_loop3A_845 = tpu.vector_load %arg6[%parallel_loop3A_842, %parallel_loop3A_843, %parallel_loop3A_844] {strides = array<i32>} : memref<2x16x768xf32, #tpu.memory_space<vmem>>, vector<1x1x16xf32>,
        %parallel_loop3A_846 = vector.shape_cast %parallel_loop3A_845 : vector<1x1x16xf32> to vector<16xf32>
        %parallel_loop3A_847 = arith.index_cast %select_n3A_151 : i32 to index
        %parallel_loop3A_848 = arith.index_cast %parallel_loop3A_297 : i32 to index
        %parallel_loop3A_849 = arith.constant 512 : index
        %parallel_loop3A_850 = tpu.vector_load %arg5[%parallel_loop3A_847, %parallel_loop3A_848, %parallel_loop3A_849] {strides = array<i32>} : memref<2x16x768xf32, #tpu.memory_space<vmem>>, vector<1x1x16xf32>,
        %parallel_loop3A_851 = vector.shape_cast %parallel_loop3A_850 : vector<1x1x16xf32> to vector<16xf32>
        %parallel_loop3A_852 = arith.addf %parallel_loop3A_846, %parallel_loop3A_851 : vector<16xf32>
        %parallel_loop3A_853 = arith.index_cast %select_n3A_135 : i32 to index
        %parallel_loop3A_854 = arith.index_cast %parallel_loop3A_297 : i32 to index
        %parallel_loop3A_855 = arith.constant 512 : index
        %parallel_loop3A_856 = tpu.vector_load %arg7[%parallel_loop3A_853, %parallel_loop3A_854, %parallel_loop3A_855] {strides = array<i32>} : memref<2x16x768xf32, #tpu.memory_space<vmem>>, vector<1x1x16xf32>,
        %parallel_loop3A_857 = vector.shape_cast %parallel_loop3A_856 : vector<1x1x16xf32> to vector<16xf32>
        %parallel_loop3A_858 = vector.shape_cast %parallel_loop3A_852 : vector<16xf32> to vector<1x1x16xf32>
        tpu.vector_store %arg7[%parallel_loop3A_853, %parallel_loop3A_854, %parallel_loop3A_855], %parallel_loop3A_858 {strides = array<i32>} : memref<2x16x768xf32, #tpu.memory_space<vmem>>, vector<1x1x16xf32>,
        %parallel_loop3A_859 = arith.index_cast %select_n3A_135 : i32 to index
        %parallel_loop3A_860 = arith.index_cast %parallel_loop3A_297 : i32 to index
        %parallel_loop3A_861 = arith.constant 528 : index
        %parallel_loop3A_862 = tpu.vector_load %arg6[%parallel_loop3A_859, %parallel_loop3A_860, %parallel_loop3A_861] {strides = array<i32>} : memref<2x16x768xf32, #tpu.memory_space<vmem>>, vector<1x1x16xf32>,
        %parallel_loop3A_863 = vector.shape_cast %parallel_loop3A_862 : vector<1x1x16xf32> to vector<16xf32>
        %parallel_loop3A_864 = arith.index_cast %select_n3A_151 : i32 to index
        %parallel_loop3A_865 = arith.index_cast %parallel_loop3A_297 : i32 to index
        %parallel_loop3A_866 = arith.constant 528 : index
        %parallel_loop3A_867 = tpu.vector_load %arg5[%parallel_loop3A_864, %parallel_loop3A_865, %parallel_loop3A_866] {strides = array<i32>} : memref<2x16x768xf32, #tpu.memory_space<vmem>>, vector<1x1x16xf32>,
        %parallel_loop3A_868 = vector.shape_cast %parallel_loop3A_867 : vector<1x1x16xf32> to vector<16xf32>
        %parallel_loop3A_869 = arith.addf %parallel_loop3A_863, %parallel_loop3A_868 : vector<16xf32>
        %parallel_loop3A_870 = arith.index_cast %select_n3A_135 : i32 to index
        %parallel_loop3A_871 = arith.index_cast %parallel_loop3A_297 : i32 to index
        %parallel_loop3A_872 = arith.constant 528 : index
        %parallel_loop3A_873 = tpu.vector_load %arg7[%parallel_loop3A_870, %parallel_loop3A_871, %parallel_loop3A_872] {strides = array<i32>} : memref<2x16x768xf32, #tpu.memory_space<vmem>>, vector<1x1x16xf32>,
        %parallel_loop3A_874 = vector.shape_cast %parallel_loop3A_873 : vector<1x1x16xf32> to vector<16xf32>
        %parallel_loop3A_875 = vector.shape_cast %parallel_loop3A_869 : vector<16xf32> to vector<1x1x16xf32>
        tpu.vector_store %arg7[%parallel_loop3A_870, %parallel_loop3A_871, %parallel_loop3A_872], %parallel_loop3A_875 {strides = array<i32>} : memref<2x16x768xf32, #tpu.memory_space<vmem>>, vector<1x1x16xf32>,
        %parallel_loop3A_876 = arith.index_cast %select_n3A_135 : i32 to index
        %parallel_loop3A_877 = arith.index_cast %parallel_loop3A_297 : i32 to index
        %parallel_loop3A_878 = arith.constant 544 : index
        %parallel_loop3A_879 = tpu.vector_load %arg6[%parallel_loop3A_876, %parallel_loop3A_877, %parallel_loop3A_878] {strides = array<i32>} : memref<2x16x768xf32, #tpu.memory_space<vmem>>, vector<1x1x16xf32>,
        %parallel_loop3A_880 = vector.shape_cast %parallel_loop3A_879 : vector<1x1x16xf32> to vector<16xf32>
        %parallel_loop3A_881 = arith.index_cast %select_n3A_151 : i32 to index
        %parallel_loop3A_882 = arith.index_cast %parallel_loop3A_297 : i32 to index
        %parallel_loop3A_883 = arith.constant 544 : index
        %parallel_loop3A_884 = tpu.vector_load %arg5[%parallel_loop3A_881, %parallel_loop3A_882, %parallel_loop3A_883] {strides = array<i32>} : memref<2x16x768xf32, #tpu.memory_space<vmem>>, vector<1x1x16xf32>,
        %parallel_loop3A_885 = vector.shape_cast %parallel_loop3A_884 : vector<1x1x16xf32> to vector<16xf32>
        %parallel_loop3A_886 = arith.addf %parallel_loop3A_880, %parallel_loop3A_885 : vector<16xf32>
        %parallel_loop3A_887 = arith.index_cast %select_n3A_135 : i32 to index
        %parallel_loop3A_888 = arith.index_cast %parallel_loop3A_297 : i32 to index
        %parallel_loop3A_889 = arith.constant 544 : index
        %parallel_loop3A_890 = tpu.vector_load %arg7[%parallel_loop3A_887, %parallel_loop3A_888, %parallel_loop3A_889] {strides = array<i32>} : memref<2x16x768xf32, #tpu.memory_space<vmem>>, vector<1x1x16xf32>,
        %parallel_loop3A_891 = vector.shape_cast %parallel_loop3A_890 : vector<1x1x16xf32> to vector<16xf32>
        %parallel_loop3A_892 = vector.shape_cast %parallel_loop3A_886 : vector<16xf32> to vector<1x1x16xf32>
        tpu.vector_store %arg7[%parallel_loop3A_887, %parallel_loop3A_888, %parallel_loop3A_889], %parallel_loop3A_892 {strides = array<i32>} : memref<2x16x768xf32, #tpu.memory_space<vmem>>, vector<1x1x16xf32>,
        %parallel_loop3A_893 = arith.index_cast %select_n3A_135 : i32 to index
        %parallel_loop3A_894 = arith.index_cast %parallel_loop3A_297 : i32 to index
        %parallel_loop3A_895 = arith.constant 560 : index
        %parallel_loop3A_896 = tpu.vector_load %arg6[%parallel_loop3A_893, %parallel_loop3A_894, %parallel_loop3A_895] {strides = array<i32>} : memref<2x16x768xf32, #tpu.memory_space<vmem>>, vector<1x1x16xf32>,
        %parallel_loop3A_897 = vector.shape_cast %parallel_loop3A_896 : vector<1x1x16xf32> to vector<16xf32>
        %parallel_loop3A_898 = arith.index_cast %select_n3A_151 : i32 to index
        %parallel_loop3A_899 = arith.index_cast %parallel_loop3A_297 : i32 to index
        %parallel_loop3A_900 = arith.constant 560 : index
        %parallel_loop3A_901 = tpu.vector_load %arg5[%parallel_loop3A_898, %parallel_loop3A_899, %parallel_loop3A_900] {strides = array<i32>} : memref<2x16x768xf32, #tpu.memory_space<vmem>>, vector<1x1x16xf32>,
        %parallel_loop3A_902 = vector.shape_cast %parallel_loop3A_901 : vector<1x1x16xf32> to vector<16xf32>
        %parallel_loop3A_903 = arith.addf %parallel_loop3A_897, %parallel_loop3A_902 : vector<16xf32>
        %parallel_loop3A_904 = arith.index_cast %select_n3A_135 : i32 to index
        %parallel_loop3A_905 = arith.index_cast %parallel_loop3A_297 : i32 to index
        %parallel_loop3A_906 = arith.constant 560 : index
        %parallel_loop3A_907 = tpu.vector_load %arg7[%parallel_loop3A_904, %parallel_loop3A_905, %parallel_loop3A_906] {strides = array<i32>} : memref<2x16x768xf32, #tpu.memory_space<vmem>>, vector<1x1x16xf32>,
        %parallel_loop3A_908 = vector.shape_cast %parallel_loop3A_907 : vector<1x1x16xf32> to vector<16xf32>
        %parallel_loop3A_909 = vector.shape_cast %parallel_loop3A_903 : vector<16xf32> to vector<1x1x16xf32>
        tpu.vector_store %arg7[%parallel_loop3A_904, %parallel_loop3A_905, %parallel_loop3A_906], %parallel_loop3A_909 {strides = array<i32>} : memref<2x16x768xf32, #tpu.memory_space<vmem>>, vector<1x1x16xf32>,
        %parallel_loop3A_910 = arith.index_cast %select_n3A_135 : i32 to index
        %parallel_loop3A_911 = arith.index_cast %parallel_loop3A_297 : i32 to index
        %parallel_loop3A_912 = arith.constant 576 : index
        %parallel_loop3A_913 = tpu.vector_load %arg6[%parallel_loop3A_910, %parallel_loop3A_911, %parallel_loop3A_912] {strides = array<i32>} : memref<2x16x768xf32, #tpu.memory_space<vmem>>, vector<1x1x16xf32>,
        %parallel_loop3A_914 = vector.shape_cast %parallel_loop3A_913 : vector<1x1x16xf32> to vector<16xf32>
        %parallel_loop3A_915 = arith.index_cast %select_n3A_151 : i32 to index
        %parallel_loop3A_916 = arith.index_cast %parallel_loop3A_297 : i32 to index
        %parallel_loop3A_917 = arith.constant 576 : index
        %parallel_loop3A_918 = tpu.vector_load %arg5[%parallel_loop3A_915, %parallel_loop3A_916, %parallel_loop3A_917] {strides = array<i32>} : memref<2x16x768xf32, #tpu.memory_space<vmem>>, vector<1x1x16xf32>,
        %parallel_loop3A_919 = vector.shape_cast %parallel_loop3A_918 : vector<1x1x16xf32> to vector<16xf32>
        %parallel_loop3A_920 = arith.addf %parallel_loop3A_914, %parallel_loop3A_919 : vector<16xf32>
        %parallel_loop3A_921 = arith.index_cast %select_n3A_135 : i32 to index
        %parallel_loop3A_922 = arith.index_cast %parallel_loop3A_297 : i32 to index
        %parallel_loop3A_923 = arith.constant 576 : index
        %parallel_loop3A_924 = tpu.vector_load %arg7[%parallel_loop3A_921, %parallel_loop3A_922, %parallel_loop3A_923] {strides = array<i32>} : memref<2x16x768xf32, #tpu.memory_space<vmem>>, vector<1x1x16xf32>,
        %parallel_loop3A_925 = vector.shape_cast %parallel_loop3A_924 : vector<1x1x16xf32> to vector<16xf32>
        %parallel_loop3A_926 = vector.shape_cast %parallel_loop3A_920 : vector<16xf32> to vector<1x1x16xf32>
        tpu.vector_store %arg7[%parallel_loop3A_921, %parallel_loop3A_922, %parallel_loop3A_923], %parallel_loop3A_926 {strides = array<i32>} : memref<2x16x768xf32, #tpu.memory_space<vmem>>, vector<1x1x16xf32>,
        %parallel_loop3A_927 = arith.index_cast %select_n3A_135 : i32 to index
        %parallel_loop3A_928 = arith.index_cast %parallel_loop3A_297 : i32 to index
        %parallel_loop3A_929 = arith.constant 592 : index
        %parallel_loop3A_930 = tpu.vector_load %arg6[%parallel_loop3A_927, %parallel_loop3A_928, %parallel_loop3A_929] {strides = array<i32>} : memref<2x16x768xf32, #tpu.memory_space<vmem>>, vector<1x1x16xf32>,
        %parallel_loop3A_931 = vector.shape_cast %parallel_loop3A_930 : vector<1x1x16xf32> to vector<16xf32>
        %parallel_loop3A_932 = arith.index_cast %select_n3A_151 : i32 to index
        %parallel_loop3A_933 = arith.index_cast %parallel_loop3A_297 : i32 to index
        %parallel_loop3A_934 = arith.constant 592 : index
        %parallel_loop3A_935 = tpu.vector_load %arg5[%parallel_loop3A_932, %parallel_loop3A_933, %parallel_loop3A_934] {strides = array<i32>} : memref<2x16x768xf32, #tpu.memory_space<vmem>>, vector<1x1x16xf32>,
        %parallel_loop3A_936 = vector.shape_cast %parallel_loop3A_935 : vector<1x1x16xf32> to vector<16xf32>
        %parallel_loop3A_937 = arith.addf %parallel_loop3A_931, %parallel_loop3A_936 : vector<16xf32>
        %parallel_loop3A_938 = arith.index_cast %select_n3A_135 : i32 to index
        %parallel_loop3A_939 = arith.index_cast %parallel_loop3A_297 : i32 to index
        %parallel_loop3A_940 = arith.constant 592 : index
        %parallel_loop3A_941 = tpu.vector_load %arg7[%parallel_loop3A_938, %parallel_loop3A_939, %parallel_loop3A_940] {strides = array<i32>} : memref<2x16x768xf32, #tpu.memory_space<vmem>>, vector<1x1x16xf32>,
        %parallel_loop3A_942 = vector.shape_cast %parallel_loop3A_941 : vector<1x1x16xf32> to vector<16xf32>
        %parallel_loop3A_943 = vector.shape_cast %parallel_loop3A_937 : vector<16xf32> to vector<1x1x16xf32>
        tpu.vector_store %arg7[%parallel_loop3A_938, %parallel_loop3A_939, %parallel_loop3A_940], %parallel_loop3A_943 {strides = array<i32>} : memref<2x16x768xf32, #tpu.memory_space<vmem>>, vector<1x1x16xf32>,
        %parallel_loop3A_944 = arith.index_cast %select_n3A_135 : i32 to index
        %parallel_loop3A_945 = arith.index_cast %parallel_loop3A_297 : i32 to index
        %parallel_loop3A_946 = arith.constant 608 : index
        %parallel_loop3A_947 = tpu.vector_load %arg6[%parallel_loop3A_944, %parallel_loop3A_945, %parallel_loop3A_946] {strides = array<i32>} : memref<2x16x768xf32, #tpu.memory_space<vmem>>, vector<1x1x16xf32>,
        %parallel_loop3A_948 = vector.shape_cast %parallel_loop3A_947 : vector<1x1x16xf32> to vector<16xf32>
        %parallel_loop3A_949 = arith.index_cast %select_n3A_151 : i32 to index
        %parallel_loop3A_950 = arith.index_cast %parallel_loop3A_297 : i32 to index
        %parallel_loop3A_951 = arith.constant 608 : index
        %parallel_loop3A_952 = tpu.vector_load %arg5[%parallel_loop3A_949, %parallel_loop3A_950, %parallel_loop3A_951] {strides = array<i32>} : memref<2x16x768xf32, #tpu.memory_space<vmem>>, vector<1x1x16xf32>,
        %parallel_loop3A_953 = vector.shape_cast %parallel_loop3A_952 : vector<1x1x16xf32> to vector<16xf32>
        %parallel_loop3A_954 = arith.addf %parallel_loop3A_948, %parallel_loop3A_953 : vector<16xf32>
        %parallel_loop3A_955 = arith.index_cast %select_n3A_135 : i32 to index
        %parallel_loop3A_956 = arith.index_cast %parallel_loop3A_297 : i32 to index
        %parallel_loop3A_957 = arith.constant 608 : index
        %parallel_loop3A_958 = tpu.vector_load %arg7[%parallel_loop3A_955, %parallel_loop3A_956, %parallel_loop3A_957] {strides = array<i32>} : memref<2x16x768xf32, #tpu.memory_space<vmem>>, vector<1x1x16xf32>,
        %parallel_loop3A_959 = vector.shape_cast %parallel_loop3A_958 : vector<1x1x16xf32> to vector<16xf32>
        %parallel_loop3A_960 = vector.shape_cast %parallel_loop3A_954 : vector<16xf32> to vector<1x1x16xf32>
        tpu.vector_store %arg7[%parallel_loop3A_955, %parallel_loop3A_956, %parallel_loop3A_957], %parallel_loop3A_960 {strides = array<i32>} : memref<2x16x768xf32, #tpu.memory_space<vmem>>, vector<1x1x16xf32>,
        %parallel_loop3A_961 = arith.index_cast %select_n3A_135 : i32 to index
        %parallel_loop3A_962 = arith.index_cast %parallel_loop3A_297 : i32 to index
        %parallel_loop3A_963 = arith.constant 624 : index
        %parallel_loop3A_964 = tpu.vector_load %arg6[%parallel_loop3A_961, %parallel_loop3A_962, %parallel_loop3A_963] {strides = array<i32>} : memref<2x16x768xf32, #tpu.memory_space<vmem>>, vector<1x1x16xf32>,
        %parallel_loop3A_965 = vector.shape_cast %parallel_loop3A_964 : vector<1x1x16xf32> to vector<16xf32>
        %parallel_loop3A_966 = arith.index_cast %select_n3A_151 : i32 to index
        %parallel_loop3A_967 = arith.index_cast %parallel_loop3A_297 : i32 to index
        %parallel_loop3A_968 = arith.constant 624 : index
        %parallel_loop3A_969 = tpu.vector_load %arg5[%parallel_loop3A_966, %parallel_loop3A_967, %parallel_loop3A_968] {strides = array<i32>} : memref<2x16x768xf32, #tpu.memory_space<vmem>>, vector<1x1x16xf32>,
        %parallel_loop3A_970 = vector.shape_cast %parallel_loop3A_969 : vector<1x1x16xf32> to vector<16xf32>
        %parallel_loop3A_971 = arith.addf %parallel_loop3A_965, %parallel_loop3A_970 : vector<16xf32>
        %parallel_loop3A_972 = arith.index_cast %select_n3A_135 : i32 to index
        %parallel_loop3A_973 = arith.index_cast %parallel_loop3A_297 : i32 to index
        %parallel_loop3A_974 = arith.constant 624 : index
        %parallel_loop3A_975 = tpu.vector_load %arg7[%parallel_loop3A_972, %parallel_loop3A_973, %parallel_loop3A_974] {strides = array<i32>} : memref<2x16x768xf32, #tpu.memory_space<vmem>>, vector<1x1x16xf32>,
        %parallel_loop3A_976 = vector.shape_cast %parallel_loop3A_975 : vector<1x1x16xf32> to vector<16xf32>
        %parallel_loop3A_977 = vector.shape_cast %parallel_loop3A_971 : vector<16xf32> to vector<1x1x16xf32>
        tpu.vector_store %arg7[%parallel_loop3A_972, %parallel_loop3A_973, %parallel_loop3A_974], %parallel_loop3A_977 {strides = array<i32>} : memref<2x16x768xf32, #tpu.memory_space<vmem>>, vector<1x1x16xf32>,
        %parallel_loop3A_978 = arith.index_cast %select_n3A_135 : i32 to index
        %parallel_loop3A_979 = arith.index_cast %parallel_loop3A_297 : i32 to index
        %parallel_loop3A_980 = arith.constant 640 : index
        %parallel_loop3A_981 = tpu.vector_load %arg6[%parallel_loop3A_978, %parallel_loop3A_979, %parallel_loop3A_980] {strides = array<i32>} : memref<2x16x768xf32, #tpu.memory_space<vmem>>, vector<1x1x16xf32>,
        %parallel_loop3A_982 = vector.shape_cast %parallel_loop3A_981 : vector<1x1x16xf32> to vector<16xf32>
        %parallel_loop3A_983 = arith.index_cast %select_n3A_151 : i32 to index
        %parallel_loop3A_984 = arith.index_cast %parallel_loop3A_297 : i32 to index
        %parallel_loop3A_985 = arith.constant 640 : index
        %parallel_loop3A_986 = tpu.vector_load %arg5[%parallel_loop3A_983, %parallel_loop3A_984, %parallel_loop3A_985] {strides = array<i32>} : memref<2x16x768xf32, #tpu.memory_space<vmem>>, vector<1x1x16xf32>,
        %parallel_loop3A_987 = vector.shape_cast %parallel_loop3A_986 : vector<1x1x16xf32> to vector<16xf32>
        %parallel_loop3A_988 = arith.addf %parallel_loop3A_982, %parallel_loop3A_987 : vector<16xf32>
        %parallel_loop3A_989 = arith.index_cast %select_n3A_135 : i32 to index
        %parallel_loop3A_990 = arith.index_cast %parallel_loop3A_297 : i32 to index
        %parallel_loop3A_991 = arith.constant 640 : index
        %parallel_loop3A_992 = tpu.vector_load %arg7[%parallel_loop3A_989, %parallel_loop3A_990, %parallel_loop3A_991] {strides = array<i32>} : memref<2x16x768xf32, #tpu.memory_space<vmem>>, vector<1x1x16xf32>,
        %parallel_loop3A_993 = vector.shape_cast %parallel_loop3A_992 : vector<1x1x16xf32> to vector<16xf32>
        %parallel_loop3A_994 = vector.shape_cast %parallel_loop3A_988 : vector<16xf32> to vector<1x1x16xf32>
        tpu.vector_store %arg7[%parallel_loop3A_989, %parallel_loop3A_990, %parallel_loop3A_991], %parallel_loop3A_994 {strides = array<i32>} : memref<2x16x768xf32, #tpu.memory_space<vmem>>, vector<1x1x16xf32>,
        %parallel_loop3A_995 = arith.index_cast %select_n3A_135 : i32 to index
        %parallel_loop3A_996 = arith.index_cast %parallel_loop3A_297 : i32 to index
        %parallel_loop3A_997 = arith.constant 656 : index
        %parallel_loop3A_998 = tpu.vector_load %arg6[%parallel_loop3A_995, %parallel_loop3A_996, %parallel_loop3A_997] {strides = array<i32>} : memref<2x16x768xf32, #tpu.memory_space<vmem>>, vector<1x1x16xf32>,
        %parallel_loop3A_999 = vector.shape_cast %parallel_loop3A_998 : vector<1x1x16xf32> to vector<16xf32>
        %parallel_loop3A_1000 = arith.index_cast %select_n3A_151 : i32 to index
        %parallel_loop3A_1001 = arith.index_cast %parallel_loop3A_297 : i32 to index
        %parallel_loop3A_1002 = arith.constant 656 : index
        %parallel_loop3A_1003 = tpu.vector_load %arg5[%parallel_loop3A_1000, %parallel_loop3A_1001, %parallel_loop3A_1002] {strides = array<i32>} : memref<2x16x768xf32, #tpu.memory_space<vmem>>, vector<1x1x16xf32>,
        %parallel_loop3A_1004 = vector.shape_cast %parallel_loop3A_1003 : vector<1x1x16xf32> to vector<16xf32>
        %parallel_loop3A_1005 = arith.addf %parallel_loop3A_999, %parallel_loop3A_1004 : vector<16xf32>
        %parallel_loop3A_1006 = arith.index_cast %select_n3A_135 : i32 to index
        %parallel_loop3A_1007 = arith.index_cast %parallel_loop3A_297 : i32 to index
        %parallel_loop3A_1008 = arith.constant 656 : index
        %parallel_loop3A_1009 = tpu.vector_load %arg7[%parallel_loop3A_1006, %parallel_loop3A_1007, %parallel_loop3A_1008] {strides = array<i32>} : memref<2x16x768xf32, #tpu.memory_space<vmem>>, vector<1x1x16xf32>,
        %parallel_loop3A_1010 = vector.shape_cast %parallel_loop3A_1009 : vector<1x1x16xf32> to vector<16xf32>
        %parallel_loop3A_1011 = vector.shape_cast %parallel_loop3A_1005 : vector<16xf32> to vector<1x1x16xf32>
        tpu.vector_store %arg7[%parallel_loop3A_1006, %parallel_loop3A_1007, %parallel_loop3A_1008], %parallel_loop3A_1011 {strides = array<i32>} : memref<2x16x768xf32, #tpu.memory_space<vmem>>, vector<1x1x16xf32>,
        %parallel_loop3A_1012 = arith.index_cast %select_n3A_135 : i32 to index
        %parallel_loop3A_1013 = arith.index_cast %parallel_loop3A_297 : i32 to index
        %parallel_loop3A_1014 = arith.constant 672 : index
        %parallel_loop3A_1015 = tpu.vector_load %arg6[%parallel_loop3A_1012, %parallel_loop3A_1013, %parallel_loop3A_1014] {strides = array<i32>} : memref<2x16x768xf32, #tpu.memory_space<vmem>>, vector<1x1x16xf32>,
        %parallel_loop3A_1016 = vector.shape_cast %parallel_loop3A_1015 : vector<1x1x16xf32> to vector<16xf32>
        %parallel_loop3A_1017 = arith.index_cast %select_n3A_151 : i32 to index
        %parallel_loop3A_1018 = arith.index_cast %parallel_loop3A_297 : i32 to index
        %parallel_loop3A_1019 = arith.constant 672 : index
        %parallel_loop3A_1020 = tpu.vector_load %arg5[%parallel_loop3A_1017, %parallel_loop3A_1018, %parallel_loop3A_1019] {strides = array<i32>} : memref<2x16x768xf32, #tpu.memory_space<vmem>>, vector<1x1x16xf32>,
        %parallel_loop3A_1021 = vector.shape_cast %parallel_loop3A_1020 : vector<1x1x16xf32> to vector<16xf32>
        %parallel_loop3A_1022 = arith.addf %parallel_loop3A_1016, %parallel_loop3A_1021 : vector<16xf32>
        %parallel_loop3A_1023 = arith.index_cast %select_n3A_135 : i32 to index
        %parallel_loop3A_1024 = arith.index_cast %parallel_loop3A_297 : i32 to index
        %parallel_loop3A_1025 = arith.constant 672 : index
        %parallel_loop3A_1026 = tpu.vector_load %arg7[%parallel_loop3A_1023, %parallel_loop3A_1024, %parallel_loop3A_1025] {strides = array<i32>} : memref<2x16x768xf32, #tpu.memory_space<vmem>>, vector<1x1x16xf32>,
        %parallel_loop3A_1027 = vector.shape_cast %parallel_loop3A_1026 : vector<1x1x16xf32> to vector<16xf32>
        %parallel_loop3A_1028 = vector.shape_cast %parallel_loop3A_1022 : vector<16xf32> to vector<1x1x16xf32>
        tpu.vector_store %arg7[%parallel_loop3A_1023, %parallel_loop3A_1024, %parallel_loop3A_1025], %parallel_loop3A_1028 {strides = array<i32>} : memref<2x16x768xf32, #tpu.memory_space<vmem>>, vector<1x1x16xf32>,
        %parallel_loop3A_1029 = arith.index_cast %select_n3A_135 : i32 to index
        %parallel_loop3A_1030 = arith.index_cast %parallel_loop3A_297 : i32 to index
        %parallel_loop3A_1031 = arith.constant 688 : index
        %parallel_loop3A_1032 = tpu.vector_load %arg6[%parallel_loop3A_1029, %parallel_loop3A_1030, %parallel_loop3A_1031] {strides = array<i32>} : memref<2x16x768xf32, #tpu.memory_space<vmem>>, vector<1x1x16xf32>,
        %parallel_loop3A_1033 = vector.shape_cast %parallel_loop3A_1032 : vector<1x1x16xf32> to vector<16xf32>
        %parallel_loop3A_1034 = arith.index_cast %select_n3A_151 : i32 to index
        %parallel_loop3A_1035 = arith.index_cast %parallel_loop3A_297 : i32 to index
        %parallel_loop3A_1036 = arith.constant 688 : index
        %parallel_loop3A_1037 = tpu.vector_load %arg5[%parallel_loop3A_1034, %parallel_loop3A_1035, %parallel_loop3A_1036] {strides = array<i32>} : memref<2x16x768xf32, #tpu.memory_space<vmem>>, vector<1x1x16xf32>,
        %parallel_loop3A_1038 = vector.shape_cast %parallel_loop3A_1037 : vector<1x1x16xf32> to vector<16xf32>
        %parallel_loop3A_1039 = arith.addf %parallel_loop3A_1033, %parallel_loop3A_1038 : vector<16xf32>
        %parallel_loop3A_1040 = arith.index_cast %select_n3A_135 : i32 to index
        %parallel_loop3A_1041 = arith.index_cast %parallel_loop3A_297 : i32 to index
        %parallel_loop3A_1042 = arith.constant 688 : index
        %parallel_loop3A_1043 = tpu.vector_load %arg7[%parallel_loop3A_1040, %parallel_loop3A_1041, %parallel_loop3A_1042] {strides = array<i32>} : memref<2x16x768xf32, #tpu.memory_space<vmem>>, vector<1x1x16xf32>,
        %parallel_loop3A_1044 = vector.shape_cast %parallel_loop3A_1043 : vector<1x1x16xf32> to vector<16xf32>
        %parallel_loop3A_1045 = vector.shape_cast %parallel_loop3A_1039 : vector<16xf32> to vector<1x1x16xf32>
        tpu.vector_store %arg7[%parallel_loop3A_1040, %parallel_loop3A_1041, %parallel_loop3A_1042], %parallel_loop3A_1045 {strides = array<i32>} : memref<2x16x768xf32, #tpu.memory_space<vmem>>, vector<1x1x16xf32>,
        %parallel_loop3A_1046 = arith.index_cast %select_n3A_135 : i32 to index
        %parallel_loop3A_1047 = arith.index_cast %parallel_loop3A_297 : i32 to index
        %parallel_loop3A_1048 = arith.constant 704 : index
        %parallel_loop3A_1049 = tpu.vector_load %arg6[%parallel_loop3A_1046, %parallel_loop3A_1047, %parallel_loop3A_1048] {strides = array<i32>} : memref<2x16x768xf32, #tpu.memory_space<vmem>>, vector<1x1x16xf32>,
        %parallel_loop3A_1050 = vector.shape_cast %parallel_loop3A_1049 : vector<1x1x16xf32> to vector<16xf32>
        %parallel_loop3A_1051 = arith.index_cast %select_n3A_151 : i32 to index
        %parallel_loop3A_1052 = arith.index_cast %parallel_loop3A_297 : i32 to index
        %parallel_loop3A_1053 = arith.constant 704 : index
        %parallel_loop3A_1054 = tpu.vector_load %arg5[%parallel_loop3A_1051, %parallel_loop3A_1052, %parallel_loop3A_1053] {strides = array<i32>} : memref<2x16x768xf32, #tpu.memory_space<vmem>>, vector<1x1x16xf32>,
        %parallel_loop3A_1055 = vector.shape_cast %parallel_loop3A_1054 : vector<1x1x16xf32> to vector<16xf32>
        %parallel_loop3A_1056 = arith.addf %parallel_loop3A_1050, %parallel_loop3A_1055 : vector<16xf32>
        %parallel_loop3A_1057 = arith.index_cast %select_n3A_135 : i32 to index
        %parallel_loop3A_1058 = arith.index_cast %parallel_loop3A_297 : i32 to index
        %parallel_loop3A_1059 = arith.constant 704 : index
        %parallel_loop3A_1060 = tpu.vector_load %arg7[%parallel_loop3A_1057, %parallel_loop3A_1058, %parallel_loop3A_1059] {strides = array<i32>} : memref<2x16x768xf32, #tpu.memory_space<vmem>>, vector<1x1x16xf32>,
        %parallel_loop3A_1061 = vector.shape_cast %parallel_loop3A_1060 : vector<1x1x16xf32> to vector<16xf32>
        %parallel_loop3A_1062 = vector.shape_cast %parallel_loop3A_1056 : vector<16xf32> to vector<1x1x16xf32>
        tpu.vector_store %arg7[%parallel_loop3A_1057, %parallel_loop3A_1058, %parallel_loop3A_1059], %parallel_loop3A_1062 {strides = array<i32>} : memref<2x16x768xf32, #tpu.memory_space<vmem>>, vector<1x1x16xf32>,
        %parallel_loop3A_1063 = arith.index_cast %select_n3A_135 : i32 to index
        %parallel_loop3A_1064 = arith.index_cast %parallel_loop3A_297 : i32 to index
        %parallel_loop3A_1065 = arith.constant 720 : index
        %parallel_loop3A_1066 = tpu.vector_load %arg6[%parallel_loop3A_1063, %parallel_loop3A_1064, %parallel_loop3A_1065] {strides = array<i32>} : memref<2x16x768xf32, #tpu.memory_space<vmem>>, vector<1x1x16xf32>,
        %parallel_loop3A_1067 = vector.shape_cast %parallel_loop3A_1066 : vector<1x1x16xf32> to vector<16xf32>
        %parallel_loop3A_1068 = arith.index_cast %select_n3A_151 : i32 to index
        %parallel_loop3A_1069 = arith.index_cast %parallel_loop3A_297 : i32 to index
        %parallel_loop3A_1070 = arith.constant 720 : index
        %parallel_loop3A_1071 = tpu.vector_load %arg5[%parallel_loop3A_1068, %parallel_loop3A_1069, %parallel_loop3A_1070] {strides = array<i32>} : memref<2x16x768xf32, #tpu.memory_space<vmem>>, vector<1x1x16xf32>,
        %parallel_loop3A_1072 = vector.shape_cast %parallel_loop3A_1071 : vector<1x1x16xf32> to vector<16xf32>
        %parallel_loop3A_1073 = arith.addf %parallel_loop3A_1067, %parallel_loop3A_1072 : vector<16xf32>
        %parallel_loop3A_1074 = arith.index_cast %select_n3A_135 : i32 to index
        %parallel_loop3A_1075 = arith.index_cast %parallel_loop3A_297 : i32 to index
        %parallel_loop3A_1076 = arith.constant 720 : index
        %parallel_loop3A_1077 = tpu.vector_load %arg7[%parallel_loop3A_1074, %parallel_loop3A_1075, %parallel_loop3A_1076] {strides = array<i32>} : memref<2x16x768xf32, #tpu.memory_space<vmem>>, vector<1x1x16xf32>,
        %parallel_loop3A_1078 = vector.shape_cast %parallel_loop3A_1077 : vector<1x1x16xf32> to vector<16xf32>
        %parallel_loop3A_1079 = vector.shape_cast %parallel_loop3A_1073 : vector<16xf32> to vector<1x1x16xf32>
        tpu.vector_store %arg7[%parallel_loop3A_1074, %parallel_loop3A_1075, %parallel_loop3A_1076], %parallel_loop3A_1079 {strides = array<i32>} : memref<2x16x768xf32, #tpu.memory_space<vmem>>, vector<1x1x16xf32>,
        %parallel_loop3A_1080 = arith.index_cast %select_n3A_135 : i32 to index
        %parallel_loop3A_1081 = arith.index_cast %parallel_loop3A_297 : i32 to index
        %parallel_loop3A_1082 = arith.constant 736 : index
        %parallel_loop3A_1083 = tpu.vector_load %arg6[%parallel_loop3A_1080, %parallel_loop3A_1081, %parallel_loop3A_1082] {strides = array<i32>} : memref<2x16x768xf32, #tpu.memory_space<vmem>>, vector<1x1x16xf32>,
        %parallel_loop3A_1084 = vector.shape_cast %parallel_loop3A_1083 : vector<1x1x16xf32> to vector<16xf32>
        %parallel_loop3A_1085 = arith.index_cast %select_n3A_151 : i32 to index
        %parallel_loop3A_1086 = arith.index_cast %parallel_loop3A_297 : i32 to index
        %parallel_loop3A_1087 = arith.constant 736 : index
        %parallel_loop3A_1088 = tpu.vector_load %arg5[%parallel_loop3A_1085, %parallel_loop3A_1086, %parallel_loop3A_1087] {strides = array<i32>} : memref<2x16x768xf32, #tpu.memory_space<vmem>>, vector<1x1x16xf32>,
        %parallel_loop3A_1089 = vector.shape_cast %parallel_loop3A_1088 : vector<1x1x16xf32> to vector<16xf32>
        %parallel_loop3A_1090 = arith.addf %parallel_loop3A_1084, %parallel_loop3A_1089 : vector<16xf32>
        %parallel_loop3A_1091 = arith.index_cast %select_n3A_135 : i32 to index
        %parallel_loop3A_1092 = arith.index_cast %parallel_loop3A_297 : i32 to index
        %parallel_loop3A_1093 = arith.constant 736 : index
        %parallel_loop3A_1094 = tpu.vector_load %arg7[%parallel_loop3A_1091, %parallel_loop3A_1092, %parallel_loop3A_1093] {strides = array<i32>} : memref<2x16x768xf32, #tpu.memory_space<vmem>>, vector<1x1x16xf32>,
        %parallel_loop3A_1095 = vector.shape_cast %parallel_loop3A_1094 : vector<1x1x16xf32> to vector<16xf32>
        %parallel_loop3A_1096 = vector.shape_cast %parallel_loop3A_1090 : vector<16xf32> to vector<1x1x16xf32>
        tpu.vector_store %arg7[%parallel_loop3A_1091, %parallel_loop3A_1092, %parallel_loop3A_1093], %parallel_loop3A_1096 {strides = array<i32>} : memref<2x16x768xf32, #tpu.memory_space<vmem>>, vector<1x1x16xf32>,
        %parallel_loop3A_1097 = arith.index_cast %select_n3A_135 : i32 to index
        %parallel_loop3A_1098 = arith.index_cast %parallel_loop3A_297 : i32 to index
        %parallel_loop3A_1099 = arith.constant 752 : index
        %parallel_loop3A_1100 = tpu.vector_load %arg6[%parallel_loop3A_1097, %parallel_loop3A_1098, %parallel_loop3A_1099] {strides = array<i32>} : memref<2x16x768xf32, #tpu.memory_space<vmem>>, vector<1x1x16xf32>,
        %parallel_loop3A_1101 = vector.shape_cast %parallel_loop3A_1100 : vector<1x1x16xf32> to vector<16xf32>
        %parallel_loop3A_1102 = arith.index_cast %select_n3A_151 : i32 to index
        %parallel_loop3A_1103 = arith.index_cast %parallel_loop3A_297 : i32 to index
        %parallel_loop3A_1104 = arith.constant 752 : index
        %parallel_loop3A_1105 = tpu.vector_load %arg5[%parallel_loop3A_1102, %parallel_loop3A_1103, %parallel_loop3A_1104] {strides = array<i32>} : memref<2x16x768xf32, #tpu.memory_space<vmem>>, vector<1x1x16xf32>,
        %parallel_loop3A_1106 = vector.shape_cast %parallel_loop3A_1105 : vector<1x1x16xf32> to vector<16xf32>
        %parallel_loop3A_1107 = arith.addf %parallel_loop3A_1101, %parallel_loop3A_1106 : vector<16xf32>
        %parallel_loop3A_1108 = arith.index_cast %select_n3A_135 : i32 to index
        %parallel_loop3A_1109 = arith.index_cast %parallel_loop3A_297 : i32 to index
        %parallel_loop3A_1110 = arith.constant 752 : index
        %parallel_loop3A_1111 = tpu.vector_load %arg7[%parallel_loop3A_1108, %parallel_loop3A_1109, %parallel_loop3A_1110] {strides = array<i32>} : memref<2x16x768xf32, #tpu.memory_space<vmem>>, vector<1x1x16xf32>,
        %parallel_loop3A_1112 = vector.shape_cast %parallel_loop3A_1111 : vector<1x1x16xf32> to vector<16xf32>
        %parallel_loop3A_1113 = vector.shape_cast %parallel_loop3A_1107 : vector<16xf32> to vector<1x1x16xf32>
        tpu.vector_store %arg7[%parallel_loop3A_1108, %parallel_loop3A_1109, %parallel_loop3A_1110], %parallel_loop3A_1113 {strides = array<i32>} : memref<2x16x768xf32, #tpu.memory_space<vmem>>, vector<1x1x16xf32>,
      } {sc.loop_unroll_factor = 2 : i64, sc.parallel_access}
      %jit3A_237 = arith.constant 4 : i32
      %div3A_238 = arith.divsi %scan3A_88, %jit3A_237 : i32
      %sign3A_239 = arith.constant 0 : i32
      %sign3A_240 = arith.cmpi sgt, %scan3A_88, %sign3A_239 : i32
      %sign3A_241 = arith.extui %sign3A_240 : i1 to i32
      %sign3A_242 = arith.constant 0 : i32
      %sign3A_243 = arith.cmpi slt, %scan3A_88, %sign3A_242 : i32
      %sign3A_244 = arith.extui %sign3A_243 : i1 to i32
      %sign3A_245 = arith.subi %sign3A_241, %sign3A_244 : i32
      %sign3A_246 = arith.constant 0 : i32
      %sign3A_247 = arith.cmpi sgt, %jit3A_237, %sign3A_246 : i32
      %sign3A_248 = arith.extui %sign3A_247 : i1 to i32
      %sign3A_249 = arith.constant 0 : i32
      %sign3A_250 = arith.cmpi slt, %jit3A_237, %sign3A_249 : i32
      %sign3A_251 = arith.extui %sign3A_250 : i1 to i32
      %sign3A_252 = arith.subi %sign3A_248, %sign3A_251 : i32
      %ne3A_253 = arith.cmpi ne, %sign3A_245, %sign3A_252 : i32
      %rem3A_254 = arith.remsi %scan3A_88, %jit3A_237 : i32
      %ne3A_255 = arith.constant 0 : i32
      %ne3A_256 = arith.cmpi ne, %rem3A_254, %ne3A_255 : i32
      %and3A_257 = arith.andi %ne3A_253, %ne3A_256 : i1
      %sub3A_258 = arith.constant 1 : i32
      %sub3A_259 = arith.subi %div3A_238, %sub3A_258 : i32
      %select_n3A_260 = arith.select %and3A_257, %sub3A_259, %div3A_238 : i32
      %mul3A_261 = arith.constant 16 : i32
      %mul3A_262 = arith.muli %select_n3A_260, %mul3A_261 : i32
      %add3A_263 = arith.addi %mul3A_2, %mul3A_262 : i32
      %jit3A_264 = arith.constant 4 : i32
      %eq3A_265 = arith.constant 0 : i32
      %eq3A_266 = arith.cmpi eq, %jit3A_264, %eq3A_265 : i32
      %jit3A_267 = arith.constant 1 : i32
      %select_n3A_268 = arith.select %eq3A_266, %jit3A_267, %jit3A_264 : i32
      %rem3A_269 = arith.remsi %scan3A_88, %select_n3A_268 : i32
      %ne3A_270 = arith.constant 0 : i32
      %ne3A_271 = arith.cmpi ne, %rem3A_269, %ne3A_270 : i32
      %lt3A_272 = arith.constant 0 : i32
      %lt3A_273 = arith.cmpi slt, %rem3A_269, %lt3A_272 : i32
      %lt3A_274 = arith.constant 0 : i32
      %lt3A_275 = arith.cmpi slt, %select_n3A_268, %lt3A_274 : i32
      %ne3A_276 = arith.xori %lt3A_273, %lt3A_275 : i1
      %and3A_277 = arith.andi %ne3A_276, %ne3A_271 : i1
      %add3A_278 = arith.addi %rem3A_269, %select_n3A_268 : i32
      %select_n3A_279 = arith.select %and3A_277, %add3A_278, %rem3A_269 : i32
      %dma_start3A_280 = arith.constant 0 : i32
      %dma_start3A_281 = arith.constant 0 : i32
      %dma_start3A_282 = tpu.memref_slice %arg7[%select_n3A_135, %dma_start3A_280, %dma_start3A_281] : memref<2x16x768xf32, #tpu.memory_space<vmem>> -> memref<1x16x768xf32, #tpu.memory_space<vmem>>
      %dma_start3A_283 = tpu.memref_squeeze %dma_start3A_282 : memref<1x16x768xf32, #tpu.memory_space<vmem>> -> memref<16x768xf32, #tpu.memory_space<vmem>>
      %dma_start3A_284 = arith.constant 0 : i32
      %dma_start3A_285 = tpu.memref_slice %arg4[%select_n3A_279, %add3A_263, %dma_start3A_284] : memref<4x8192x768xf32, #tpu.memory_space<hbm>> -> memref<1x16x768xf32, #tpu.memory_space<hbm>>
      %dma_start3A_286 = tpu.memref_squeeze %dma_start3A_285 : memref<1x16x768xf32, #tpu.memory_space<hbm>> -> memref<16x768xf32, #tpu.memory_space<hbm>>
      %dma_start3A_287 = tpu.memref_slice %arg10[%select_n3A_135] : memref<2x!tpu.dma_semaphore, #tpu.memory_space<semaphore_mem>> -> memref<1x!tpu.dma_semaphore, #tpu.memory_space<semaphore_mem>>
      %dma_start3A_288 = tpu.memref_squeeze %dma_start3A_287 : memref<1x!tpu.dma_semaphore, #tpu.memory_space<semaphore_mem>> -> memref<!tpu.dma_semaphore, #tpu.memory_space<semaphore_mem>>
      %dma_start3A_289 = arith.constant 0 : i32
      %dma_start3A_290 = tpu.memref_slice %arg4[%select_n3A_279, %add3A_263, %dma_start3A_289] : memref<4x8192x768xf32, #tpu.memory_space<hbm>> -> memref<1x16x768xf32, #tpu.memory_space<hbm>>
      %dma_start3A_291 = tpu.memref_squeeze %dma_start3A_290 : memref<1x16x768xf32, #tpu.memory_space<hbm>> -> memref<16x768xf32, #tpu.memory_space<hbm>>
      %dma_start3A_292 = arith.constant 0 : i32
      %dma_start3A_293 = arith.constant 0 : i32
      %dma_start3A_294 = tpu.memref_slice %arg7[%select_n3A_135, %dma_start3A_292, %dma_start3A_293] : memref<2x16x768xf32, #tpu.memory_space<vmem>> -> memref<1x16x768xf32, #tpu.memory_space<vmem>>
      %dma_start3A_295 = tpu.memref_squeeze %dma_start3A_294 : memref<1x16x768xf32, #tpu.memory_space<vmem>> -> memref<16x768xf32, #tpu.memory_space<vmem>>
      tpu.enqueue_dma source(%dma_start3A_295 : memref<16x768xf32, #tpu.memory_space<vmem>>) target(%dma_start3A_291 : memref<16x768xf32, #tpu.memory_space<hbm>>) target_semaphore(%dma_start3A_288 : memref<!tpu.dma_semaphore, #tpu.memory_space<semaphore_mem>>)
      %scan3A_296 = arith.constant 0 : i32
      scf.yield %scan3A_296 : i32
    }
    %scan3A_46 = arith.constant 64 : i32
    %add3A_47 = arith.constant 240 : i32
    %add3A_48 = arith.addi %mul3A_2, %add3A_47 : i32
    %dma_wait3A = arith.constant 0 : i32
    %dma_wait3A_49 = arith.constant 2 : i32
    %dma_wait3A_50 = arith.constant 0 : i32
    %dma_wait3A_51 = arith.constant 0 : i32
    %dma_wait3A_52 = arith.constant 0 : i32
    %dma_wait3A_53 = tpu.memref_slice %arg7[%dma_wait3A, %dma_wait3A_51, %dma_wait3A_52] : memref<2x16x768xf32, #tpu.memory_space<vmem>> -> memref<1x16x768xf32, #tpu.memory_space<vmem>>
    %dma_wait3A_54 = tpu.memref_squeeze %dma_wait3A_53 : memref<1x16x768xf32, #tpu.memory_space<vmem>> -> memref<16x768xf32, #tpu.memory_space<vmem>>
    %dma_wait3A_55 = arith.constant 0 : i32
    %dma_wait3A_56 = tpu.memref_slice %arg4[%dma_wait3A_49, %add3A_48, %dma_wait3A_55] : memref<4x8192x768xf32, #tpu.memory_space<hbm>> -> memref<1x16x768xf32, #tpu.memory_space<hbm>>
    %dma_wait3A_57 = tpu.memref_squeeze %dma_wait3A_56 : memref<1x16x768xf32, #tpu.memory_space<hbm>> -> memref<16x768xf32, #tpu.memory_space<hbm>>
    %dma_wait3A_58 = tpu.memref_slice %arg10[%dma_wait3A_50] : memref<2x!tpu.dma_semaphore, #tpu.memory_space<semaphore_mem>> -> memref<1x!tpu.dma_semaphore, #tpu.memory_space<semaphore_mem>>
    %dma_wait3A_59 = tpu.memref_squeeze %dma_wait3A_58 : memref<1x!tpu.dma_semaphore, #tpu.memory_space<semaphore_mem>> -> memref<!tpu.dma_semaphore, #tpu.memory_space<semaphore_mem>>
    %dma_wait3A_60 = arith.constant 0 : i32
    %dma_wait3A_61 = tpu.memref_slice %arg4[%dma_wait3A_49, %add3A_48, %dma_wait3A_60] : memref<4x8192x768xf32, #tpu.memory_space<hbm>> -> memref<1x16x768xf32, #tpu.memory_space<hbm>>
    %dma_wait3A_62 = tpu.memref_squeeze %dma_wait3A_61 : memref<1x16x768xf32, #tpu.memory_space<hbm>> -> memref<16x768xf32, #tpu.memory_space<hbm>>
    %dma_wait3A_63 = arith.constant 0 : i32
    %dma_wait3A_64 = arith.constant 0 : i32
    %dma_wait3A_65 = tpu.memref_slice %arg7[%dma_wait3A, %dma_wait3A_63, %dma_wait3A_64] : memref<2x16x768xf32, #tpu.memory_space<vmem>> -> memref<1x16x768xf32, #tpu.memory_space<vmem>>
    %dma_wait3A_66 = tpu.memref_squeeze %dma_wait3A_65 : memref<1x16x768xf32, #tpu.memory_space<vmem>> -> memref<16x768xf32, #tpu.memory_space<vmem>>
    tpu.wait_dma2 semaphore(%dma_wait3A_59 : memref<!tpu.dma_semaphore, #tpu.memory_space<semaphore_mem>>) src(%dma_wait3A_66 : memref<16x768xf32, #tpu.memory_space<vmem>>) dst(%dma_wait3A_62 : memref<16x768xf32, #tpu.memory_space<hbm>>)
    %add3A_67 = arith.constant 240 : i32
    %add3A_68 = arith.addi %mul3A_2, %add3A_67 : i32
    %dma_wait3A_69 = arith.constant 1 : i32
    %dma_wait3A_70 = arith.constant 3 : i32
    %dma_wait3A_71 = arith.constant 1 : i32
    %dma_wait3A_72 = arith.constant 0 : i32
    %dma_wait3A_73 = arith.constant 0 : i32
    %dma_wait3A_74 = tpu.memref_slice %arg7[%dma_wait3A_69, %dma_wait3A_72, %dma_wait3A_73] : memref<2x16x768xf32, #tpu.memory_space<vmem>> -> memref<1x16x768xf32, #tpu.memory_space<vmem>>
    %dma_wait3A_75 = tpu.memref_squeeze %dma_wait3A_74 : memref<1x16x768xf32, #tpu.memory_space<vmem>> -> memref<16x768xf32, #tpu.memory_space<vmem>>
    %dma_wait3A_76 = arith.constant 0 : i32
    %dma_wait3A_77 = tpu.memref_slice %arg4[%dma_wait3A_70, %add3A_68, %dma_wait3A_76] : memref<4x8192x768xf32, #tpu.memory_space<hbm>> -> memref<1x16x768xf32, #tpu.memory_space<hbm>>
    %dma_wait3A_78 = tpu.memref_squeeze %dma_wait3A_77 : memref<1x16x768xf32, #tpu.memory_space<hbm>> -> memref<16x768xf32, #tpu.memory_space<hbm>>
    %dma_wait3A_79 = tpu.memref_slice %arg10[%dma_wait3A_71] : memref<2x!tpu.dma_semaphore, #tpu.memory_space<semaphore_mem>> -> memref<1x!tpu.dma_semaphore, #tpu.memory_space<semaphore_mem>>
    %dma_wait3A_80 = tpu.memref_squeeze %dma_wait3A_79 : memref<1x!tpu.dma_semaphore, #tpu.memory_space<semaphore_mem>> -> memref<!tpu.dma_semaphore, #tpu.memory_space<semaphore_mem>>
    %dma_wait3A_81 = arith.constant 0 : i32
    %dma_wait3A_82 = tpu.memref_slice %arg4[%dma_wait3A_70, %add3A_68, %dma_wait3A_81] : memref<4x8192x768xf32, #tpu.memory_space<hbm>> -> memref<1x16x768xf32, #tpu.memory_space<hbm>>
    %dma_wait3A_83 = tpu.memref_squeeze %dma_wait3A_82 : memref<1x16x768xf32, #tpu.memory_space<hbm>> -> memref<16x768xf32, #tpu.memory_space<hbm>>
    %dma_wait3A_84 = arith.constant 0 : i32
    %dma_wait3A_85 = arith.constant 0 : i32
    %dma_wait3A_86 = tpu.memref_slice %arg7[%dma_wait3A_69, %dma_wait3A_84, %dma_wait3A_85] : memref<2x16x768xf32, #tpu.memory_space<vmem>> -> memref<1x16x768xf32, #tpu.memory_space<vmem>>
    %dma_wait3A_87 = tpu.memref_squeeze %dma_wait3A_86 : memref<1x16x768xf32, #tpu.memory_space<vmem>> -> memref<16x768xf32, #tpu.memory_space<vmem>>
    tpu.wait_dma2 semaphore(%dma_wait3A_80 : memref<!tpu.dma_semaphore, #tpu.memory_space<semaphore_mem>>) src(%dma_wait3A_87 : memref<16x768xf32, #tpu.memory_space<vmem>>) dst(%dma_wait3A_83 : memref<16x768xf32, #tpu.memory_space<hbm>>)
    return
  }
}

</mosaic_0001>

<sc_bundles>
// kernel: kernel.3.cloned.1.call-start
scs
__scs_entry_jumppad:
0x0: {  	(pc) =	sbr.rel $0x88, $3  }
0x1: {  	(tag) =	ssettag $0x0;
	lr =	simm.s32 $0x1  }
0x2: {  	[smem:$0x3F9F] =	sst lr;
	_ =	strace $0xD0000000  }
0x3: {  	_ = 	snop  }
0x4: {  	_ = 	snop  }
0x5: {  	_ = 	snop  }
0x6: {  	_ = 	snop  }
0x7: {  	_ = 	snop  }
__scs_overlays_trampoline_lowered:
0x8: {  	[smem:$0x3FAE] =	sst s0  }
0x9: {  	[smem:$0x3FAF] =	sst s1  }
0xa: {  	[smem:$0x3FB0] =	sst s2  }
0xb: {  	[smem:$0x3FB1] =	sst s3  }
0xc: {  	[smem:$0x3FB2] =	sst s4  }
0xd: {  	[smem:$0x3FB3] =	sst s5  }
0xe: {  	[smem:$0x3FB4] =	sst s6  }
0xf: {  	[smem:$0x3FB5] =	sst s7  }
0x10: {  	[smem:$0x3FB6] =	sst s8  }
0x11: {  	[smem:$0x3FB7] =	sst s9;
	s0 =	simm.s32 @!p0 $0x0  }
0x12: {  	s1 =	sld [smem:$0x3F9D];
	s0 =	simm.s32 @p0 $0x1  }
0x13: {  	[smem:$0x3FB8] =	sst s0;
	s0 =	simm.s32 @!p1 $0x0  }
0x14: {  	s2 =	sld [smem:$0x3F9C];
	s0 =	simm.s32 @p1 $0x1  }
0x15: {  	[smem:$0x3FB9] =	sst s0;
	s0 =	simm.s32 @!p2 $0x0  }
0x16: {  	s3 =	sld [smem:$0x3FDB];
	s0 =	simm.s32 @p2 $0x1  }
0x17: {  	s4 =	simm.s32 $0x1BF5;
	[smem:$0x3FBB] =	sst s0  }
0x18: {  	s0 =	sld [smem:$0x3F9E];
	_ =	swait.ge [sflag:s4], $0x0  }
0x19: {  	s7 =	sld [smem:$0x3F9F]  }
0x1a: {  	s8 =	sadd.s32 $0xFFFFE003, lr  }
0x1b: {  	s9 =	sadd.s32 $0xFFFFFEF7, lr;
	s5 =	simm.s32 $0xFFFFFFFF;
	p2 =	slt.u32 s8, $0xFFFFF086  }
0x1c: {  	p1 =	slt.u32 s9, $0xF7A;
	s5 =	simm.s32 @!p2 $0x0  }
0x1d: {  	s5 =	simm.s32 @p1 $0x1;
	p0 =	seq.s32 s7, s2  }
0x1e: {  	s7 =	smul.u32 @!p0 $0xF7A, s2;
	p2 =	seq.s32 @!p0 s5, $0x0  }
0x1f: {  	s9 =	smul.u32 $0xF7A, s1;
	s8 =	simm.s32 @!p0 $0x1BF5;
	p2 =	por !p2, p0  }
0x20: {  	[sflag:s8] =	ssyncset.s32 @!p0 $0xFFFFF086;
	s6 =	sadd.s32 @!p0 s3, s7;
	s7 =	simm.s32 @!p0 $0x108  }
0x21: {  	s3 =	sadd.s32 s3, s9;
	s6 =	sadd.s32 @!p0 $0x88, s6;
	s7 =	simm.s32 @p2 $0x1082  }
0x22: {  	[simem:s7], [sflag:s8] =	dma.local @!p0 [hbm:s6], $0xF7A  }
0x23: {  	s9 =	sor.u32 $0xD0000000, s2;
	s6 =	simm.s32 $0x108;
	_ =	swait.ge @!p0 [sflag:s8], $0x0  }
0x24: {  	s3 =	sadd.s32 $0x88, s3;
	s6 =	simm.s32 @!p1 $0x1082;
	[sflag:s4] =	ssyncset.s32 $0xFFFFF086  }
0x25: {  	[simem:s6], [sflag:s4] =	dma.local [hbm:s3], $0xF7A  }
0x26: {  	[smem:$0x3F9F] =	sst s1;
	(tag) =	ssettag s2;
	_ =	strace s9  }
0x27: {  	s1 =	sld [smem:$0x3FAF]  }
0x28: {  	s2 =	sld [smem:$0x3FB0]  }
0x29: {  	s4 =	sld [smem:$0x3FB2]  }
0x2a: {  	p0 =	seq.s32 s5, $0x0;
	s5 =	sld [smem:$0x3FB3]  }
0x2b: {  	s6 =	sld [smem:$0x3FB4]  }
0x2c: {  	s7 =	sld [smem:$0x3FB5]  }
0x2d: {  	s3 =	simm.s32 $0x108;
	s8 =	sld [smem:$0x3FB6]  }
0x2e: {  	s3 =	simm.s32 @!p0 $0x1082;
	s9 =	sld [smem:$0x3FB7]  }
0x2f: {  	lr =	sadd.s32 s0, s3;
	s0 =	sld [smem:$0x3FAE]  }
0x30: {  	s3 =	sld [smem:$0x3FB1]  }
0x31: {  	[smem:$0x3FBA] =	sst s10  }
0x32: {  	s10 =	sld [smem:$0x3FB8];
	_ =	sdelay $0x3  }
0x33: {  	p0 =	seq.s32 s10, $0x1;
	s10 =	sld [smem:$0x3FBA];
	_ =	sdelay $0x3  }
0x34: {  	[smem:$0x3FBA] =	sst s10  }
0x35: {  	s10 =	sld [smem:$0x3FB9];
	_ =	sdelay $0x3  }
0x36: {  	p1 =	seq.s32 s10, $0x1;
	s10 =	sld [smem:$0x3FBA];
	_ =	sdelay $0x3  }
0x37: {  	[smem:$0x3FBA] =	sst s10  }
0x38: {  	s10 =	sld [smem:$0x3FBB]  }
0x39: {  	_ = 	snop;
	(pc) =	sbr.ind lr, $3  }
0x3a: {  	_ = 	snop  }
0x3b: {  	_ = 	snop  }
0x3c: {  	p2 =	seq.s32 s10, $0x1;
	s10 =	sld [smem:$0x3FBA]  }
0x3d: {  	_ =	shalt  }
0x3e: {  	_ =	shalt  }
0x3f: {  	_ =	shalt  }
0x40: {  	_ =	shalt  }
0x41: {  	_ =	shalt  }
0x42: {  	_ =	shalt  }
0x43: {  	_ =	shalt  }
0x44: {  	_ =	shalt  }
0x45: {  	_ =	shalt  }
0x46: {  	_ =	shalt  }
0x47: {  	_ =	shalt  }
0x48: {  	_ =	shalt  }
0x49: {  	_ =	shalt  }
0x4a: {  	_ =	shalt  }
0x4b: {  	_ =	shalt  }
0x4c: {  	_ =	shalt  }
0x4d: {  	_ =	shalt  }
0x4e: {  	_ =	shalt  }
0x4f: {  	_ =	shalt  }
0x50: {  	_ =	shalt  }
0x51: {  	_ =	shalt  }
0x52: {  	_ =	shalt  }
0x53: {  	_ =	shalt  }
0x54: {  	_ =	shalt  }
0x55: {  	_ =	shalt  }
0x56: {  	_ =	shalt  }
0x57: {  	_ =	shalt  }
0x58: {  	_ =	shalt  }
0x59: {  	_ =	shalt  }
0x5a: {  	_ =	shalt  }
0x5b: {  	_ =	shalt  }
0x5c: {  	_ =	shalt  }
0x5d: {  	_ =	shalt  }
0x5e: {  	_ =	shalt  }
0x5f: {  	_ =	shalt  }
0x60: {  	_ =	shalt  }
0x61: {  	_ =	shalt  }
0x62: {  	_ =	shalt  }
0x63: {  	_ =	shalt  }
0x64: {  	_ =	shalt  }
0x65: {  	_ =	shalt  }
0x66: {  	_ =	shalt  }
0x67: {  	_ =	shalt  }
0x68: {  	_ =	shalt  }
0x69: {  	_ =	shalt  }
0x6a: {  	_ =	shalt  }
0x6b: {  	_ =	shalt  }
0x6c: {  	_ =	shalt  }
0x6d: {  	_ =	shalt  }
0x6e: {  	_ =	shalt  }
0x6f: {  	_ =	shalt  }
0x70: {  	_ =	shalt  }
0x71: {  	_ =	shalt  }
0x72: {  	_ =	shalt  }
0x73: {  	_ =	shalt  }
0x74: {  	_ =	shalt  }
0x75: {  	_ =	shalt  }
0x76: {  	_ =	shalt  }
0x77: {  	_ =	shalt  }
0x78: {  	_ =	shalt  }
0x79: {  	_ =	shalt  }
0x7a: {  	_ =	shalt  }
0x7b: {  	_ =	shalt  }
0x7c: {  	_ =	shalt  }
0x7d: {  	_ =	shalt  }
0x7e: {  	_ =	shalt  }
0x7f: {  	_ =	shalt  }
0x80: {  	_ =	shalt  }
0x81: {  	_ =	shalt  }
0x82: {  	_ =	shalt  }
0x83: {  	_ =	shalt  }
0x84: {  	_ =	shalt  }
0x85: {  	_ =	shalt  }
0x86: {  	_ =	shalt  }
0x87: {  	_ =	shalt  }
.Lfunc_end0:
.L_simem_size_0:
called_computation_lowered:
.L_overlay_start_0:
0x88: {  	s2 =	sld [smem:$0x3FD9]  }
0x89: {  	s3 =	sld [smem:$0x3FFE];
	_ =	sdelay $0x1  }
0x8a: {  	s1 =	srdreg.scid  }
0x8b: {  	s0 =	sand.u32 $0x1, s1  }
0x8c: {  	s18 =	sshll.u32 s0, $0xA;
	s2 =	sadd.s32 s3, s2  }
0x8d: {  	s2 =	sadd.s32 s2, s18  }
0x8e: {  	[smem:$0x3FC6] =	sst s2  }
0x8f: {  	_ = 	snop  }
0x90: {  	s2 =	sld [smem:$0x3FC9]  }
0x91: {  	s19 =	sld [smem:$0x3FC8]  }
0x92: {  	s4 =	sld [smem:$0x3FD0];
	(tm) =	ssettm $0x1  }
0x93: {  	s5 =	sld [smem:$0x3FFB];
	_ =	sdelay $0x3  }
0x94: {  	_ =	strace s5  }
0x95: {  	s5 =	sld [smem:$0x3FFC];
	_ =	sdelay $0x3  }
0x96: {  	_ =	strace s5  }
0x97: {  	s5 =	sld [smem:$0x3FFD];
	_ =	sdelay $0x3  }
0x98: {  	_ =	strace s5  }
0x99: {  	_ =	strace $0x8FFFFFFF  }
0x9a: {  	s20 =	sld [smem:$0x3FDB];
	_ =	sdelay $0x1  }
0x9b: {  	s6 =	simm.s32 $_scs_section_size  }
0x9c: {  	s7 =	simm.s32 $_size__tile_overlayer_lowered;
	s8 =	simm.s32 $_tile_overlayer_lowered  }
0x9d: {  	s23 =	simm.s32 $0x1BFF;
	s22 =	sshll.u32 s8, $0x1;
	s5 =	sadd.s32 s6, s20  }
0x9e: {  	s9 =	simm.s32 $0x0;
	s21 =	sshll.u32 s7, $0x1;
	s7 =	sadd.s32 s22, s5  }
0x9f: {  	[timem:s9], [sflag:s23] =	dma.local [hbm:s7], s21  }
0xa0: {  	_ =	swait.ge [sflag:s23], s21  }
0xa1: {  	s6 =	ssub.s32 $0x0, s21;
	[sflag:s23] =	ssyncset.done $0x0  }
0xa2: {  	[sflag:s23] =	ssyncadd.s32 s6;
	_ =	sdelay $0x1  }
0xa3: {  	s24 =	simm.s32 $0x1B8B  }
0xa4: {  	_ =	swait.ge [sflag:s24], $0x1  }
0xa5: {  	[sflag:s24] =	ssyncset.done $0x0  }
0xa6: {  	s25 =	simm.s32 $0x1B8E;
	[sflag:s24] =	ssyncadd.s32 $0xFFFFFFFF  }
0xa7: {  	s26 =	simm.s32 $execute0_lowered;
	[smem:$0x3FD2] =	sst s25  }
0xa8: {  	s6 =	sshll.u32 s26, $0x1;
	_ =	strace $0x80000046;
	[dreg:$0x1] =	wrdreg $0xFFFFFFFF  }
0xa9: {  	s28 =	simm.s32 $_size_execute0_lowered;
	s5 =	sadd.s32 s5, s6;
	[dreg:$0x0] =	wrdreg $0x0  }
0xaa: {  	s6 =	sshll.u32 s28, $0x1;
	[dreg:$0x2] =	wrdreg s5  }
0xab: {  	[dreg:$0x3] =	wrdreg s6  }
0xac: {  	[dreg:$0x4] =	wrdreg $0xC0  }
0xad: {  	_ =	task [dreg:s9], $0x5FFFF  }
0xae: {  	[dreg:$0x1] =	wrdreg $0xFFFFFFFF  }
0xaf: {  	[dreg:$0x0] =	wrdreg $0x60  }
0xb0: {  	[dreg:$0x2] =	wrdreg s2  }
0xb1: {  	[dreg:$0x3] =	wrdreg s19  }
0xb2: {  	[dreg:$0x4] =	wrdreg s4  }
0xb3: {  	[dreg:$0x5] =	wrdreg $0x9  }
0xb4: {  	_ =	task.clear_ibuf [dreg:s9], $0x6FFFF;
	_ =	strace $0x90000046  }
0xb5: {  	s29 =	simm.s32 $0x9;
	_ =	strace $0x80000048  }
0xb6: {  	_ =	swait.ge [sflag:s29], $0x1  }
0xb7: {  	[sflag:s29] =	ssyncadd.s32 $0xFFFFFFFF  }
0xb8: {  	_ =	strace $0x90000048  }
0xb9: {  	_ =	sfence  }
0xba: {  	s30 =	sld [smem:$0x0];
	_ =	sdelay $0x2  }
0xbb: {  	s31 =	sshll.u32 s1, $0xD;
	s1 =	sshrl.u32 s1, $0x2  }
0xbc: {  	s3 =	sand.u32 $0x4000, s31;
	s1 =	sadd.s32 s1, s30  }
0xbd: {  	s0 =	sor.u32 s3, s0;
	s1 =	sshll.u32 s1, $0x11  }
0xbe: {  	s0 =	sor.u32 s1, s0  }
0xbf: {  	s0 =	sadd.s32 $0x8F2B, s0  }
0xc0: {  	[sflag:s0] =	ssyncadd.remote.s32 $0x1  }
0xc1: {  	_ =	sfence.sel $0xFFFF  }
0xc2: {  	[dreg:$0x0] =	wrdreg $0xFFFFFFFF;
	(pc) =	sbr.abs _section_cstart, $3  }
0xc3: {  	[dreg:$0x1] =	wrdreg $0xFFFFFFFF  }
0xc4: {  	_ =	task.clear_ibuf [dreg:s9], $0x2FFFF;
	_ =	strace $0x9FFFFFFF  }
0xc5: {  	(tm) =	ssettm $0x7FFFFFFF  }
tec
execute0_lowered:
.L_overlay_start_1:
0x0: {  	(tag) =	ssettag $0x1  }
0x1: {  	s0 =	srdreg.scid  }
0x2: {  	s1 =	stileid.u32;
	s0 =	sand.u32 $0x1, s0  }
0x3: {  	s1 =	sshll.u32 s1, $0x9;
	s2 =	sshll.u32 s0, $0x8  }
0x4: {  	s3 =	rddreg [dreg:$0x0];
	s0 =	ssub.s32 $0x2, s0;
	s5 =	sor.u32 s2, s1  }
0x5: {  	s4 =	rddreg [dreg:$0x1];
	s30 =	sshrl.u32 s0, $0x1;
	s1 =	sshrl.u32 s5, $0x3  }
0x6: {  	s29 =	simm.s32 $0x0;
	s0 =	ssub.s32 s0, s30;
	s1 =	smul.u32 $0x300, s1  }
0x7: {  	[smem:$0x7FF] =	sst s29;
	s0 =	smax.u32 s0, $0x1  }
0x8: {  	_ =	strace $0x80000047;
	[dreg:$0x8] =	wrdreg s0;
	s31 =	sadd.s32 s4, s1  }
0x9: {  	s1 =	sadd.s32 s3, s1;
	[dreg:$0x6] =	wrdreg s31  }
0xa: {  	s2 =	simm.s32 $0x0;
	[dreg:$0x7] =	wrdreg s1  }
.LBB2_1:
0xb: {  	[dreg:$0x9] =	wrdreg s2  }
0xc: {  	s0 =	simm.s32 $0x0;
	s1 =	rddreg [dreg:$0x6]  }
0xd: {  	[tilespmem:s0], [sflag:$0x1] =	stream.linear.gather [hbm4b:s1+s0], $0x3000, $0x38;
	[tilespmem:$0x12000] =	vst v63  }
0xe: {  	s30 =	rddreg [dreg:$0x7];
	s31 =	simm.s32 $0x6000;
	s14 =	simm.s32 $0x0  }
0xf: {  	[tilespmem:s31], [sflag:$0x3] =	stream.linear.gather [hbm4b:s30+s0], $0x3000, $0x38;
	[tilespmem:$0x12000] =	vst v63  }
.LBB2_2:
0x10: {  	s0 =	smov.u32 s14  }
0x11: {  	s14 =	sadd.s32 $0x1, s14;
	p0 =	seq.s32 s0, $0x3F  }
0x12: {  	s1 =	sshll.u32 @!p0 s14, $0x2  }
0x13: {  	s15 =	sand.u32 $0x3, s0;
	s1 =	sand.u32 @!p0 $0x1F0, s1  }
0x14: {  	s2 =	sand.u32 @!p0 $0x3, s14;
	p1 =	sgt.u32 @!p0 s0, $0x3B;
	s1 =	sadd.s32 @!p0 s5, s1  }
0x15: {  	s2 =	smul.u32 @!p0 $0x600000, s2;
	p2 =	por p1, p0;
	s1 =	sshrl.u32 @!p0 s1, $0x3  }
0x16: {  	s3 =	sand.u32 @!p0 $0x1, s14;
	p2 =	sne.s32 @!p2 s15, $0x0;
	s1 =	smul.u32 @!p0 $0x1800, s1  }
0x17: {  	s24 =	sshrl.u32 s0, $0x2;
	s4 =	smul.u32 @!p0 $0xC000, s3;
	p3 =	por @!p0 p2, p1  }
0x18: {  	s3 =	sadd.s32 @!p0 $0x3, s3;
	p3 =	por p3, p0;
	s1 =	sadd.s32 @!p0 s2, s1  }
0x19: {  	s2 =	sshrl.u32 @!p0 s4, $0x2;
	s4 =	rddreg [dreg:$0x0];
	s1 =	sshrl.u32 @!p0 s1, $0x3  }
0x1a: {  	s2 =	sadd.s32 @!p0 $0x6000, s2;
	s1 =	sadd.s32 @!p0 s4, s1;
	s4 =	simm.s32 @!p0 $0x0  }
0x1b: {  	[tilespmem:s2], [sflag:s3] =	stream.linear.gather @!p0 [hbm4b:s1+s4], $0x3000, $0x38;
	[tilespmem:$0x12000] =	vst v63  }
0x1c: {  	s1 =	sadd.s32 @!p3 $0x1, s24  }
0x1d: {  	s2 =	sshll.u32 @!p3 s1, $0x4  }
0x1e: {  	s1 =	sand.u32 @!p3 $0x1, s1;
	s2 =	sadd.s32 @!p3 s5, s2  }
0x1f: {  	s3 =	smul.u32 @!p3 $0xC000, s1;
	s2 =	sshrl.u32 @!p3 s2, $0x3  }
0x20: {  	s16 =	sand.u32 $0x1, s0;
	p4 =	seq.s32 @!p0 s15, $0x0;
	s2 =	smul.u32 @!p3 $0x300, s2  }
0x21: {  	p2 =	por @!p0 !p2, p1;
	s4 =	rddreg [dreg:$0x1];
	s1 =	sadd.s32 @!p3 $0x1, s1  }
0x22: {  	s3 =	sshrl.u32 @!p3 s3, $0x2;
	s2 =	sadd.s32 @!p3 s4, s2;
	s4 =	simm.s32 @!p3 $0x0  }
0x23: {  	[tilespmem:s3], [sflag:s1] =	stream.linear.gather @!p3 [hbm4b:s2+s4], $0x3000, $0x38;
	[tilespmem:$0x12000] =	vst v63  }
0x24: {  	p5 =	por p4, p4;
	p2 =	por !p2, p0;
	p3 =	por @!p3 $0x1, $0x1  }
0x25: {  	p1 =	por !p1, p0;
	s4 =	sadd.s32 $0x3, s16;
	p5 =	por @!p2 p3, p3  }
0x26: {  	_ =	swait.ge [sflag:s4], $0x3000;
	p5 =	por @!p1 p4, p4;
	p1 =	por $0x0, $0x0  }
0x27: {  	s2 =	sand.u32 $0x1, s24;
	[sflag:s4] =	ssyncset.done $0x0;
	p1 =	por @!p0 p5, p5  }
0x28: {  	[sflag:s4] =	ssyncadd.s32 $0xFFFFD000;
	s1 =	sadd.s32 @p1 $0x1, s2  }
0x29: {  	s8 =	simm.s32 $0x0;
	s6 =	smul.u32 $0x3000, s16;
	_ =	swait.ge @p1 [sflag:s1], $0x3000  }
0x2a: {  	p0 =	slt.u32 s0, $0x2;
	s2 =	smul.u32 $0xC000, s2;
	[sflag:s1] =	ssyncset.done @p1 $0x0  }
0x2b: {  	s10 =	simm.s32 $0x0;
	[sflag:s1] =	ssyncadd.s32 @p1 $0xFFFFD000;
	s1 =	sadd.s32 @!p0 $0x5, s16  }
0x2c: {  	s7 =	sshrl.u32 s2, $0x2;
	_ =	swait.ge @!p0 [sflag:s1], $0x3000;
	[dreg:$0x4] =	wrdreg s6  }
0x2d: {  	s22 =	sand.u32 $0x300, s10;
	s0 =	smul.u32 $0x1800, s8;
	[dreg:$0x5] =	wrdreg s7  }
0x2e: {  	s21 =	sor.u32 $0x80, s22;
	s9 =	rddreg [dreg:$0x4]  }
0x2f: {  	s11 =	rddreg [dreg:$0x5];
	[sflag:s1] =	ssyncset.done @!p0 $0x0;
	s28 =	sadd.s32 s9, s0  }
0x30: {  	[sflag:s1] =	ssyncadd.s32 @!p0 $0xFFFFD000;
	s26 =	sadd.s32 s11, s0;
	s12 =	sor.u32 s21, s28  }
0x31: {  	s13 =	sor.u32 s21, s26;
	v0 =	vld [tilespmem:s12+$0x6000]  }
0x32: {  	v1 =	vld [tilespmem:s13+$0x0];
	_ =	sdelay $0x3  }
0x33: {  	s17 =	sor.u32 s22, s28  }
0x34: {  	s18 =	sor.u32 s22, s26;
	v2 =	vld [tilespmem:s17+$0x6000];
	v0 =	vadd.f32 v1, v0  }
0x35: {  	v1 =	vld [tilespmem:s18+$0x0]  }
0x36: {  	[tilespmem:s12+$0xC000] =	vst v0;
	v0 =	vld [tilespmem:s12+$0x6010]  }
0x37: {  	v3 =	vld [tilespmem:s13+$0x10];
	_ =	sdelay $0x2  }
0x38: {  	v1 =	vadd.f32 v1, v2;
	_ =	sdelay $0x1  }
0x39: {  	v2 =	vld [tilespmem:s17+$0x6010];
	[tilespmem:s17+$0xC000] =	vst v1;
	v0 =	vadd.f32 v3, v0  }
0x3a: {  	v1 =	vld [tilespmem:s18+$0x10]  }
0x3b: {  	[tilespmem:s12+$0xC010] =	vst v0;
	v0 =	vld [tilespmem:s12+$0x6020]  }
0x3c: {  	v3 =	vld [tilespmem:s13+$0x20];
	_ =	sdelay $0x2  }
0x3d: {  	v1 =	vadd.f32 v1, v2;
	_ =	sdelay $0x1  }
0x3e: {  	v2 =	vld [tilespmem:s17+$0x6020];
	[tilespmem:s17+$0xC010] =	vst v1;
	v0 =	vadd.f32 v3, v0  }
0x3f: {  	v1 =	vld [tilespmem:s18+$0x20]  }
0x40: {  	[tilespmem:s12+$0xC020] =	vst v0;
	v0 =	vld [tilespmem:s12+$0x6030]  }
0x41: {  	v3 =	vld [tilespmem:s13+$0x30];
	_ =	sdelay $0x2  }
0x42: {  	v1 =	vadd.f32 v1, v2;
	_ =	sdelay $0x1  }
0x43: {  	v2 =	vld [tilespmem:s17+$0x6030];
	[tilespmem:s17+$0xC020] =	vst v1;
	v0 =	vadd.f32 v3, v0  }
0x44: {  	v1 =	vld [tilespmem:s18+$0x30]  }
0x45: {  	[tilespmem:s12+$0xC030] =	vst v0;
	v0 =	vld [tilespmem:s12+$0x6040]  }
0x46: {  	v3 =	vld [tilespmem:s13+$0x40];
	_ =	sdelay $0x2  }
0x47: {  	v1 =	vadd.f32 v1, v2;
	_ =	sdelay $0x1  }
0x48: {  	v2 =	vld [tilespmem:s17+$0x6040];
	[tilespmem:s17+$0xC030] =	vst v1;
	v0 =	vadd.f32 v3, v0  }
0x49: {  	v1 =	vld [tilespmem:s18+$0x40]  }
0x4a: {  	[tilespmem:s12+$0xC040] =	vst v0;
	v0 =	vld [tilespmem:s12+$0x6050]  }
0x4b: {  	v3 =	vld [tilespmem:s13+$0x50];
	_ =	sdelay $0x2  }
0x4c: {  	v1 =	vadd.f32 v1, v2;
	_ =	sdelay $0x1  }
0x4d: {  	v2 =	vld [tilespmem:s17+$0x6050];
	[tilespmem:s17+$0xC040] =	vst v1;
	v0 =	vadd.f32 v3, v0  }
0x4e: {  	v1 =	vld [tilespmem:s18+$0x50]  }
0x4f: {  	[tilespmem:s12+$0xC050] =	vst v0;
	v0 =	vld [tilespmem:s12+$0x6060]  }
0x50: {  	v3 =	vld [tilespmem:s13+$0x60];
	_ =	sdelay $0x2  }
0x51: {  	v1 =	vadd.f32 v1, v2;
	_ =	sdelay $0x1  }
0x52: {  	v2 =	vld [tilespmem:s17+$0x6060];
	[tilespmem:s17+$0xC050] =	vst v1;
	v0 =	vadd.f32 v3, v0  }
0x53: {  	v1 =	vld [tilespmem:s18+$0x60]  }
0x54: {  	[tilespmem:s12+$0xC060] =	vst v0;
	v0 =	vld [tilespmem:s12+$0x6070]  }
0x55: {  	v3 =	vld [tilespmem:s13+$0x70];
	_ =	sdelay $0x2  }
0x56: {  	v1 =	vadd.f32 v1, v2;
	_ =	sdelay $0x1  }
0x57: {  	v2 =	vld [tilespmem:s17+$0x6070];
	[tilespmem:s17+$0xC060] =	vst v1;
	v0 =	vadd.f32 v3, v0  }
0x58: {  	v1 =	vld [tilespmem:s18+$0x70]  }
0x59: {  	[tilespmem:s12+$0xC070] =	vst v0;
	v0 =	vld [tilespmem:s12+$0x6400]  }
0x5a: {  	v3 =	vld [tilespmem:s13+$0x400];
	_ =	sdelay $0x2  }
0x5b: {  	v1 =	vadd.f32 v1, v2;
	_ =	sdelay $0x1  }
0x5c: {  	v2 =	vld [tilespmem:s17+$0x6400];
	[tilespmem:s17+$0xC070] =	vst v1;
	v0 =	vadd.f32 v3, v0  }
0x5d: {  	v1 =	vld [tilespmem:s18+$0x400]  }
0x5e: {  	[tilespmem:s12+$0xC400] =	vst v0;
	v0 =	vld [tilespmem:s12+$0x6410]  }
0x5f: {  	v3 =	vld [tilespmem:s13+$0x410];
	_ =	sdelay $0x2  }
0x60: {  	v1 =	vadd.f32 v1, v2;
	_ =	sdelay $0x1  }
0x61: {  	v2 =	vld [tilespmem:s17+$0x6410];
	[tilespmem:s17+$0xC400] =	vst v1;
	v0 =	vadd.f32 v3, v0  }
0x62: {  	v1 =	vld [tilespmem:s18+$0x410]  }
0x63: {  	[tilespmem:s12+$0xC410] =	vst v0;
	v0 =	vld [tilespmem:s12+$0x6420]  }
0x64: {  	v3 =	vld [tilespmem:s13+$0x420];
	_ =	sdelay $0x2  }
0x65: {  	v1 =	vadd.f32 v1, v2;
	_ =	sdelay $0x1  }
0x66: {  	v2 =	vld [tilespmem:s17+$0x6420];
	[tilespmem:s17+$0xC410] =	vst v1;
	v0 =	vadd.f32 v3, v0  }
0x67: {  	v1 =	vld [tilespmem:s18+$0x420]  }
0x68: {  	[tilespmem:s12+$0xC420] =	vst v0;
	v0 =	vld [tilespmem:s12+$0x6430]  }
0x69: {  	v3 =	vld [tilespmem:s13+$0x430];
	_ =	sdelay $0x2  }
0x6a: {  	v1 =	vadd.f32 v1, v2;
	_ =	sdelay $0x1  }
0x6b: {  	v2 =	vld [tilespmem:s17+$0x6430];
	[tilespmem:s17+$0xC420] =	vst v1;
	v0 =	vadd.f32 v3, v0  }
0x6c: {  	v1 =	vld [tilespmem:s18+$0x430]  }
0x6d: {  	[tilespmem:s12+$0xC430] =	vst v0;
	v0 =	vld [tilespmem:s12+$0x6440]  }
0x6e: {  	v3 =	vld [tilespmem:s13+$0x440];
	_ =	sdelay $0x2  }
0x6f: {  	v1 =	vadd.f32 v1, v2;
	_ =	sdelay $0x1  }
0x70: {  	v2 =	vld [tilespmem:s17+$0x6440];
	[tilespmem:s17+$0xC430] =	vst v1;
	v0 =	vadd.f32 v3, v0  }
0x71: {  	v1 =	vld [tilespmem:s18+$0x440]  }
0x72: {  	[tilespmem:s12+$0xC440] =	vst v0;
	v0 =	vld [tilespmem:s12+$0x6450]  }
0x73: {  	v3 =	vld [tilespmem:s13+$0x450];
	_ =	sdelay $0x2  }
0x74: {  	v1 =	vadd.f32 v1, v2;
	_ =	sdelay $0x1  }
0x75: {  	v2 =	vld [tilespmem:s17+$0x6450];
	[tilespmem:s17+$0xC440] =	vst v1;
	v0 =	vadd.f32 v3, v0  }
0x76: {  	v1 =	vld [tilespmem:s18+$0x450]  }
0x77: {  	[tilespmem:s12+$0xC450] =	vst v0;
	v0 =	vld [tilespmem:s12+$0x6460]  }
0x78: {  	v3 =	vld [tilespmem:s13+$0x460];
	_ =	sdelay $0x2  }
0x79: {  	v1 =	vadd.f32 v1, v2;
	_ =	sdelay $0x1  }
0x7a: {  	v2 =	vld [tilespmem:s17+$0x6460];
	[tilespmem:s17+$0xC450] =	vst v1;
	v0 =	vadd.f32 v3, v0  }
0x7b: {  	v1 =	vld [tilespmem:s18+$0x460]  }
0x7c: {  	[tilespmem:s12+$0xC460] =	vst v0;
	v0 =	vld [tilespmem:s12+$0x6470]  }
0x7d: {  	v3 =	vld [tilespmem:s13+$0x470];
	_ =	sdelay $0x2  }
0x7e: {  	v1 =	vadd.f32 v1, v2;
	_ =	sdelay $0x1  }
0x7f: {  	v2 =	vld [tilespmem:s17+$0x6470];
	[tilespmem:s17+$0xC460] =	vst v1;
	v0 =	vadd.f32 v3, v0  }
0x80: {  	s19 =	sadd.s32 $0x800, s28;
	v1 =	vld [tilespmem:s18+$0x470]  }
0x81: {  	s20 =	sadd.s32 $0x800, s26;
	s23 =	sor.u32 s21, s19;
	[tilespmem:s12+$0xC470] =	vst v0  }
0x82: {  	s6 =	sor.u32 s21, s20;
	v0 =	vld [tilespmem:s23+$0x6000]  }
0x83: {  	v3 =	vld [tilespmem:s6+$0x0];
	_ =	sdelay $0x1  }
0x84: {  	v1 =	vadd.f32 v1, v2;
	_ =	sdelay $0x1  }
0x85: {  	s8 =	sor.u32 s22, s19;
	[tilespmem:s17+$0xC470] =	vst v1  }
0x86: {  	s7 =	sor.u32 s22, s20;
	v1 =	vld [tilespmem:s8+$0x6000];
	v0 =	vadd.f32 v3, v0  }
0x87: {  	v2 =	vld [tilespmem:s7+$0x0]  }
0x88: {  	[tilespmem:s23+$0xC000] =	vst v0;
	v0 =	vld [tilespmem:s23+$0x6010]  }
0x89: {  	v3 =	vld [tilespmem:s6+$0x10];
	_ =	sdelay $0x2  }
0x8a: {  	v1 =	vadd.f32 v2, v1;
	_ =	sdelay $0x1  }
0x8b: {  	v2 =	vld [tilespmem:s8+$0x6010];
	[tilespmem:s8+$0xC000] =	vst v1;
	v0 =	vadd.f32 v3, v0  }
0x8c: {  	v1 =	vld [tilespmem:s7+$0x10]  }
0x8d: {  	[tilespmem:s23+$0xC010] =	vst v0;
	v0 =	vld [tilespmem:s23+$0x6020]  }
0x8e: {  	v3 =	vld [tilespmem:s6+$0x20];
	_ =	sdelay $0x2  }
0x8f: {  	v1 =	vadd.f32 v1, v2;
	_ =	sdelay $0x1  }
0x90: {  	v2 =	vld [tilespmem:s8+$0x6020];
	[tilespmem:s8+$0xC010] =	vst v1;
	v0 =	vadd.f32 v3, v0  }
0x91: {  	v1 =	vld [tilespmem:s7+$0x20]  }
0x92: {  	[tilespmem:s23+$0xC020] =	vst v0;
	v0 =	vld [tilespmem:s23+$0x6030]  }
0x93: {  	v3 =	vld [tilespmem:s6+$0x30];
	_ =	sdelay $0x2  }
0x94: {  	v1 =	vadd.f32 v1, v2;
	_ =	sdelay $0x1  }
0x95: {  	v2 =	vld [tilespmem:s8+$0x6030];
	[tilespmem:s8+$0xC020] =	vst v1;
	v0 =	vadd.f32 v3, v0  }
0x96: {  	v1 =	vld [tilespmem:s7+$0x30]  }
0x97: {  	[tilespmem:s23+$0xC030] =	vst v0;
	v0 =	vld [tilespmem:s23+$0x6040]  }
0x98: {  	v3 =	vld [tilespmem:s6+$0x40];
	_ =	sdelay $0x2  }
0x99: {  	v1 =	vadd.f32 v1, v2;
	_ =	sdelay $0x1  }
0x9a: {  	v2 =	vld [tilespmem:s8+$0x6040];
	[tilespmem:s8+$0xC030] =	vst v1;
	v0 =	vadd.f32 v3, v0  }
0x9b: {  	v1 =	vld [tilespmem:s7+$0x40]  }
0x9c: {  	[tilespmem:s23+$0xC040] =	vst v0;
	v0 =	vld [tilespmem:s23+$0x6050]  }
0x9d: {  	v3 =	vld [tilespmem:s6+$0x50];
	_ =	sdelay $0x2  }
0x9e: {  	v1 =	vadd.f32 v1, v2;
	_ =	sdelay $0x1  }
0x9f: {  	v2 =	vld [tilespmem:s8+$0x6050];
	[tilespmem:s8+$0xC040] =	vst v1;
	v0 =	vadd.f32 v3, v0  }
0xa0: {  	v1 =	vld [tilespmem:s7+$0x50]  }
0xa1: {  	[tilespmem:s23+$0xC050] =	vst v0;
	v0 =	vld [tilespmem:s23+$0x6060]  }
0xa2: {  	v3 =	vld [tilespmem:s6+$0x60];
	_ =	sdelay $0x2  }
0xa3: {  	v1 =	vadd.f32 v1, v2;
	_ =	sdelay $0x1  }
0xa4: {  	v2 =	vld [tilespmem:s8+$0x6060];
	[tilespmem:s8+$0xC050] =	vst v1;
	v0 =	vadd.f32 v3, v0  }
0xa5: {  	s9 =	simm.s32 $0x0;
	v1 =	vld [tilespmem:s7+$0x60]  }
0xa6: {  	s2 =	smul.u32 $0x1800, s9;
	[tilespmem:s23+$0xC060] =	vst v0;
	v0 =	vld [tilespmem:s23+$0x6070]  }
0xa7: {  	s10 =	rddreg [dreg:$0x4];
	v3 =	vld [tilespmem:s6+$0x70];
	s6 =	simm.s32 $0x100  }
0xa8: {  	s11 =	rddreg [dreg:$0x5];
	s30 =	sadd.s32 s10, s2;
	s25 =	sand.u32 $0x300, s6  }
0xa9: {  	s31 =	sadd.s32 s11, s2;
	s18 =	sor.u32 s25, s30  }
0xaa: {  	s29 =	sor.u32 $0x80, s25;
	s2 =	sor.u32 s25, s31;
	v6 =	vld [tilespmem:s18+$0x6000]  }
0xab: {  	v1 =	vadd.f32 v1, v2;
	s3 =	sor.u32 s29, s30;
	v7 =	vld [tilespmem:s2+$0x0]  }
0xac: {  	s9 =	sor.u32 s29, s31;
	v2 =	vld [tilespmem:s3+$0x6000];
	v0 =	vadd.f32 v3, v0  }
0xad: {  	s12 =	sadd.s32 $0xC00, s28;
	[tilespmem:s8+$0xC060] =	vst v1;
	v1 =	vld [tilespmem:s9+$0x0]  }
0xae: {  	s13 =	sadd.s32 $0xC00, s26;
	s17 =	sor.u32 s21, s12;
	v3 =	vld [tilespmem:s7+$0x70];
	[tilespmem:s23+$0xC070] =	vst v0  }
0xaf: {  	s7 =	sor.u32 s21, s13;
	v0 =	vld [tilespmem:s17+$0x6000]  }
0xb0: {  	v5 =	vld [tilespmem:s7+$0x0];
	_ =	sdelay $0x1  }
0xb1: {  	v4 =	vld [tilespmem:s8+$0x6070];
	v1 =	vadd.f32 v1, v2  }
0xb2: {  	v6 =	vadd.f32 v7, v6;
	v2 =	vld [tilespmem:s18+$0x6010]  }
0xb3: {  	[tilespmem:s3+$0xC000] =	vst v1;
	v1 =	vld [tilespmem:s3+$0x6010]  }
0xb4: {  	[tilespmem:s18+$0xC000] =	vst v6;
	v0 =	vadd.f32 v5, v0;
	v5 =	vld [tilespmem:s9+$0x10]  }
0xb5: {  	v9 =	vld [tilespmem:s2+$0x10]  }
0xb6: {  	[tilespmem:s17+$0xC000] =	vst v0;
	v0 =	vld [tilespmem:s17+$0x6010]  }
0xb7: {  	v7 =	vld [tilespmem:s7+$0x10]  }
0xb8: {  	v8 =	vld [tilespmem:s18+$0x6020]  }
0xb9: {  	v10 =	vld [tilespmem:s18+$0x6050];
	v1 =	vadd.f32 v5, v1  }
0xba: {  	v12 =	vld [tilespmem:s18+$0x6400];
	v2 =	vadd.f32 v9, v2  }
0xbb: {  	[tilespmem:s3+$0xC010] =	vst v1;
	v1 =	vld [tilespmem:s3+$0x6020]  }
0xbc: {  	[tilespmem:s18+$0xC010] =	vst v2;
	v0 =	vadd.f32 v7, v0;
	v7 =	vld [tilespmem:s9+$0x20]  }
0xbd: {  	v11 =	vld [tilespmem:s2+$0x20]  }
0xbe: {  	[tilespmem:s17+$0xC010] =	vst v0;
	v0 =	vld [tilespmem:s17+$0x6020]  }
0xbf: {  	v9 =	vld [tilespmem:s7+$0x20]  }
0xc0: {  	v6 =	vld [tilespmem:s18+$0x6030]  }
0xc1: {  	v5 =	vld [tilespmem:s18+$0x6040];
	v1 =	vadd.f32 v7, v1  }
0xc2: {  	v2 =	vld [tilespmem:s18+$0x6060]  }
0xc3: {  	[tilespmem:s3+$0xC020] =	vst v1;
	v1 =	vld [tilespmem:s3+$0x6030]  }
0xc4: {  	v8 =	vadd.f32 v11, v8;
	v0 =	vadd.f32 v9, v0;
	v9 =	vld [tilespmem:s9+$0x30]  }
0xc5: {  	v3 =	vadd.f32 v3, v4;
	v7 =	vld [tilespmem:s18+$0x6070]  }
0xc6: {  	[tilespmem:s18+$0xC020] =	vst v8;
	v8 =	vld [tilespmem:s18+$0x6410]  }
0xc7: {  	[tilespmem:s8+$0xC070] =	vst v3;
	v3 =	vld [tilespmem:s2+$0x30]  }
0xc8: {  	[tilespmem:s17+$0xC020] =	vst v0;
	v0 =	vld [tilespmem:s17+$0x6030]  }
0xc9: {  	v4 =	vld [tilespmem:s7+$0x30];
	v1 =	vadd.f32 v9, v1  }
0xca: {  	v9 =	vld [tilespmem:s18+$0x6420]  }
0xcb: {  	[tilespmem:s3+$0xC030] =	vst v1;
	v1 =	vld [tilespmem:s3+$0x6040]  }
0xcc: {  	v11 =	vld [tilespmem:s9+$0x40];
	_ =	sdelay $0x4  }
0xcd: {  	v1 =	vadd.f32 v11, v1;
	_ =	sdelay $0x1  }
0xce: {  	[tilespmem:s3+$0xC040] =	vst v1;
	v1 =	vld [tilespmem:s3+$0x6050]  }
0xcf: {  	v11 =	vld [tilespmem:s9+$0x50];
	_ =	sdelay $0x4  }
0xd0: {  	v1 =	vadd.f32 v11, v1;
	_ =	sdelay $0x1  }
0xd1: {  	[tilespmem:s3+$0xC050] =	vst v1;
	v1 =	vld [tilespmem:s3+$0x6060]  }
0xd2: {  	v11 =	vld [tilespmem:s9+$0x60];
	_ =	sdelay $0x4  }
0xd3: {  	v1 =	vadd.f32 v11, v1;
	_ =	sdelay $0x1  }
0xd4: {  	[tilespmem:s3+$0xC060] =	vst v1;
	v1 =	vld [tilespmem:s3+$0x6070]  }
0xd5: {  	v11 =	vld [tilespmem:s9+$0x70];
	_ =	sdelay $0x4  }
0xd6: {  	v1 =	vadd.f32 v11, v1;
	_ =	sdelay $0x1  }
0xd7: {  	[tilespmem:s3+$0xC070] =	vst v1;
	v1 =	vld [tilespmem:s3+$0x6400]  }
0xd8: {  	v11 =	vld [tilespmem:s9+$0x400];
	_ =	sdelay $0x4  }
0xd9: {  	v1 =	vadd.f32 v11, v1;
	_ =	sdelay $0x1  }
0xda: {  	[tilespmem:s3+$0xC400] =	vst v1;
	v1 =	vld [tilespmem:s3+$0x6410]  }
0xdb: {  	v11 =	vld [tilespmem:s9+$0x410];
	_ =	sdelay $0x2  }
0xdc: {  	v3 =	vadd.f32 v3, v6;
	_ =	sdelay $0x1  }
0xdd: {  	[tilespmem:s18+$0xC030] =	vst v3;
	v1 =	vadd.f32 v11, v1  }
0xde: {  	v3 =	vld [tilespmem:s2+$0x40]  }
0xdf: {  	[tilespmem:s3+$0xC410] =	vst v1;
	v1 =	vld [tilespmem:s3+$0x6420]  }
0xe0: {  	v11 =	vld [tilespmem:s9+$0x420];
	_ =	sdelay $0x2  }
0xe1: {  	v3 =	vadd.f32 v3, v5;
	_ =	sdelay $0x1  }
0xe2: {  	[tilespmem:s18+$0xC040] =	vst v3;
	v1 =	vadd.f32 v11, v1  }
0xe3: {  	v3 =	vld [tilespmem:s2+$0x50]  }
0xe4: {  	[tilespmem:s3+$0xC420] =	vst v1;
	v1 =	vld [tilespmem:s3+$0x6430]  }
0xe5: {  	v6 =	vld [tilespmem:s9+$0x430];
	_ =	sdelay $0x2  }
0xe6: {  	v3 =	vadd.f32 v3, v10;
	_ =	sdelay $0x1  }
0xe7: {  	[tilespmem:s18+$0xC050] =	vst v3;
	v1 =	vadd.f32 v6, v1  }
0xe8: {  	v3 =	vld [tilespmem:s2+$0x60]  }
0xe9: {  	[tilespmem:s3+$0xC430] =	vst v1;
	v1 =	vld [tilespmem:s3+$0x6440]  }
0xea: {  	v5 =	vld [tilespmem:s9+$0x440];
	_ =	sdelay $0x2  }
0xeb: {  	v2 =	vadd.f32 v3, v2;
	_ =	sdelay $0x1  }
0xec: {  	[tilespmem:s18+$0xC060] =	vst v2;
	v1 =	vadd.f32 v5, v1  }
0xed: {  	v2 =	vld [tilespmem:s2+$0x70]  }
0xee: {  	[tilespmem:s3+$0xC440] =	vst v1;
	v1 =	vld [tilespmem:s3+$0x6450]  }
0xef: {  	v5 =	vld [tilespmem:s9+$0x450];
	_ =	sdelay $0x2  }
0xf0: {  	v2 =	vadd.f32 v2, v7;
	_ =	sdelay $0x1  }
0xf1: {  	[tilespmem:s18+$0xC070] =	vst v2;
	v1 =	vadd.f32 v5, v1  }
0xf2: {  	v2 =	vld [tilespmem:s2+$0x400]  }
0xf3: {  	[tilespmem:s3+$0xC450] =	vst v1;
	v1 =	vld [tilespmem:s3+$0x6460]  }
0xf4: {  	s10 =	sor.u32 s22, s12;
	s12 =	sor.u32 s22, s13;
	v3 =	vld [tilespmem:s9+$0x460]  }
0xf5: {  	v6 =	vld [tilespmem:s12+$0x0]  }
0xf6: {  	v5 =	vld [tilespmem:s10+$0x6000]  }
0xf7: {  	v2 =	vadd.f32 v2, v12;
	_ =	sdelay $0x1  }
0xf8: {  	[tilespmem:s18+$0xC400] =	vst v2;
	v1 =	vadd.f32 v3, v1  }
0xf9: {  	v2 =	vld [tilespmem:s2+$0x410]  }
0xfa: {  	v3 =	vadd.f32 v6, v5;
	[tilespmem:s3+$0xC460] =	vst v1;
	v1 =	vld [tilespmem:s3+$0x6470]  }
0xfb: {  	v5 =	vld [tilespmem:s9+$0x470]  }
0xfc: {  	v6 =	vld [tilespmem:s10+$0x6010];
	[tilespmem:s10+$0xC000] =	vst v3  }
0xfd: {  	v3 =	vld [tilespmem:s12+$0x10]  }
0xfe: {  	v2 =	vadd.f32 v2, v8;
	_ =	sdelay $0x1  }
0xff: {  	[tilespmem:s18+$0xC410] =	vst v2;
	v1 =	vadd.f32 v5, v1  }
0x100: {  	s19 =	sadd.s32 $0x800, s30;
	v2 =	vld [tilespmem:s2+$0x420]  }
0x101: {  	s11 =	sadd.s32 $0x800, s31;
	s20 =	sor.u32 s29, s19;
	v5 =	vld [tilespmem:s10+$0x6020];
	v3 =	vadd.f32 v3, v6;
	[tilespmem:s3+$0xC470] =	vst v1  }
0x102: {  	s23 =	sor.u32 s29, s11;
	v1 =	vld [tilespmem:s20+$0x6000]  }
0x103: {  	[tilespmem:s10+$0xC010] =	vst v3;
	v3 =	vld [tilespmem:s23+$0x0]  }
0x104: {  	v6 =	vld [tilespmem:s12+$0x20]  }
0x105: {  	v2 =	vadd.f32 v2, v9;
	_ =	sdelay $0x1  }
0x106: {  	v7 =	vld [tilespmem:s18+$0x6430];
	[tilespmem:s18+$0xC420] =	vst v2  }
0x107: {  	v2 =	vld [tilespmem:s2+$0x430];
	v1 =	vadd.f32 v3, v1  }
0x108: {  	v3 =	vld [tilespmem:s10+$0x6030];
	v5 =	vadd.f32 v6, v5  }
0x109: {  	[tilespmem:s20+$0xC000] =	vst v1;
	v1 =	vld [tilespmem:s20+$0x6010]  }
0x10a: {  	v0 =	vadd.f32 v4, v0;
	[tilespmem:s10+$0xC020] =	vst v5;
	v5 =	vld [tilespmem:s23+$0x10]  }
0x10b: {  	v6 =	vld [tilespmem:s12+$0x30]  }
0x10c: {  	[tilespmem:s17+$0xC030] =	vst v0;
	v0 =	vld [tilespmem:s17+$0x6040];
	v2 =	vadd.f32 v2, v7  }
0x10d: {  	v4 =	vld [tilespmem:s7+$0x40]  }
0x10e: {  	v7 =	vld [tilespmem:s18+$0x6440];
	[tilespmem:s18+$0xC430] =	vst v2  }
0x10f: {  	v2 =	vld [tilespmem:s2+$0x440];
	v1 =	vadd.f32 v5, v1  }
0x110: {  	v5 =	vld [tilespmem:s10+$0x6040];
	v3 =	vadd.f32 v6, v3  }
0x111: {  	[tilespmem:s20+$0xC010] =	vst v1;
	v1 =	vld [tilespmem:s20+$0x6020]  }
0x112: {  	v0 =	vadd.f32 v4, v0;
	[tilespmem:s10+$0xC030] =	vst v3;
	v3 =	vld [tilespmem:s23+$0x20]  }
0x113: {  	v6 =	vld [tilespmem:s12+$0x40]  }
0x114: {  	[tilespmem:s17+$0xC040] =	vst v0;
	v0 =	vld [tilespmem:s17+$0x6050];
	v2 =	vadd.f32 v2, v7  }
0x115: {  	v4 =	vld [tilespmem:s7+$0x50]  }
0x116: {  	v7 =	vld [tilespmem:s18+$0x6450];
	[tilespmem:s18+$0xC440] =	vst v2  }
0x117: {  	v2 =	vld [tilespmem:s2+$0x450];
	v1 =	vadd.f32 v3, v1  }
0x118: {  	v3 =	vld [tilespmem:s10+$0x6050];
	v5 =	vadd.f32 v6, v5  }
0x119: {  	[tilespmem:s20+$0xC020] =	vst v1;
	v1 =	vld [tilespmem:s20+$0x6030]  }
0x11a: {  	v0 =	vadd.f32 v4, v0;
	[tilespmem:s10+$0xC040] =	vst v5;
	v5 =	vld [tilespmem:s23+$0x30]  }
0x11b: {  	v6 =	vld [tilespmem:s12+$0x50]  }
0x11c: {  	[tilespmem:s17+$0xC050] =	vst v0;
	v0 =	vld [tilespmem:s17+$0x6060];
	v2 =	vadd.f32 v2, v7  }
0x11d: {  	v4 =	vld [tilespmem:s7+$0x60]  }
0x11e: {  	v7 =	vld [tilespmem:s18+$0x6460];
	[tilespmem:s18+$0xC450] =	vst v2  }
0x11f: {  	v2 =	vld [tilespmem:s2+$0x460];
	v1 =	vadd.f32 v5, v1  }
0x120: {  	v5 =	vld [tilespmem:s10+$0x6060];
	v3 =	vadd.f32 v6, v3  }
0x121: {  	[tilespmem:s20+$0xC030] =	vst v1;
	v1 =	vld [tilespmem:s20+$0x6040]  }
0x122: {  	v0 =	vadd.f32 v4, v0;
	[tilespmem:s10+$0xC050] =	vst v3;
	v3 =	vld [tilespmem:s23+$0x40]  }
0x123: {  	v6 =	vld [tilespmem:s12+$0x60]  }
0x124: {  	[tilespmem:s17+$0xC060] =	vst v0;
	v0 =	vld [tilespmem:s17+$0x6070];
	v2 =	vadd.f32 v2, v7  }
0x125: {  	v4 =	vld [tilespmem:s7+$0x70]  }
0x126: {  	v7 =	vld [tilespmem:s18+$0x6470];
	[tilespmem:s18+$0xC460] =	vst v2  }
0x127: {  	v2 =	vld [tilespmem:s2+$0x470];
	v1 =	vadd.f32 v3, v1  }
0x128: {  	v3 =	vld [tilespmem:s10+$0x6070];
	v5 =	vadd.f32 v6, v5  }
0x129: {  	[tilespmem:s20+$0xC040] =	vst v1;
	v1 =	vld [tilespmem:s20+$0x6050]  }
0x12a: {  	[tilespmem:s10+$0xC060] =	vst v5;
	v5 =	vld [tilespmem:s23+$0x50]  }
0x12b: {  	v0 =	vadd.f32 v4, v0;
	v6 =	vld [tilespmem:s12+$0x70]  }
0x12c: {  	s13 =	sadd.s32 $0x1000, s26;
	v2 =	vadd.f32 v2, v7  }
0x12d: {  	[tilespmem:s17+$0xC070] =	vst v0;
	s17 =	sor.u32 s21, s13  }
0x12e: {  	v4 =	vld [tilespmem:s17+$0x0];
	[tilespmem:s18+$0xC470] =	vst v2;
	s3 =	sor.u32 s25, s19;
	s12 =	sadd.s32 $0x1000, s28  }
0x12f: {  	v2 =	vld [tilespmem:s3+$0x6000];
	s2 =	sor.u32 s21, s12;
	v1 =	vadd.f32 v5, v1  }
0x130: {  	v0 =	vld [tilespmem:s2+$0x6000];
	v3 =	vadd.f32 v6, v3  }
0x131: {  	[tilespmem:s20+$0xC050] =	vst v1;
	v1 =	vld [tilespmem:s20+$0x6060]  }
0x132: {  	s1 =	sor.u32 s22, s12;
	[tilespmem:s10+$0xC070] =	vst v3;
	v3 =	vld [tilespmem:s23+$0x60]  }
0x133: {  	s9 =	sor.u32 s22, s13;
	v5 =	vld [tilespmem:s1+$0x6000]  }
0x134: {  	s0 =	sor.u32 s25, s11;
	v6 =	vld [tilespmem:s9+$0x0]  }
0x135: {  	v0 =	vadd.f32 v4, v0;
	v4 =	vld [tilespmem:s0+$0x0];
	_ =	sdelay $0x1  }
0x136: {  	[tilespmem:s2+$0xC000] =	vst v0;
	v0 =	vld [tilespmem:s2+$0x6010];
	v1 =	vadd.f32 v3, v1  }
0x137: {  	v3 =	vld [tilespmem:s17+$0x10]  }
0x138: {  	v5 =	vadd.f32 v6, v5;
	[tilespmem:s20+$0xC060] =	vst v1;
	v1 =	vld [tilespmem:s20+$0x6070]  }
0x139: {  	v2 =	vadd.f32 v4, v2;
	v6 =	vld [tilespmem:s23+$0x70]  }
0x13a: {  	v7 =	vld [tilespmem:s1+$0x6010];
	[tilespmem:s1+$0xC000] =	vst v5  }
0x13b: {  	[tilespmem:s3+$0xC000] =	vst v2;
	v4 =	vld [tilespmem:s9+$0x10]  }
0x13c: {  	v2 =	vld [tilespmem:s0+$0x10];
	v0 =	vadd.f32 v3, v0  }
0x13d: {  	v3 =	vld [tilespmem:s3+$0x6010]  }
0x13e: {  	[tilespmem:s2+$0xC010] =	vst v0;
	v0 =	vld [tilespmem:s2+$0x6020];
	v1 =	vadd.f32 v6, v1  }
0x13f: {  	s12 =	sadd.s32 $0xC00, s30;
	v5 =	vld [tilespmem:s17+$0x20]  }
0x140: {  	s13 =	sadd.s32 $0xC00, s31;
	s11 =	sor.u32 s29, s12;
	v6 =	vld [tilespmem:s1+$0x6020];
	v4 =	vadd.f32 v4, v7;
	[tilespmem:s20+$0xC070] =	vst v1  }
0x141: {  	s4 =	sor.u32 s29, s13;
	v1 =	vld [tilespmem:s11+$0x6000]  }
0x142: {  	[tilespmem:s1+$0xC010] =	vst v4;
	v2 =	vadd.f32 v2, v3;
	v3 =	vld [tilespmem:s4+$0x0]  }
0x143: {  	v4 =	vld [tilespmem:s9+$0x20]  }
0x144: {  	[tilespmem:s3+$0xC010] =	vst v2;
	v0 =	vadd.f32 v5, v0;
	v5 =	vld [tilespmem:s3+$0x6020]  }
0x145: {  	v2 =	vld [tilespmem:s0+$0x20]  }
0x146: {  	[tilespmem:s2+$0xC020] =	vst v0;
	v0 =	vld [tilespmem:s2+$0x6030]  }
0x147: {  	v7 =	vld [tilespmem:s17+$0x30];
	v1 =	vadd.f32 v3, v1  }
0x148: {  	v3 =	vld [tilespmem:s1+$0x6030]  }
0x149: {  	v4 =	vadd.f32 v4, v6;
	[tilespmem:s11+$0xC000] =	vst v1;
	v1 =	vld [tilespmem:s11+$0x6010]  }
0x14a: {  	v2 =	vadd.f32 v2, v5;
	v5 =	vld [tilespmem:s4+$0x10]  }
0x14b: {  	[tilespmem:s1+$0xC020] =	vst v4;
	v4 =	vld [tilespmem:s3+$0x6030]  }
0x14c: {  	v6 =	vld [tilespmem:s9+$0x30];
	[tilespmem:s3+$0xC020] =	vst v2;
	v0 =	vadd.f32 v7, v0  }
0x14d: {  	v2 =	vld [tilespmem:s0+$0x30]  }
0x14e: {  	[tilespmem:s2+$0xC030] =	vst v0;
	v0 =	vld [tilespmem:s2+$0x6040]  }
0x14f: {  	v7 =	vld [tilespmem:s17+$0x40];
	v1 =	vadd.f32 v5, v1  }
0x150: {  	v5 =	vld [tilespmem:s1+$0x6040]  }
0x151: {  	v3 =	vadd.f32 v6, v3;
	[tilespmem:s11+$0xC010] =	vst v1;
	v1 =	vld [tilespmem:s11+$0x6020]  }
0x152: {  	v2 =	vadd.f32 v2, v4;
	v4 =	vld [tilespmem:s4+$0x20]  }
0x153: {  	v6 =	vld [tilespmem:s3+$0x6040];
	[tilespmem:s1+$0xC030] =	vst v3  }
0x154: {  	v3 =	vld [tilespmem:s9+$0x40];
	[tilespmem:s3+$0xC030] =	vst v2;
	v0 =	vadd.f32 v7, v0  }
0x155: {  	v2 =	vld [tilespmem:s0+$0x40]  }
0x156: {  	[tilespmem:s2+$0xC040] =	vst v0;
	v0 =	vld [tilespmem:s2+$0x6050]  }
0x157: {  	v7 =	vld [tilespmem:s17+$0x50];
	v1 =	vadd.f32 v4, v1  }
0x158: {  	v4 =	vld [tilespmem:s1+$0x6050]  }
0x159: {  	v3 =	vadd.f32 v3, v5;
	[tilespmem:s11+$0xC020] =	vst v1;
	v1 =	vld [tilespmem:s11+$0x6030]  }
0x15a: {  	v2 =	vadd.f32 v2, v6;
	v5 =	vld [tilespmem:s4+$0x30]  }
0x15b: {  	v6 =	vld [tilespmem:s3+$0x6050];
	[tilespmem:s1+$0xC040] =	vst v3  }
0x15c: {  	v3 =	vld [tilespmem:s9+$0x50];
	[tilespmem:s3+$0xC040] =	vst v2;
	v0 =	vadd.f32 v7, v0  }
0x15d: {  	v2 =	vld [tilespmem:s0+$0x50]  }
0x15e: {  	[tilespmem:s2+$0xC050] =	vst v0;
	v0 =	vld [tilespmem:s2+$0x6060]  }
0x15f: {  	v7 =	vld [tilespmem:s17+$0x60];
	v1 =	vadd.f32 v5, v1  }
0x160: {  	v5 =	vld [tilespmem:s3+$0x6060]  }
0x161: {  	v3 =	vadd.f32 v3, v4;
	[tilespmem:s11+$0xC030] =	vst v1;
	v1 =	vld [tilespmem:s11+$0x6040]  }
0x162: {  	v2 =	vadd.f32 v2, v6;
	v4 =	vld [tilespmem:s4+$0x40]  }
0x163: {  	v6 =	vld [tilespmem:s1+$0x6060];
	[tilespmem:s1+$0xC050] =	vst v3  }
0x164: {  	v3 =	vld [tilespmem:s9+$0x60];
	[tilespmem:s3+$0xC050] =	vst v2  }
0x165: {  	v2 =	vld [tilespmem:s0+$0x60]  }
0x166: {  	v0 =	vadd.f32 v7, v0  }
0x167: {  	v1 =	vadd.f32 v4, v1  }
0x168: {  	v8 =	vld [tilespmem:s2+$0x6070];
	[tilespmem:s2+$0xC060] =	vst v0  }
0x169: {  	s18 =	simm.s32 $0x0;
	v3 =	vadd.f32 v3, v6;
	[tilespmem:s11+$0xC040] =	vst v1;
	v1 =	vld [tilespmem:s11+$0x6050]  }
0x16a: {  	s6 =	smul.u32 $0x1800, s18;
	s23 =	simm.s32 $0x200;
	v2 =	vadd.f32 v2, v5;
	v5 =	vld [tilespmem:s17+$0x70]  }
0x16b: {  	s19 =	rddreg [dreg:$0x4];
	[tilespmem:s1+$0xC060] =	vst v3;
	s17 =	sand.u32 $0x300, s23;
	v4 =	vld [tilespmem:s4+$0x50]  }
0x16c: {  	s19 =	sadd.s32 s19, s6;
	s20 =	rddreg [dreg:$0x5];
	v0 =	vld [tilespmem:s9+$0x70];
	s18 =	sor.u32 $0x80, s17;
	[tilespmem:s3+$0xC060] =	vst v2  }
0x16d: {  	s20 =	sadd.s32 s20, s6;
	s8 =	sor.u32 s18, s19;
	v2 =	vld [tilespmem:s0+$0x70]  }
0x16e: {  	s10 =	sor.u32 s18, s20;
	v3 =	vld [tilespmem:s8+$0x6000]  }
0x16f: {  	v6 =	vld [tilespmem:s10+$0x0]  }
0x170: {  	s7 =	sor.u32 s17, s19;
	v1 =	vadd.f32 v4, v1;
	v4 =	vld [tilespmem:s3+$0x6070]  }
0x171: {  	v9 =	vld [tilespmem:s7+$0x6000]  }
0x172: {  	v10 =	vld [tilespmem:s7+$0x6020]  }
0x173: {  	[tilespmem:s11+$0xC050] =	vst v1;
	v1 =	vld [tilespmem:s11+$0x6060]  }
0x174: {  	s9 =	sor.u32 s17, s20;
	v3 =	vadd.f32 v6, v3;
	v7 =	vld [tilespmem:s4+$0x60]  }
0x175: {  	v2 =	vadd.f32 v2, v4;
	v4 =	vld [tilespmem:s9+$0x0]  }
0x176: {  	[tilespmem:s8+$0xC000] =	vst v3;
	v3 =	vld [tilespmem:s8+$0x6010]  }
0x177: {  	s12 =	sor.u32 s25, s12;
	[tilespmem:s3+$0xC070] =	vst v2;
	v2 =	vld [tilespmem:s10+$0x10]  }
0x178: {  	s6 =	sor.u32 s25, s13;
	v6 =	vld [tilespmem:s12+$0x6000]  }
0x179: {  	v1 =	vadd.f32 v7, v1;
	v7 =	vld [tilespmem:s6+$0x0]  }
0x17a: {  	v51 =	vld [tilespmem:s7+$0x6070];
	v4 =	vadd.f32 v4, v9  }
0x17b: {  	v52 =	vld [tilespmem:s7+$0x6440]  }
0x17c: {  	v5 =	vadd.f32 v5, v8;
	v8 =	vld [tilespmem:s7+$0x6010];
	[tilespmem:s7+$0xC000] =	vst v4;
	v2 =	vadd.f32 v2, v3  }
0x17d: {  	v3 =	vld [tilespmem:s9+$0x10]  }
0x17e: {  	v4 =	vadd.f32 v7, v6;
	[tilespmem:s8+$0xC010] =	vst v2;
	v2 =	vld [tilespmem:s8+$0x6020]  }
0x17f: {  	v6 =	vld [tilespmem:s10+$0x20]  }
0x180: {  	s13 =	sadd.s32 $0x1400, s28;
	v7 =	vld [tilespmem:s12+$0x6010];
	[tilespmem:s12+$0xC000] =	vst v4  }
0x181: {  	s0 =	sor.u32 s21, s13;
	[tilespmem:s2+$0xC070] =	vst v5;
	s3 =	sadd.s32 $0x1400, s26;
	v4 =	vld [tilespmem:s6+$0x10]  }
0x182: {  	v5 =	vld [tilespmem:s0+$0x6000];
	s2 =	sor.u32 s21, s3;
	v3 =	vadd.f32 v3, v8  }
0x183: {  	[tilespmem:s11+$0xC060] =	vst v1;
	v9 =	vld [tilespmem:s2+$0x0]  }
0x184: {  	v1 =	vld [tilespmem:s4+$0x70];
	[tilespmem:s7+$0xC010] =	vst v3;
	v2 =	vadd.f32 v6, v2  }
0x185: {  	v3 =	vld [tilespmem:s9+$0x20]  }
0x186: {  	v4 =	vadd.f32 v4, v7;
	[tilespmem:s8+$0xC020] =	vst v2;
	v2 =	vld [tilespmem:s8+$0x6030]  }
0x187: {  	v6 =	vld [tilespmem:s10+$0x30]  }
0x188: {  	v5 =	vadd.f32 v9, v5;
	v7 =	vld [tilespmem:s12+$0x6020];
	[tilespmem:s12+$0xC010] =	vst v4  }
0x189: {  	v4 =	vld [tilespmem:s6+$0x20]  }
0x18a: {  	[tilespmem:s0+$0xC000] =	vst v5;
	v8 =	vld [tilespmem:s0+$0x6010];
	v3 =	vadd.f32 v3, v10  }
0x18b: {  	v5 =	vld [tilespmem:s2+$0x10]  }
0x18c: {  	v10 =	vld [tilespmem:s7+$0x6030];
	[tilespmem:s7+$0xC020] =	vst v3;
	v2 =	vadd.f32 v6, v2  }
0x18d: {  	v3 =	vld [tilespmem:s9+$0x30]  }
0x18e: {  	v4 =	vadd.f32 v4, v7;
	[tilespmem:s8+$0xC030] =	vst v2;
	v2 =	vld [tilespmem:s8+$0x6040]  }
0x18f: {  	v6 =	vld [tilespmem:s10+$0x40]  }
0x190: {  	v5 =	vadd.f32 v5, v8;
	v7 =	vld [tilespmem:s12+$0x6030];
	[tilespmem:s12+$0xC020] =	vst v4  }
0x191: {  	v4 =	vld [tilespmem:s6+$0x30]  }
0x192: {  	v9 =	vld [tilespmem:s0+$0x6020];
	[tilespmem:s0+$0xC010] =	vst v5;
	v3 =	vadd.f32 v3, v10  }
0x193: {  	v5 =	vld [tilespmem:s2+$0x20]  }
0x194: {  	v10 =	vld [tilespmem:s7+$0x6040];
	[tilespmem:s7+$0xC030] =	vst v3;
	v2 =	vadd.f32 v6, v2  }
0x195: {  	v3 =	vld [tilespmem:s9+$0x40]  }
0x196: {  	v4 =	vadd.f32 v4, v7;
	[tilespmem:s8+$0xC040] =	vst v2;
	v2 =	vld [tilespmem:s8+$0x6050]  }
0x197: {  	v6 =	vld [tilespmem:s10+$0x50]  }
0x198: {  	v5 =	vadd.f32 v5, v9;
	v7 =	vld [tilespmem:s12+$0x6040];
	[tilespmem:s12+$0xC030] =	vst v4  }
0x199: {  	v4 =	vld [tilespmem:s6+$0x40]  }
0x19a: {  	v8 =	vld [tilespmem:s0+$0x6030];
	[tilespmem:s0+$0xC020] =	vst v5;
	v3 =	vadd.f32 v3, v10  }
0x19b: {  	v5 =	vld [tilespmem:s2+$0x30]  }
0x19c: {  	v10 =	vld [tilespmem:s7+$0x6050];
	[tilespmem:s7+$0xC040] =	vst v3;
	v2 =	vadd.f32 v6, v2  }
0x19d: {  	v3 =	vld [tilespmem:s9+$0x50]  }
0x19e: {  	v4 =	vadd.f32 v4, v7;
	[tilespmem:s8+$0xC050] =	vst v2;
	v2 =	vld [tilespmem:s8+$0x6060]  }
0x19f: {  	v6 =	vld [tilespmem:s10+$0x60]  }
0x1a0: {  	v5 =	vadd.f32 v5, v8;
	v7 =	vld [tilespmem:s12+$0x6050];
	[tilespmem:s12+$0xC040] =	vst v4  }
0x1a1: {  	v4 =	vld [tilespmem:s6+$0x50]  }
0x1a2: {  	[tilespmem:s0+$0xC030] =	vst v5;
	v5 =	vld [tilespmem:s0+$0x6040];
	v3 =	vadd.f32 v3, v10  }
0x1a3: {  	v8 =	vld [tilespmem:s2+$0x40]  }
0x1a4: {  	v10 =	vld [tilespmem:s7+$0x6060];
	[tilespmem:s7+$0xC050] =	vst v3;
	v2 =	vadd.f32 v6, v2  }
0x1a5: {  	v3 =	vld [tilespmem:s9+$0x60]  }
0x1a6: {  	v4 =	vadd.f32 v4, v7;
	[tilespmem:s8+$0xC060] =	vst v2;
	v2 =	vld [tilespmem:s8+$0x6070]  }
0x1a7: {  	v6 =	vld [tilespmem:s10+$0x70]  }
0x1a8: {  	v7 =	vld [tilespmem:s12+$0x6060];
	[tilespmem:s12+$0xC050] =	vst v4  }
0x1a9: {  	v4 =	vld [tilespmem:s6+$0x60]  }
0x1aa: {  	v3 =	vadd.f32 v3, v10;
	v10 =	vld [tilespmem:s11+$0x6070]  }
0x1ab: {  	v11 =	vld [tilespmem:s0+$0x6050]  }
0x1ac: {  	v9 =	vld [tilespmem:s1+$0x6070];
	[tilespmem:s7+$0xC060] =	vst v3;
	v2 =	vadd.f32 v6, v2  }
0x1ad: {  	v3 =	vadd.f32 v8, v5;
	v5 =	vld [tilespmem:s9+$0x70]  }
0x1ae: {  	v4 =	vadd.f32 v4, v7;
	[tilespmem:s8+$0xC070] =	vst v2;
	v2 =	vld [tilespmem:s8+$0x6400]  }
0x1af: {  	[tilespmem:s0+$0xC040] =	vst v3;
	v1 =	vadd.f32 v1, v10;
	v3 =	vld [tilespmem:s10+$0x400]  }
0x1b0: {  	s26 =	sadd.s32 $0x1000, s30;
	v6 =	vld [tilespmem:s2+$0x50];
	[tilespmem:s12+$0xC060] =	vst v4  }
0x1b1: {  	v4 =	vld [tilespmem:s6+$0x70];
	s6 =	sadd.s32 $0x1000, s31;
	[tilespmem:s11+$0xC070] =	vst v1;
	s11 =	sor.u32 s29, s26  }
0x1b2: {  	s4 =	sor.u32 s29, s6;
	v1 =	vadd.f32 v5, v51;
	v5 =	vld [tilespmem:s11+$0x6000]  }
0x1b3: {  	v7 =	vld [tilespmem:s4+$0x0]  }
0x1b4: {  	v8 =	vld [tilespmem:s7+$0x6400];
	[tilespmem:s7+$0xC070] =	vst v1;
	v1 =	vadd.f32 v3, v2  }
0x1b5: {  	v3 =	vld [tilespmem:s9+$0x400]  }
0x1b6: {  	v0 =	vadd.f32 v0, v9;
	v2 =	vadd.f32 v6, v11;
	v6 =	vld [tilespmem:s8+$0x6410];
	[tilespmem:s8+$0xC400] =	vst v1  }
0x1b7: {  	v10 =	vld [tilespmem:s10+$0x410]  }
0x1b8: {  	v13 =	vld [tilespmem:s7+$0x6450];
	s21 =	sor.u32 s22, s13;
	[tilespmem:s1+$0xC070] =	vst v0;
	v5 =	vadd.f32 v7, v5  }
0x1b9: {  	v9 =	vld [tilespmem:s21+$0x6000]  }
0x1ba: {  	[tilespmem:s11+$0xC000] =	vst v5;
	v5 =	vld [tilespmem:s11+$0x6010];
	v3 =	vadd.f32 v3, v8  }
0x1bb: {  	v7 =	vld [tilespmem:s4+$0x10]  }
0x1bc: {  	v8 =	vld [tilespmem:s7+$0x6410];
	[tilespmem:s7+$0xC400] =	vst v3;
	v3 =	vadd.f32 v10, v6  }
0x1bd: {  	v6 =	vld [tilespmem:s9+$0x410]  }
0x1be: {  	[tilespmem:s8+$0xC410] =	vst v3;
	v3 =	vld [tilespmem:s8+$0x6420]  }
0x1bf: {  	v10 =	vld [tilespmem:s10+$0x420]  }
0x1c0: {  	v14 =	vld [tilespmem:s21+$0x6010]  }
0x1c1: {  	v53 =	vld [tilespmem:s21+$0x6020];
	v5 =	vadd.f32 v7, v5  }
0x1c2: {  	v11 =	vld [tilespmem:s7+$0x6420];
	v6 =	vadd.f32 v6, v8  }
0x1c3: {  	[tilespmem:s11+$0xC010] =	vst v5;
	v5 =	vld [tilespmem:s11+$0x6020]  }
0x1c4: {  	v8 =	vld [tilespmem:s4+$0x20];
	[tilespmem:s7+$0xC410] =	vst v6;
	v3 =	vadd.f32 v10, v3  }
0x1c5: {  	v6 =	vld [tilespmem:s9+$0x420]  }
0x1c6: {  	[tilespmem:s8+$0xC420] =	vst v3;
	v3 =	vld [tilespmem:s8+$0x6430]  }
0x1c7: {  	v10 =	vld [tilespmem:s10+$0x430]  }
0x1c8: {  	v62 =	vld [tilespmem:s0+$0x6070]  }
0x1c9: {  	v1 =	vld [tilespmem:s0+$0x6060];
	v5 =	vadd.f32 v8, v5  }
0x1ca: {  	v7 =	vld [tilespmem:s7+$0x6430];
	v6 =	vadd.f32 v6, v11  }
0x1cb: {  	[tilespmem:s11+$0xC020] =	vst v5;
	v5 =	vld [tilespmem:s11+$0x6030]  }
0x1cc: {  	v0 =	vld [tilespmem:s4+$0x30];
	[tilespmem:s7+$0xC420] =	vst v6;
	v3 =	vadd.f32 v10, v3  }
0x1cd: {  	v6 =	vld [tilespmem:s9+$0x430]  }
0x1ce: {  	[tilespmem:s8+$0xC430] =	vst v3;
	v3 =	vld [tilespmem:s8+$0x6440]  }
0x1cf: {  	s22 =	sor.u32 s22, s3;
	v10 =	vld [tilespmem:s10+$0x440]  }
0x1d0: {  	[tilespmem:s0+$0xC050] =	vst v2;
	v11 =	vld [tilespmem:s22+$0x0]  }
0x1d1: {  	v2 =	vld [tilespmem:s2+$0x60];
	v0 =	vadd.f32 v0, v5  }
0x1d2: {  	v8 =	vld [tilespmem:s7+$0x6460];
	v6 =	vadd.f32 v6, v7  }
0x1d3: {  	[tilespmem:s11+$0xC030] =	vst v0;
	v0 =	vld [tilespmem:s11+$0x6040]  }
0x1d4: {  	v7 =	vld [tilespmem:s4+$0x40];
	[tilespmem:s7+$0xC430] =	vst v6;
	v3 =	vadd.f32 v10, v3  }
0x1d5: {  	v6 =	vadd.f32 v11, v9;
	v9 =	vld [tilespmem:s9+$0x440]  }
0x1d6: {  	[tilespmem:s8+$0xC440] =	vst v3;
	v3 =	vld [tilespmem:s8+$0x6450]  }
0x1d7: {  	[tilespmem:s21+$0xC000] =	vst v6;
	v6 =	vld [tilespmem:s10+$0x450]  }
0x1d8: {  	v10 =	vld [tilespmem:s22+$0x10]  }
0x1d9: {  	v0 =	vadd.f32 v7, v0;
	v7 =	vld [tilespmem:s12+$0x6070]  }
0x1da: {  	v5 =	vld [tilespmem:s7+$0x6470];
	v9 =	vadd.f32 v9, v52  }
0x1db: {  	[tilespmem:s11+$0xC040] =	vst v0;
	v0 =	vld [tilespmem:s11+$0x6050]  }
0x1dc: {  	v11 =	vld [tilespmem:s4+$0x50];
	[tilespmem:s7+$0xC440] =	vst v9;
	v3 =	vadd.f32 v6, v3  }
0x1dd: {  	v6 =	vadd.f32 v10, v14;
	v9 =	vld [tilespmem:s9+$0x450]  }
0x1de: {  	v4 =	vadd.f32 v4, v7;
	[tilespmem:s8+$0xC450] =	vst v3;
	v3 =	vld [tilespmem:s8+$0x6460]  }
0x1df: {  	[tilespmem:s21+$0xC010] =	vst v6;
	v6 =	vld [tilespmem:s10+$0x460]  }
0x1e0: {  	s26 =	sor.u32 s25, s26;
	[tilespmem:s12+$0xC070] =	vst v4;
	v4 =	vld [tilespmem:s22+$0x20]  }
0x1e1: {  	s28 =	sor.u32 s25, s6;
	v7 =	vld [tilespmem:s26+$0x6000]  }
0x1e2: {  	v0 =	vadd.f32 v11, v0;
	v11 =	vld [tilespmem:s28+$0x0]  }
0x1e3: {  	v54 =	vld [tilespmem:s26+$0x6010]  }
0x1e4: {  	v55 =	vld [tilespmem:s26+$0x6040]  }
0x1e5: {  	[tilespmem:s11+$0xC050] =	vst v0;
	v0 =	vld [tilespmem:s11+$0x6060];
	v9 =	vadd.f32 v9, v13  }
0x1e6: {  	v10 =	vld [tilespmem:s4+$0x60]  }
0x1e7: {  	v15 =	vld [tilespmem:s26+$0x6050];
	[tilespmem:s7+$0xC450] =	vst v9;
	v3 =	vadd.f32 v6, v3  }
0x1e8: {  	v6 =	vld [tilespmem:s9+$0x460]  }
0x1e9: {  	[tilespmem:s8+$0xC460] =	vst v3;
	v3 =	vld [tilespmem:s8+$0x6470]  }
0x1ea: {  	v9 =	vld [tilespmem:s10+$0x470]  }
0x1eb: {  	v61 =	vld [tilespmem:s26+$0x6060];
	v0 =	vadd.f32 v10, v0  }
0x1ec: {  	v7 =	vadd.f32 v11, v7;
	v11 =	vld [tilespmem:s21+$0x6030]  }
0x1ed: {  	[tilespmem:s11+$0xC060] =	vst v0;
	v0 =	vld [tilespmem:s11+$0x6070];
	v6 =	vadd.f32 v6, v8  }
0x1ee: {  	v8 =	vld [tilespmem:s4+$0x70]  }
0x1ef: {  	v10 =	vld [tilespmem:s26+$0x6020];
	v3 =	vadd.f32 v9, v3;
	[tilespmem:s7+$0xC460] =	vst v6  }
0x1f0: {  	s6 =	sadd.s32 $0x800, s19;
	[tilespmem:s26+$0xC000] =	vst v7;
	v6 =	vld [tilespmem:s9+$0x470]  }
0x1f1: {  	s3 =	sadd.s32 $0x800, s20;
	s12 =	sor.u32 s18, s6;
	v4 =	vadd.f32 v4, v53;
	v7 =	vld [tilespmem:s28+$0x10];
	[tilespmem:s8+$0xC470] =	vst v3  }
0x1f2: {  	s1 =	sor.u32 s18, s3;
	v3 =	vld [tilespmem:s12+$0x6000]  }
0x1f3: {  	[tilespmem:s21+$0xC020] =	vst v4;
	v0 =	vadd.f32 v8, v0;
	v8 =	vld [tilespmem:s1+$0x0]  }
0x1f4: {  	s10 =	sadd.s32 $0x1400, s30;
	v59 =	vld [tilespmem:s22+$0x30]  }
0x1f5: {  	s13 =	sadd.s32 $0x1400, s31;
	s30 =	sor.u32 s29, s10;
	v9 =	vld [tilespmem:s26+$0x6030];
	[tilespmem:s11+$0xC070] =	vst v0;
	v0 =	vadd.f32 v6, v5  }
0x1f6: {  	s29 =	sor.u32 s29, s13;
	v5 =	vld [tilespmem:s30+$0x6000]  }
0x1f7: {  	s9 =	sor.u32 s17, s6;
	v6 =	vld [tilespmem:s29+$0x0];
	[tilespmem:s7+$0xC470] =	vst v0  }
0x1f8: {  	s11 =	sor.u32 s17, s3;
	v0 =	vadd.f32 v8, v3;
	v3 =	vld [tilespmem:s9+$0x6000]  }
0x1f9: {  	v8 =	vld [tilespmem:s11+$0x0]  }
0x1fa: {  	[tilespmem:s12+$0xC000] =	vst v0;
	v0 =	vld [tilespmem:s12+$0x6010]  }
0x1fb: {  	v16 =	vld [tilespmem:s1+$0x10]  }
0x1fc: {  	v56 =	vld [tilespmem:s9+$0x6020];
	v5 =	vadd.f32 v6, v5  }
0x1fd: {  	v7 =	vadd.f32 v7, v54;
	v18 =	vld [tilespmem:s9+$0x6040]  }
0x1fe: {  	[tilespmem:s30+$0xC000] =	vst v5;
	v5 =	vld [tilespmem:s30+$0x6010];
	v3 =	vadd.f32 v8, v3  }
0x1ff: {  	[tilespmem:s26+$0xC010] =	vst v7;
	v7 =	vld [tilespmem:s29+$0x10]  }
0x200: {  	v6 =	vld [tilespmem:s9+$0x6010];
	[tilespmem:s9+$0xC000] =	vst v3;
	v0 =	vadd.f32 v16, v0  }
0x201: {  	v57 =	vld [tilespmem:s11+$0x10]  }
0x202: {  	[tilespmem:s12+$0xC010] =	vst v0;
	v0 =	vld [tilespmem:s12+$0x6020]  }
0x203: {  	v17 =	vld [tilespmem:s1+$0x20]  }
0x204: {  	v58 =	vld [tilespmem:s9+$0x6050];
	v5 =	vadd.f32 v7, v5  }
0x205: {  	v8 =	vld [tilespmem:s28+$0x20]  }
0x206: {  	[tilespmem:s30+$0xC010] =	vst v5;
	v5 =	vadd.f32 v57, v6;
	v6 =	vld [tilespmem:s30+$0x6020]  }
0x207: {  	v4 =	vld [tilespmem:s29+$0x20]  }
0x208: {  	v3 =	vld [tilespmem:s9+$0x6030];
	v0 =	vadd.f32 v17, v0  }
0x209: {  	v7 =	vld [tilespmem:s9+$0x6060];
	[tilespmem:s9+$0xC010] =	vst v5  }
0x20a: {  	v5 =	vld [tilespmem:s11+$0x20];
	[tilespmem:s12+$0xC020] =	vst v0;
	v0 =	vadd.f32 v8, v10  }
0x20b: {  	v8 =	vld [tilespmem:s12+$0x6030]  }
0x20c: {  	v10 =	vld [tilespmem:s1+$0x30];
	v4 =	vadd.f32 v4, v6;
	[tilespmem:s26+$0xC020] =	vst v0  }
0x20d: {  	v60 =	vld [tilespmem:s28+$0x30]  }
0x20e: {  	[tilespmem:s30+$0xC020] =	vst v4;
	v4 =	vld [tilespmem:s30+$0x6030]  }
0x20f: {  	v0 =	vadd.f32 v5, v56;
	v5 =	vld [tilespmem:s29+$0x30]  }
0x210: {  	v6 =	vld [tilespmem:s9+$0x6070]  }
0x211: {  	[tilespmem:s9+$0xC020] =	vst v0;
	v0 =	vadd.f32 v10, v8;
	v10 =	vld [tilespmem:s12+$0x6040]  }
0x212: {  	v8 =	vld [tilespmem:s11+$0x30]  }
0x213: {  	[tilespmem:s12+$0xC030] =	vst v0;
	v0 =	vld [tilespmem:s26+$0x6070];
	v9 =	vadd.f32 v60, v9  }
0x214: {  	v4 =	vadd.f32 v5, v4;
	v5 =	vld [tilespmem:s1+$0x40]  }
0x215: {  	[tilespmem:s26+$0xC030] =	vst v9;
	v9 =	vld [tilespmem:s21+$0x6040]  }
0x216: {  	v1 =	vadd.f32 v2, v1;
	v2 =	vld [tilespmem:s28+$0x40]  }
0x217: {  	[tilespmem:s30+$0xC030] =	vst v4;
	v4 =	vadd.f32 v59, v11;
	v11 =	vld [tilespmem:s30+$0x6040]  }
0x218: {  	[tilespmem:s0+$0xC060] =	vst v1;
	v1 =	vadd.f32 v8, v3;
	v3 =	vld [tilespmem:s29+$0x40]  }
0x219: {  	v8 =	vld [tilespmem:s2+$0x70];
	[tilespmem:s21+$0xC030] =	vst v4  }
0x21a: {  	v4 =	vadd.f32 v5, v10;
	[tilespmem:s9+$0xC030] =	vst v1;
	v1 =	vld [tilespmem:s22+$0x40]  }
0x21b: {  	v5 =	vld [tilespmem:s11+$0x40]  }
0x21c: {  	[tilespmem:s12+$0xC040] =	vst v4;
	v2 =	vadd.f32 v2, v55;
	v4 =	vld [tilespmem:s12+$0x6050]  }
0x21d: {  	v10 =	vld [tilespmem:s1+$0x50]  }
0x21e: {  	v3 =	vadd.f32 v3, v11;
	v11 =	vld [tilespmem:s21+$0x6050];
	[tilespmem:s26+$0xC040] =	vst v2  }
0x21f: {  	v2 =	vld [tilespmem:s28+$0x50];
	v1 =	vadd.f32 v1, v9  }
0x220: {  	[tilespmem:s30+$0xC040] =	vst v3;
	v3 =	vld [tilespmem:s30+$0x6050]  }
0x221: {  	v5 =	vadd.f32 v5, v18;
	v9 =	vld [tilespmem:s29+$0x50];
	[tilespmem:s21+$0xC040] =	vst v1  }
0x222: {  	v1 =	vadd.f32 v10, v4;
	v4 =	vld [tilespmem:s22+$0x50]  }
0x223: {  	[tilespmem:s9+$0xC040] =	vst v5;
	v10 =	vld [tilespmem:s12+$0x6060]  }
0x224: {  	v5 =	vld [tilespmem:s11+$0x50];
	[tilespmem:s12+$0xC050] =	vst v1;
	v1 =	vadd.f32 v2, v15  }
0x225: {  	v2 =	vld [tilespmem:s21+$0x6060]  }
0x226: {  	v63 =	vld [tilespmem:s1+$0x60];
	v3 =	vadd.f32 v9, v3;
	[tilespmem:s26+$0xC050] =	vst v1  }
0x227: {  	v9 =	vld [tilespmem:s28+$0x60]  }
0x228: {  	v1 =	vadd.f32 v4, v11;
	[tilespmem:s30+$0xC050] =	vst v3;
	v4 =	vld [tilespmem:s30+$0x6060]  }
0x229: {  	v3 =	vadd.f32 v5, v58;
	v5 =	vld [tilespmem:s29+$0x60]  }
0x22a: {  	v8 =	vadd.f32 v8, v62;
	[tilespmem:s21+$0xC050] =	vst v1;
	v1 =	vld [tilespmem:s21+$0x6070]  }
0x22b: {  	s24 =	sshll.u32 s24, $0x4;
	[tilespmem:s9+$0xC050] =	vst v3;
	v3 =	vld [tilespmem:s22+$0x60];
	v11 =	vadd.f32 v63, v10  }
0x22c: {  	s24 =	sadd.s32 s5, s24;
	[tilespmem:s0+$0xC070] =	vst v8;
	v10 =	vld [tilespmem:s11+$0x60]  }
0x22d: {  	s31 =	sor.u32 s25, s10;
	s2 =	sor.u32 s25, s13;
	s25 =	simm.s32 $0x4;
	[tilespmem:s12+$0xC060] =	vst v11;
	v8 =	vadd.f32 v9, v61;
	v9 =	vld [tilespmem:s12+$0x6070]  }
.LBB2_3:
0x22e: {  	_ = 	snop  }
0x22f: {  	v4 =	vadd.f32 v5, v4  }
0x230: {  	s25 =	sadd.s32 $0x2, s25;
	v11 =	vld [tilespmem:s1+$0x70];
	[tilespmem:s26+$0xC060] =	vst v8;
	v2 =	vadd.f32 v3, v2  }
0x231: {  	s0 =	sshrl.u32 s25, $0x3;
	v5 =	vld [tilespmem:s28+$0x70];
	v3 =	vadd.f32 v10, v7;
	[tilespmem:s30+$0xC060] =	vst v4  }
0x232: {  	s23 =	sadd.s32 $0x100, s23;
	s3 =	smul.u32 $0x1800, s0;
	v4 =	vld [tilespmem:s30+$0x6070];
	[tilespmem:s21+$0xC060] =	vst v2  }
0x233: {  	s13 =	rddreg [dreg:$0x4];
	s0 =	sand.u32 $0x300, s23;
	v7 =	vld [tilespmem:s29+$0x70];
	[tilespmem:s9+$0xC060] =	vst v3  }
0x234: {  	s4 =	rddreg [dreg:$0x5];
	s10 =	sor.u32 $0x80, s0;
	s29 =	sadd.s32 s13, s3;
	v2 =	vld [tilespmem:s22+$0x70]  }
0x235: {  	s7 =	sadd.s32 s4, s3;
	s8 =	sor.u32 s10, s29;
	v3 =	vld [tilespmem:s11+$0x70]  }
0x236: {  	v8 =	vadd.f32 v11, v9;
	s13 =	sor.u32 s10, s7;
	v9 =	vld [tilespmem:s8+$0x6000]  }
0x237: {  	s4 =	sadd.s32 $0xC00, s19;
	v0 =	vadd.f32 v5, v0;
	v5 =	vld [tilespmem:s13+$0x0]  }
0x238: {  	s6 =	sadd.s32 $0xC00, s20;
	s28 =	sor.u32 s18, s4;
	[tilespmem:s12+$0xC070] =	vst v8  }
0x239: {  	s1 =	sor.u32 s17, s4;
	s4 =	sor.u32 s18, s6;
	v8 =	vld [tilespmem:s28+$0x6000];
	[tilespmem:s26+$0xC070] =	vst v0;
	v0 =	vadd.f32 v7, v4  }
0x23a: {  	s22 =	smov.u32 s2;
	s2 =	sor.u32 s0, s29;
	v4 =	vld [tilespmem:s4+$0x0];
	v1 =	vadd.f32 v2, v1  }
0x23b: {  	s11 =	sor.u32 s0, s7;
	v2 =	vld [tilespmem:s2+$0x6000];
	v3 =	vadd.f32 v3, v6;
	[tilespmem:s30+$0xC070] =	vst v0  }
0x23c: {  	v0 =	vld [tilespmem:s11+$0x0];
	v5 =	vadd.f32 v5, v9;
	[tilespmem:s21+$0xC070] =	vst v1  }
0x23d: {  	v1 =	vld [tilespmem:s2+$0x6010];
	[tilespmem:s9+$0xC070] =	vst v3  }
0x23e: {  	[tilespmem:s8+$0xC000] =	vst v5;
	v5 =	vld [tilespmem:s8+$0x6010]  }
0x23f: {  	v3 =	vld [tilespmem:s2+$0x6020];
	v4 =	vadd.f32 v4, v8  }
0x240: {  	v6 =	vld [tilespmem:s13+$0x10]  }
0x241: {  	v0 =	vadd.f32 v0, v2;
	[tilespmem:s28+$0xC000] =	vst v4;
	v2 =	vld [tilespmem:s28+$0x6010]  }
0x242: {  	v4 =	vld [tilespmem:s4+$0x10]  }
0x243: {  	v8 =	vld [tilespmem:s2+$0x6040];
	[tilespmem:s2+$0xC000] =	vst v0  }
0x244: {  	v7 =	vld [tilespmem:s11+$0x10]  }
0x245: {  	v9 =	vld [tilespmem:s2+$0x6050];
	v5 =	vadd.f32 v6, v5  }
0x246: {  	v10 =	vld [tilespmem:s2+$0x6060]  }
0x247: {  	[tilespmem:s8+$0xC010] =	vst v5;
	v5 =	vld [tilespmem:s8+$0x6020];
	v2 =	vadd.f32 v4, v2  }
0x248: {  	v4 =	vld [tilespmem:s13+$0x20]  }
0x249: {  	v1 =	vadd.f32 v7, v1;
	[tilespmem:s28+$0xC010] =	vst v2;
	v2 =	vld [tilespmem:s28+$0x6020]  }
0x24a: {  	v6 =	vld [tilespmem:s4+$0x20]  }
0x24b: {  	v11 =	vld [tilespmem:s2+$0x6070];
	[tilespmem:s2+$0xC010] =	vst v1  }
0x24c: {  	v1 =	vld [tilespmem:s11+$0x20]  }
0x24d: {  	v0 =	vld [tilespmem:s2+$0x6030];
	v4 =	vadd.f32 v4, v5  }
0x24e: {  	v7 =	vld [tilespmem:s2+$0x6400]  }
0x24f: {  	[tilespmem:s8+$0xC020] =	vst v4;
	v4 =	vld [tilespmem:s8+$0x6030];
	v2 =	vadd.f32 v6, v2  }
0x250: {  	v12 =	vld [tilespmem:s13+$0x30]  }
0x251: {  	v1 =	vadd.f32 v1, v3;
	[tilespmem:s28+$0xC020] =	vst v2;
	v2 =	vld [tilespmem:s28+$0x6030]  }
0x252: {  	v3 =	vld [tilespmem:s4+$0x30]  }
0x253: {  	v5 =	vld [tilespmem:s2+$0x6420];
	[tilespmem:s2+$0xC020] =	vst v1  }
0x254: {  	v1 =	vld [tilespmem:s11+$0x30]  }
0x255: {  	v6 =	vld [tilespmem:s2+$0x6410];
	v12 =	vadd.f32 v12, v4  }
0x256: {  	v59 =	vld [tilespmem:s8+$0x6040]  }
0x257: {  	v4 =	vld [tilespmem:s2+$0x6430];
	[tilespmem:s8+$0xC030] =	vst v12;
	v2 =	vadd.f32 v3, v2  }
0x258: {  	v13 =	vld [tilespmem:s13+$0x40]  }
0x259: {  	v14 =	vld [tilespmem:s28+$0x6040];
	v0 =	vadd.f32 v1, v0;
	[tilespmem:s28+$0xC030] =	vst v2  }
0x25a: {  	v15 =	vld [tilespmem:s4+$0x40]  }
0x25b: {  	v3 =	vld [tilespmem:s2+$0x6440];
	[tilespmem:s2+$0xC030] =	vst v0  }
0x25c: {  	v0 =	vld [tilespmem:s11+$0x40]  }
0x25d: {  	v2 =	vld [tilespmem:s2+$0x6450];
	v12 =	vadd.f32 v13, v59  }
0x25e: {  	v1 =	vld [tilespmem:s2+$0x6460]  }
0x25f: {  	v60 =	vld [tilespmem:s8+$0x6050];
	[tilespmem:s8+$0xC040] =	vst v12;
	v61 =	vadd.f32 v15, v14  }
0x260: {  	v62 =	vld [tilespmem:s13+$0x50]  }
0x261: {  	v0 =	vadd.f32 v0, v8;
	[tilespmem:s28+$0xC040] =	vst v61;
	v8 =	vld [tilespmem:s28+$0x6050]  }
0x262: {  	v13 =	vld [tilespmem:s4+$0x50]  }
0x263: {  	v21 =	vld [tilespmem:s8+$0x6060];
	[tilespmem:s2+$0xC040] =	vst v0  }
0x264: {  	v63 =	vld [tilespmem:s11+$0x50]  }
0x265: {  	s12 =	sor.u32 s17, s6;
	v12 =	vadd.f32 v62, v60;
	v20 =	vld [tilespmem:s1+$0x6000]  }
0x266: {  	v16 =	vld [tilespmem:s12+$0x0]  }
0x267: {  	v0 =	vld [tilespmem:s2+$0x6470];
	[tilespmem:s8+$0xC050] =	vst v12;
	v8 =	vadd.f32 v13, v8  }
0x268: {  	v22 =	vld [tilespmem:s13+$0x60]  }
0x269: {  	v9 =	vadd.f32 v63, v9;
	[tilespmem:s28+$0xC050] =	vst v8;
	v8 =	vld [tilespmem:s28+$0x6060]  }
0x26a: {  	v23 =	vld [tilespmem:s4+$0x60]  }
0x26b: {  	v27 =	vld [tilespmem:s8+$0x6070];
	[tilespmem:s2+$0xC050] =	vst v9;
	v9 =	vadd.f32 v16, v20  }
0x26c: {  	v25 =	vld [tilespmem:s11+$0x60]  }
0x26d: {  	v24 =	vld [tilespmem:s1+$0x6010];
	v12 =	vadd.f32 v22, v21;
	[tilespmem:s1+$0xC000] =	vst v9  }
0x26e: {  	v26 =	vld [tilespmem:s12+$0x10]  }
0x26f: {  	v9 =	vld [tilespmem:s1+$0x6020];
	[tilespmem:s8+$0xC060] =	vst v12;
	v8 =	vadd.f32 v23, v8  }
0x270: {  	v28 =	vld [tilespmem:s13+$0x70]  }
0x271: {  	v10 =	vadd.f32 v25, v10;
	[tilespmem:s28+$0xC060] =	vst v8;
	v8 =	vld [tilespmem:s28+$0x6070]  }
0x272: {  	v29 =	vld [tilespmem:s4+$0x70]  }
0x273: {  	v33 =	vld [tilespmem:s8+$0x6400];
	[tilespmem:s2+$0xC060] =	vst v10;
	v10 =	vadd.f32 v26, v24  }
0x274: {  	v31 =	vld [tilespmem:s11+$0x70]  }
0x275: {  	v30 =	vld [tilespmem:s1+$0x6030];
	v12 =	vadd.f32 v28, v27;
	[tilespmem:s1+$0xC010] =	vst v10  }
0x276: {  	v32 =	vld [tilespmem:s12+$0x20]  }
0x277: {  	v35 =	vld [tilespmem:s1+$0x6050];
	[tilespmem:s8+$0xC070] =	vst v12;
	v8 =	vadd.f32 v29, v8  }
0x278: {  	s6 =	sadd.s32 $0x1000, s19;
	v34 =	vld [tilespmem:s13+$0x400]  }
0x279: {  	s30 =	sor.u32 s18, s6;
	s9 =	sadd.s32 $0x1000, s20;
	v10 =	vld [tilespmem:s1+$0x6040];
	v11 =	vadd.f32 v31, v11;
	[tilespmem:s28+$0xC070] =	vst v8  }
0x27a: {  	s3 =	sor.u32 s18, s9;
	v8 =	vld [tilespmem:s30+$0x6000]  }
0x27b: {  	[tilespmem:s2+$0xC070] =	vst v11;
	v9 =	vadd.f32 v32, v9;
	v11 =	vld [tilespmem:s3+$0x0]  }
0x27c: {  	v36 =	vld [tilespmem:s11+$0x400]  }
0x27d: {  	v38 =	vld [tilespmem:s8+$0x6410];
	v12 =	vadd.f32 v34, v33;
	[tilespmem:s1+$0xC020] =	vst v9  }
0x27e: {  	v37 =	vld [tilespmem:s12+$0x30]  }
0x27f: {  	v9 =	vld [tilespmem:s1+$0x6060];
	[tilespmem:s8+$0xC400] =	vst v12  }
0x280: {  	v17 =	vld [tilespmem:s13+$0x410];
	v8 =	vadd.f32 v11, v8  }
0x281: {  	v11 =	vld [tilespmem:s1+$0x6070];
	v7 =	vadd.f32 v36, v7  }
0x282: {  	[tilespmem:s30+$0xC000] =	vst v8;
	v8 =	vld [tilespmem:s30+$0x6010]  }
0x283: {  	[tilespmem:s2+$0xC400] =	vst v7;
	v7 =	vadd.f32 v37, v30;
	v39 =	vld [tilespmem:s3+$0x10]  }
0x284: {  	v40 =	vld [tilespmem:s11+$0x410]  }
0x285: {  	v42 =	vld [tilespmem:s8+$0x6420];
	v12 =	vadd.f32 v17, v38;
	[tilespmem:s1+$0xC030] =	vst v7  }
0x286: {  	s21 =	smov.u32 s31;
	v41 =	vld [tilespmem:s12+$0x40]  }
0x287: {  	v7 =	vld [tilespmem:s21+$0x6000];
	[tilespmem:s8+$0xC410] =	vst v12  }
0x288: {  	v43 =	vld [tilespmem:s13+$0x420];
	v8 =	vadd.f32 v39, v8  }
0x289: {  	v44 =	vld [tilespmem:s22+$0x0];
	v6 =	vadd.f32 v40, v6  }
0x28a: {  	[tilespmem:s30+$0xC010] =	vst v8;
	v8 =	vld [tilespmem:s30+$0x6020]  }
0x28b: {  	[tilespmem:s2+$0xC410] =	vst v6;
	v6 =	vadd.f32 v41, v10;
	v10 =	vld [tilespmem:s3+$0x20]  }
0x28c: {  	v47 =	vld [tilespmem:s8+$0x6430]  }
0x28d: {  	v45 =	vld [tilespmem:s11+$0x420];
	v12 =	vadd.f32 v43, v42;
	[tilespmem:s1+$0xC040] =	vst v6  }
0x28e: {  	v7 =	vadd.f32 v44, v7;
	v6 =	vld [tilespmem:s21+$0x6010]  }
0x28f: {  	v46 =	vld [tilespmem:s12+$0x50];
	[tilespmem:s8+$0xC420] =	vst v12  }
0x290: {  	[tilespmem:s21+$0xC000] =	vst v7;
	v48 =	vld [tilespmem:s13+$0x430]  }
0x291: {  	v7 =	vld [tilespmem:s22+$0x10];
	v8 =	vadd.f32 v10, v8  }
0x292: {  	v5 =	vadd.f32 v45, v5  }
0x293: {  	[tilespmem:s30+$0xC020] =	vst v8;
	v8 =	vld [tilespmem:s30+$0x6030]  }
0x294: {  	[tilespmem:s2+$0xC420] =	vst v5;
	v5 =	vadd.f32 v46, v35;
	v10 =	vld [tilespmem:s3+$0x30]  }
0x295: {  	v49 =	vld [tilespmem:s11+$0x430]  }
0x296: {  	v12 =	vadd.f32 v48, v47;
	v6 =	vadd.f32 v7, v6;
	v7 =	vld [tilespmem:s8+$0x6440];
	[tilespmem:s1+$0xC050] =	vst v5  }
0x297: {  	v5 =	vld [tilespmem:s21+$0x6020]  }
0x298: {  	v50 =	vld [tilespmem:s12+$0x60];
	[tilespmem:s8+$0xC430] =	vst v12  }
0x299: {  	[tilespmem:s21+$0xC010] =	vst v6;
	v12 =	vld [tilespmem:s13+$0x440]  }
0x29a: {  	v6 =	vld [tilespmem:s22+$0x20];
	v8 =	vadd.f32 v10, v8  }
0x29b: {  	v4 =	vadd.f32 v49, v4  }
0x29c: {  	[tilespmem:s30+$0xC030] =	vst v8;
	v8 =	vld [tilespmem:s30+$0x6040]  }
0x29d: {  	[tilespmem:s2+$0xC430] =	vst v4;
	v4 =	vadd.f32 v50, v9;
	v9 =	vld [tilespmem:s3+$0x40]  }
0x29e: {  	v10 =	vld [tilespmem:s11+$0x440]  }
0x29f: {  	v7 =	vadd.f32 v12, v7;
	v5 =	vadd.f32 v6, v5;
	v6 =	vld [tilespmem:s8+$0x6450];
	[tilespmem:s1+$0xC060] =	vst v4  }
0x2a0: {  	v4 =	vld [tilespmem:s21+$0x6030]  }
0x2a1: {  	v51 =	vld [tilespmem:s12+$0x70];
	[tilespmem:s8+$0xC440] =	vst v7  }
0x2a2: {  	[tilespmem:s21+$0xC020] =	vst v5;
	v7 =	vld [tilespmem:s13+$0x450]  }
0x2a3: {  	v5 =	vld [tilespmem:s22+$0x30];
	v8 =	vadd.f32 v9, v8  }
0x2a4: {  	v3 =	vadd.f32 v10, v3  }
0x2a5: {  	[tilespmem:s30+$0xC040] =	vst v8;
	v8 =	vld [tilespmem:s30+$0x6050]  }
0x2a6: {  	[tilespmem:s2+$0xC440] =	vst v3;
	v3 =	vadd.f32 v51, v11;
	v9 =	vld [tilespmem:s3+$0x50]  }
0x2a7: {  	v10 =	vld [tilespmem:s11+$0x450]  }
0x2a8: {  	v6 =	vadd.f32 v7, v6;
	v4 =	vadd.f32 v5, v4;
	v5 =	vld [tilespmem:s8+$0x6460];
	[tilespmem:s1+$0xC070] =	vst v3  }
0x2a9: {  	s26 =	sor.u32 s17, s6;
	v3 =	vld [tilespmem:s21+$0x6040]  }
0x2aa: {  	v7 =	vld [tilespmem:s26+$0x6000];
	[tilespmem:s8+$0xC450] =	vst v6  }
0x2ab: {  	s28 =	sor.u32 s17, s9;
	[tilespmem:s21+$0xC030] =	vst v4;
	v6 =	vld [tilespmem:s13+$0x460];
	v8 =	vadd.f32 v9, v8  }
0x2ac: {  	v4 =	vld [tilespmem:s28+$0x0];
	v2 =	vadd.f32 v10, v2  }
0x2ad: {  	[tilespmem:s30+$0xC050] =	vst v8;
	v8 =	vld [tilespmem:s30+$0x6060]  }
0x2ae: {  	[tilespmem:s2+$0xC450] =	vst v2;
	v2 =	vld [tilespmem:s3+$0x60]  }
0x2af: {  	v9 =	vld [tilespmem:s11+$0x460]  }
0x2b0: {  	v5 =	vadd.f32 v6, v5;
	v6 =	vld [tilespmem:s26+$0x6010]  }
0x2b1: {  	v4 =	vadd.f32 v4, v7;
	v7 =	vld [tilespmem:s26+$0x6020]  }
0x2b2: {  	[tilespmem:s8+$0xC460] =	vst v5;
	v5 =	vld [tilespmem:s8+$0x6470]  }
0x2b3: {  	[tilespmem:s26+$0xC000] =	vst v4;
	v10 =	vld [tilespmem:s13+$0x470];
	v2 =	vadd.f32 v2, v8  }
0x2b4: {  	v4 =	vld [tilespmem:s28+$0x10];
	v1 =	vadd.f32 v9, v1  }
0x2b5: {  	v8 =	vld [tilespmem:s30+$0x6070];
	[tilespmem:s30+$0xC060] =	vst v2  }
0x2b6: {  	[tilespmem:s2+$0xC460] =	vst v1;
	v9 =	vld [tilespmem:s3+$0x70]  }
0x2b7: {  	v11 =	vld [tilespmem:s11+$0x470]  }
0x2b8: {  	v1 =	vadd.f32 v10, v5;
	v5 =	vld [tilespmem:s26+$0x6030]  }
0x2b9: {  	s4 =	sadd.s32 $0x800, s29;
	v4 =	vadd.f32 v4, v6;
	v2 =	vld [tilespmem:s26+$0x6040]  }
0x2ba: {  	s6 =	sadd.s32 $0x800, s7;
	s12 =	sor.u32 s10, s4;
	[tilespmem:s8+$0xC470] =	vst v1;
	v1 =	vld [tilespmem:s26+$0x6050]  }
0x2bb: {  	s1 =	sor.u32 s10, s6;
	[tilespmem:s26+$0xC010] =	vst v4;
	v6 =	vld [tilespmem:s12+$0x6000];
	v4 =	vadd.f32 v9, v8  }
0x2bc: {  	s13 =	sadd.s32 $0x1400, s19;
	v8 =	vld [tilespmem:s1+$0x0];
	v0 =	vadd.f32 v11, v0  }
0x2bd: {  	s20 =	sadd.s32 $0x1400, s20;
	v9 =	vld [tilespmem:s28+$0x20];
	[tilespmem:s30+$0xC070] =	vst v4;
	s30 =	sor.u32 s18, s13  }
0x2be: {  	s19 =	smov.u32 s29;
	s29 =	sor.u32 s18, s20;
	[tilespmem:s2+$0xC470] =	vst v0;
	v0 =	vld [tilespmem:s30+$0x6000]  }
0x2bf: {  	s9 =	sor.u32 s0, s4;
	v4 =	vld [tilespmem:s29+$0x0]  }
0x2c0: {  	s11 =	sor.u32 s0, s6;
	v10 =	vld [tilespmem:s9+$0x6000]  }
0x2c1: {  	v11 =	vld [tilespmem:s11+$0x0]  }
0x2c2: {  	v6 =	vadd.f32 v8, v6  }
0x2c3: {  	v8 =	vld [tilespmem:s9+$0x6010];
	v7 =	vadd.f32 v9, v7  }
0x2c4: {  	[tilespmem:s12+$0xC000] =	vst v6;
	v6 =	vld [tilespmem:s12+$0x6010]  }
0x2c5: {  	[tilespmem:s26+$0xC020] =	vst v7;
	v9 =	vld [tilespmem:s1+$0x10];
	v0 =	vadd.f32 v4, v0  }
0x2c6: {  	v4 =	vld [tilespmem:s9+$0x6020];
	v7 =	vadd.f32 v11, v10  }
0x2c7: {  	[tilespmem:s30+$0xC000] =	vst v0;
	v0 =	vld [tilespmem:s30+$0x6010]  }
0x2c8: {  	v10 =	vld [tilespmem:s29+$0x10];
	[tilespmem:s9+$0xC000] =	vst v7  }
0x2c9: {  	v7 =	vld [tilespmem:s11+$0x10]  }
0x2ca: {  	v11 =	vld [tilespmem:s9+$0x6030];
	v6 =	vadd.f32 v9, v6  }
0x2cb: {  	v9 =	vld [tilespmem:s9+$0x6040]  }
0x2cc: {  	[tilespmem:s12+$0xC010] =	vst v6;
	v6 =	vld [tilespmem:s12+$0x6020]  }
0x2cd: {  	v52 =	vld [tilespmem:s1+$0x20];
	v0 =	vadd.f32 v10, v0  }
0x2ce: {  	v10 =	vld [tilespmem:s9+$0x6050];
	v7 =	vadd.f32 v7, v8  }
0x2cf: {  	[tilespmem:s30+$0xC010] =	vst v0;
	v0 =	vld [tilespmem:s30+$0x6020]  }
0x2d0: {  	v8 =	vld [tilespmem:s29+$0x20];
	[tilespmem:s9+$0xC010] =	vst v7  }
0x2d1: {  	v53 =	vld [tilespmem:s11+$0x20]  }
0x2d2: {  	v7 =	vld [tilespmem:s9+$0x6060];
	v12 =	vadd.f32 v52, v6  }
0x2d3: {  	v54 =	vld [tilespmem:s12+$0x6030]  }
0x2d4: {  	v6 =	vld [tilespmem:s9+$0x6070];
	[tilespmem:s12+$0xC020] =	vst v12  }
0x2d5: {  	v55 =	vld [tilespmem:s1+$0x30];
	v0 =	vadd.f32 v8, v0  }
0x2d6: {  	v8 =	vld [tilespmem:s28+$0x30];
	v4 =	vadd.f32 v53, v4  }
0x2d7: {  	v56 =	vld [tilespmem:s30+$0x6030];
	[tilespmem:s30+$0xC020] =	vst v0  }
0x2d8: {  	v57 =	vld [tilespmem:s29+$0x30];
	[tilespmem:s9+$0xC020] =	vst v4  }
0x2d9: {  	v4 =	vld [tilespmem:s11+$0x30]  }
0x2da: {  	v58 =	vld [tilespmem:s26+$0x6060];
	v12 =	vadd.f32 v55, v54  }
0x2db: {  	v0 =	vld [tilespmem:s26+$0x6070];
	v5 =	vadd.f32 v8, v5  }
0x2dc: {  	v8 =	vld [tilespmem:s12+$0x6040];
	[tilespmem:s12+$0xC030] =	vst v12  }
0x2dd: {  	[tilespmem:s26+$0xC030] =	vst v5;
	v12 =	vld [tilespmem:s1+$0x40];
	v5 =	vadd.f32 v57, v56  }
0x2de: {  	v59 =	vld [tilespmem:s28+$0x40];
	v4 =	vadd.f32 v4, v11  }
0x2df: {  	[tilespmem:s30+$0xC030] =	vst v5;
	v5 =	vld [tilespmem:s30+$0x6040]  }
0x2e0: {  	v11 =	vld [tilespmem:s29+$0x40];
	[tilespmem:s9+$0xC030] =	vst v4  }
0x2e1: {  	v4 =	vld [tilespmem:s22+$0x40]  }
0x2e2: {  	v60 =	vld [tilespmem:s11+$0x40];
	v8 =	vadd.f32 v12, v8  }
0x2e3: {  	v2 =	vadd.f32 v59, v2  }
0x2e4: {  	v61 =	vld [tilespmem:s21+$0x6050];
	[tilespmem:s12+$0xC040] =	vst v8  }
0x2e5: {  	v8 =	vld [tilespmem:s12+$0x6050];
	[tilespmem:s26+$0xC040] =	vst v2;
	v2 =	vadd.f32 v11, v5  }
0x2e6: {  	v62 =	vld [tilespmem:s1+$0x50];
	v3 =	vadd.f32 v4, v3  }
0x2e7: {  	v5 =	vld [tilespmem:s28+$0x50];
	v4 =	vadd.f32 v60, v9;
	[tilespmem:s30+$0xC040] =	vst v2  }
0x2e8: {  	v9 =	vld [tilespmem:s30+$0x6050];
	[tilespmem:s21+$0xC040] =	vst v3  }
0x2e9: {  	v11 =	vld [tilespmem:s29+$0x50];
	[tilespmem:s9+$0xC040] =	vst v4  }
0x2ea: {  	v3 =	vld [tilespmem:s22+$0x50]  }
0x2eb: {  	v4 =	vld [tilespmem:s11+$0x50];
	v8 =	vadd.f32 v62, v8  }
0x2ec: {  	v1 =	vadd.f32 v5, v1;
	v2 =	vld [tilespmem:s21+$0x6060]  }
0x2ed: {  	[tilespmem:s12+$0xC050] =	vst v8;
	v8 =	vld [tilespmem:s12+$0x6060]  }
0x2ee: {  	[tilespmem:s26+$0xC050] =	vst v1;
	v63 =	vld [tilespmem:s1+$0x60]  }
0x2ef: {  	v1 =	vadd.f32 v11, v9;
	v9 =	vld [tilespmem:s28+$0x60];
	_ =	sdelay $0x1  }
0x2f0: {  	v3 =	vadd.f32 v3, v61  }
0x2f1: {  	p0 =	slt.u32 s25, $0xE;
	v10 =	vadd.f32 v4, v10;
	[tilespmem:s30+$0xC050] =	vst v1;
	v4 =	vld [tilespmem:s30+$0x6060]  }
.Ltmp0:
0x2f2: {  	v5 =	vld [tilespmem:s29+$0x60];
	[tilespmem:s21+$0xC050] =	vst v3;
	(pc) =	sbr.rel @p0 .LBB2_3-.Ltmp0, $4  }
0x2f3: {  	[tilespmem:s9+$0xC050] =	vst v10;
	v11 =	vadd.f32 v63, v8;
	v8 =	vadd.f32 v9, v58;
	v9 =	vld [tilespmem:s12+$0x6070]  }
0x2f4: {  	v3 =	vld [tilespmem:s22+$0x60]  }
0x2f5: {  	s31 =	sor.u32 s17, s13;
	s18 =	smov.u32 s10;
	v10 =	vld [tilespmem:s11+$0x60]  }
0x2f6: {  	s2 =	sor.u32 s17, s20;
	s17 =	smov.u32 s0;
	s20 =	smov.u32 s7;
	v1 =	vld [tilespmem:s21+$0x6070];
	[tilespmem:s12+$0xC060] =	vst v11  }
0x2f7: {  	_ =	sdelay $0x2  }
0x2f8: {  	v7 =	vadd.f32 v10, v7  }
0x2f9: {  	v11 =	vld [tilespmem:s1+$0x70]  }
0x2fa: {  	[tilespmem:s9+$0xC060] =	vst v7  }
0x2fb: {  	v7 =	vld [tilespmem:s11+$0x70];
	_ =	sdelay $0x2  }
0x2fc: {  	v9 =	vadd.f32 v11, v9  }
0x2fd: {  	s7 =	sadd.s32 $0xC00, s19  }
0x2fe: {  	s3 =	sadd.s32 $0xC00, s20;
	s0 =	sor.u32 s18, s7;
	[tilespmem:s12+$0xC070] =	vst v9;
	v6 =	vadd.f32 v7, v6  }
0x2ff: {  	s4 =	sor.u32 s18, s3;
	v9 =	vld [tilespmem:s0+$0x6000]  }
0x300: {  	s1 =	sor.u32 s17, s7;
	v29 =	vld [tilespmem:s4+$0x0];
	[tilespmem:s9+$0xC070] =	vst v6  }
0x301: {  	s3 =	sor.u32 s17, s3;
	v6 =	vld [tilespmem:s1+$0x6000]  }
0x302: {  	v30 =	vld [tilespmem:s3+$0x0];
	_ =	sdelay $0x2  }
0x303: {  	v7 =	vadd.f32 v29, v9;
	_ =	sdelay $0x1  }
0x304: {  	v31 =	vld [tilespmem:s0+$0x6010];
	[tilespmem:s0+$0xC000] =	vst v7;
	v6 =	vadd.f32 v30, v6  }
0x305: {  	v32 =	vld [tilespmem:s4+$0x10]  }
0x306: {  	v33 =	vld [tilespmem:s1+$0x6010];
	[tilespmem:s1+$0xC000] =	vst v6  }
0x307: {  	v6 =	vld [tilespmem:s3+$0x10];
	_ =	sdelay $0x2  }
0x308: {  	v7 =	vadd.f32 v32, v31;
	_ =	sdelay $0x1  }
0x309: {  	v34 =	vld [tilespmem:s0+$0x6020];
	[tilespmem:s0+$0xC010] =	vst v7;
	v6 =	vadd.f32 v6, v33  }
0x30a: {  	v35 =	vld [tilespmem:s4+$0x20]  }
0x30b: {  	v36 =	vld [tilespmem:s1+$0x6020];
	[tilespmem:s1+$0xC010] =	vst v6  }
0x30c: {  	v6 =	vld [tilespmem:s3+$0x20];
	_ =	sdelay $0x2  }
0x30d: {  	v7 =	vadd.f32 v35, v34;
	_ =	sdelay $0x1  }
0x30e: {  	v37 =	vld [tilespmem:s0+$0x6030];
	[tilespmem:s0+$0xC020] =	vst v7;
	v6 =	vadd.f32 v6, v36  }
0x30f: {  	v38 =	vld [tilespmem:s4+$0x30]  }
0x310: {  	v39 =	vld [tilespmem:s1+$0x6030];
	[tilespmem:s1+$0xC020] =	vst v6  }
0x311: {  	v6 =	vld [tilespmem:s3+$0x30];
	_ =	sdelay $0x2  }
0x312: {  	v7 =	vadd.f32 v38, v37;
	_ =	sdelay $0x1  }
0x313: {  	v40 =	vld [tilespmem:s0+$0x6040];
	[tilespmem:s0+$0xC030] =	vst v7;
	v6 =	vadd.f32 v6, v39  }
0x314: {  	v41 =	vld [tilespmem:s4+$0x40]  }
0x315: {  	v42 =	vld [tilespmem:s1+$0x6040];
	[tilespmem:s1+$0xC030] =	vst v6  }
0x316: {  	v6 =	vld [tilespmem:s3+$0x40];
	_ =	sdelay $0x2  }
0x317: {  	v7 =	vadd.f32 v41, v40;
	_ =	sdelay $0x1  }
0x318: {  	v43 =	vld [tilespmem:s0+$0x6050];
	[tilespmem:s0+$0xC040] =	vst v7;
	v6 =	vadd.f32 v6, v42  }
0x319: {  	v44 =	vld [tilespmem:s4+$0x50]  }
0x31a: {  	v45 =	vld [tilespmem:s1+$0x6050];
	[tilespmem:s1+$0xC040] =	vst v6  }
0x31b: {  	v6 =	vld [tilespmem:s3+$0x50];
	_ =	sdelay $0x2  }
0x31c: {  	v7 =	vadd.f32 v44, v43;
	_ =	sdelay $0x1  }
0x31d: {  	v46 =	vld [tilespmem:s0+$0x6060];
	[tilespmem:s0+$0xC050] =	vst v7;
	v6 =	vadd.f32 v6, v45  }
0x31e: {  	v47 =	vld [tilespmem:s4+$0x60]  }
0x31f: {  	v48 =	vld [tilespmem:s1+$0x6060];
	[tilespmem:s1+$0xC050] =	vst v6  }
0x320: {  	v6 =	vld [tilespmem:s3+$0x60];
	_ =	sdelay $0x2  }
0x321: {  	v7 =	vadd.f32 v47, v46;
	_ =	sdelay $0x1  }
0x322: {  	v49 =	vld [tilespmem:s0+$0x6070];
	[tilespmem:s0+$0xC060] =	vst v7;
	v6 =	vadd.f32 v6, v48  }
0x323: {  	v50 =	vld [tilespmem:s4+$0x70]  }
0x324: {  	v51 =	vld [tilespmem:s1+$0x6070];
	[tilespmem:s1+$0xC060] =	vst v6  }
0x325: {  	v6 =	vld [tilespmem:s3+$0x70];
	_ =	sdelay $0x2  }
0x326: {  	v7 =	vadd.f32 v50, v49  }
0x327: {  	s8 =	sadd.s32 $0x1000, s19  }
0x328: {  	s10 =	sor.u32 s18, s8;
	s9 =	sadd.s32 $0x1000, s20;
	[tilespmem:s0+$0xC070] =	vst v7;
	v6 =	vadd.f32 v6, v51  }
0x329: {  	s6 =	sor.u32 s18, s9;
	v7 =	vld [tilespmem:s10+$0x6000]  }
0x32a: {  	s3 =	sor.u32 s17, s8;
	v52 =	vld [tilespmem:s6+$0x0];
	[tilespmem:s1+$0xC070] =	vst v6  }
0x32b: {  	s11 =	sor.u32 s17, s9;
	v6 =	vld [tilespmem:s3+$0x6000]  }
0x32c: {  	v53 =	vld [tilespmem:s11+$0x0];
	_ =	sdelay $0x2  }
0x32d: {  	v7 =	vadd.f32 v52, v7;
	_ =	sdelay $0x1  }
0x32e: {  	v54 =	vld [tilespmem:s10+$0x6010];
	[tilespmem:s10+$0xC000] =	vst v7;
	v6 =	vadd.f32 v53, v6  }
0x32f: {  	v55 =	vld [tilespmem:s6+$0x10]  }
0x330: {  	v56 =	vld [tilespmem:s3+$0x6010];
	[tilespmem:s3+$0xC000] =	vst v6  }
0x331: {  	v6 =	vld [tilespmem:s11+$0x10];
	_ =	sdelay $0x2  }
0x332: {  	v7 =	vadd.f32 v55, v54;
	_ =	sdelay $0x1  }
0x333: {  	v57 =	vld [tilespmem:s10+$0x6020];
	[tilespmem:s10+$0xC010] =	vst v7;
	v6 =	vadd.f32 v6, v56  }
0x334: {  	v58 =	vld [tilespmem:s6+$0x20]  }
0x335: {  	v59 =	vld [tilespmem:s3+$0x6020];
	[tilespmem:s3+$0xC010] =	vst v6  }
0x336: {  	v6 =	vld [tilespmem:s11+$0x20];
	_ =	sdelay $0x2  }
0x337: {  	v7 =	vadd.f32 v58, v57;
	_ =	sdelay $0x1  }
0x338: {  	v60 =	vld [tilespmem:s10+$0x6030];
	[tilespmem:s10+$0xC020] =	vst v7;
	v6 =	vadd.f32 v6, v59  }
0x339: {  	v61 =	vld [tilespmem:s6+$0x30]  }
0x33a: {  	v62 =	vld [tilespmem:s3+$0x6030];
	[tilespmem:s3+$0xC020] =	vst v6  }
0x33b: {  	v6 =	vld [tilespmem:s11+$0x30];
	_ =	sdelay $0x2  }
0x33c: {  	v7 =	vadd.f32 v61, v60;
	_ =	sdelay $0x1  }
0x33d: {  	v63 =	vld [tilespmem:s10+$0x6040];
	[tilespmem:s10+$0xC030] =	vst v7;
	v6 =	vadd.f32 v6, v62  }
0x33e: {  	v12 =	vld [tilespmem:s6+$0x40]  }
0x33f: {  	v13 =	vld [tilespmem:s3+$0x6040];
	[tilespmem:s3+$0xC030] =	vst v6  }
0x340: {  	v6 =	vld [tilespmem:s11+$0x40];
	_ =	sdelay $0x2  }
0x341: {  	v7 =	vadd.f32 v12, v63;
	_ =	sdelay $0x1  }
0x342: {  	v14 =	vld [tilespmem:s10+$0x6050];
	[tilespmem:s10+$0xC040] =	vst v7;
	v6 =	vadd.f32 v6, v13  }
0x343: {  	v15 =	vld [tilespmem:s6+$0x50]  }
0x344: {  	v16 =	vld [tilespmem:s3+$0x6050];
	[tilespmem:s3+$0xC040] =	vst v6  }
0x345: {  	v6 =	vld [tilespmem:s11+$0x50];
	_ =	sdelay $0x2  }
0x346: {  	v7 =	vadd.f32 v15, v14;
	_ =	sdelay $0x1  }
0x347: {  	v17 =	vld [tilespmem:s10+$0x6060];
	[tilespmem:s10+$0xC050] =	vst v7;
	v6 =	vadd.f32 v6, v16  }
0x348: {  	v18 =	vld [tilespmem:s6+$0x60]  }
0x349: {  	v19 =	vld [tilespmem:s3+$0x6060];
	[tilespmem:s3+$0xC050] =	vst v6  }
0x34a: {  	v6 =	vld [tilespmem:s11+$0x60];
	_ =	sdelay $0x2  }
0x34b: {  	[tilespmem:s26+$0xC060] =	vst v8;
	v7 =	vadd.f32 v18, v17  }
0x34c: {  	v8 =	vld [tilespmem:s28+$0x70]  }
0x34d: {  	v20 =	vld [tilespmem:s10+$0x6070];
	[tilespmem:s10+$0xC060] =	vst v7;
	v6 =	vadd.f32 v6, v19  }
0x34e: {  	v21 =	vld [tilespmem:s6+$0x70]  }
0x34f: {  	v22 =	vld [tilespmem:s3+$0x6070];
	[tilespmem:s3+$0xC060] =	vst v6  }
0x350: {  	v6 =	vld [tilespmem:s11+$0x70]  }
0x351: {  	v0 =	vadd.f32 v8, v0;
	_ =	sdelay $0x1  }
0x352: {  	[tilespmem:s26+$0xC070] =	vst v0;
	v7 =	vadd.f32 v21, v20  }
0x353: {  	s12 =	sadd.s32 $0x1400, s19;
	v0 =	vld [tilespmem:s31+$0x6000]  }
0x354: {  	s7 =	sadd.s32 $0x1400, s20;
	s13 =	sor.u32 s18, s12;
	v24 =	vld [tilespmem:s2+$0x0];
	[tilespmem:s10+$0xC070] =	vst v7;
	v6 =	vadd.f32 v6, v22  }
0x355: {  	s18 =	sor.u32 s18, s7;
	v7 =	vld [tilespmem:s13+$0x6000]  }
0x356: {  	s19 =	sor.u32 s17, s12;
	v23 =	vld [tilespmem:s18+$0x0];
	[tilespmem:s3+$0xC070] =	vst v6  }
0x357: {  	s20 =	sor.u32 s17, s7;
	v6 =	vld [tilespmem:s19+$0x6000]  }
0x358: {  	v25 =	vld [tilespmem:s20+$0x0]  }
0x359: {  	v0 =	vadd.f32 v24, v0;
	_ =	sdelay $0x1  }
0x35a: {  	v26 =	vld [tilespmem:s31+$0x6010];
	[tilespmem:s31+$0xC000] =	vst v0  }
0x35b: {  	v29 =	vld [tilespmem:s2+$0x10];
	v7 =	vadd.f32 v23, v7  }
0x35c: {  	v27 =	vld [tilespmem:s13+$0x6010];
	v6 =	vadd.f32 v25, v6  }
0x35d: {  	v30 =	vld [tilespmem:s19+$0x6010];
	[tilespmem:s13+$0xC000] =	vst v7  }
0x35e: {  	v28 =	vld [tilespmem:s18+$0x10];
	[tilespmem:s19+$0xC000] =	vst v6  }
0x35f: {  	v6 =	vld [tilespmem:s20+$0x10]  }
0x360: {  	v8 =	vadd.f32 v29, v26;
	_ =	sdelay $0x1  }
0x361: {  	v31 =	vld [tilespmem:s31+$0x6020];
	[tilespmem:s31+$0xC010] =	vst v8  }
0x362: {  	v34 =	vld [tilespmem:s2+$0x20];
	v0 =	vadd.f32 v28, v27  }
0x363: {  	v32 =	vld [tilespmem:s13+$0x6020];
	v6 =	vadd.f32 v6, v30  }
0x364: {  	v35 =	vld [tilespmem:s19+$0x6020];
	[tilespmem:s13+$0xC010] =	vst v0  }
0x365: {  	v33 =	vld [tilespmem:s18+$0x20];
	[tilespmem:s19+$0xC010] =	vst v6  }
0x366: {  	v6 =	vld [tilespmem:s20+$0x20];
	_ =	sdelay $0x2  }
0x367: {  	v36 =	vld [tilespmem:s31+$0x6030];
	v7 =	vadd.f32 v34, v31  }
0x368: {  	v37 =	vld [tilespmem:s13+$0x6030];
	v0 =	vadd.f32 v33, v32  }
0x369: {  	v40 =	vld [tilespmem:s19+$0x6030];
	[tilespmem:s31+$0xC020] =	vst v7;
	v6 =	vadd.f32 v6, v35  }
0x36a: {  	v39 =	vld [tilespmem:s2+$0x30];
	[tilespmem:s13+$0xC020] =	vst v0  }
0x36b: {  	v38 =	vld [tilespmem:s18+$0x30];
	[tilespmem:s19+$0xC020] =	vst v6  }
0x36c: {  	v6 =	vld [tilespmem:s20+$0x30];
	_ =	sdelay $0x2  }
0x36d: {  	v41 =	vld [tilespmem:s31+$0x6040];
	v8 =	vadd.f32 v39, v36  }
0x36e: {  	v42 =	vld [tilespmem:s13+$0x6040];
	v0 =	vadd.f32 v38, v37  }
0x36f: {  	v45 =	vld [tilespmem:s19+$0x6040];
	[tilespmem:s31+$0xC030] =	vst v8;
	v6 =	vadd.f32 v6, v40  }
0x370: {  	v44 =	vld [tilespmem:s2+$0x40];
	[tilespmem:s13+$0xC030] =	vst v0  }
0x371: {  	v43 =	vld [tilespmem:s18+$0x40];
	[tilespmem:s19+$0xC030] =	vst v6  }
0x372: {  	v6 =	vld [tilespmem:s20+$0x40];
	_ =	sdelay $0x2  }
0x373: {  	v46 =	vld [tilespmem:s31+$0x6050];
	v7 =	vadd.f32 v44, v41  }
0x374: {  	v47 =	vld [tilespmem:s13+$0x6050];
	v0 =	vadd.f32 v43, v42  }
0x375: {  	v49 =	vld [tilespmem:s19+$0x6050];
	[tilespmem:s31+$0xC040] =	vst v7;
	v6 =	vadd.f32 v6, v45  }
0x376: {  	v7 =	vld [tilespmem:s2+$0x50];
	[tilespmem:s13+$0xC040] =	vst v0  }
0x377: {  	v2 =	vadd.f32 v3, v2;
	v48 =	vld [tilespmem:s18+$0x50];
	[tilespmem:s19+$0xC040] =	vst v6  }
0x378: {  	v6 =	vld [tilespmem:s20+$0x50]  }
0x379: {  	[tilespmem:s21+$0xC060] =	vst v2  }
0x37a: {  	v2 =	vld [tilespmem:s22+$0x70]  }
0x37b: {  	v51 =	vld [tilespmem:s31+$0x6060];
	v7 =	vadd.f32 v7, v46  }
0x37c: {  	v52 =	vld [tilespmem:s13+$0x6060];
	v0 =	vadd.f32 v48, v47  }
0x37d: {  	v4 =	vadd.f32 v5, v4;
	v55 =	vld [tilespmem:s19+$0x6060];
	[tilespmem:s31+$0xC050] =	vst v7;
	v5 =	vadd.f32 v6, v49  }
0x37e: {  	v54 =	vld [tilespmem:s2+$0x60];
	[tilespmem:s13+$0xC050] =	vst v0  }
0x37f: {  	v53 =	vld [tilespmem:s18+$0x60];
	[tilespmem:s19+$0xC050] =	vst v5  }
0x380: {  	v5 =	vld [tilespmem:s20+$0x60]  }
0x381: {  	[tilespmem:s30+$0xC060] =	vst v4;
	v50 =	vld [tilespmem:s30+$0x6070]  }
0x382: {  	v56 =	vld [tilespmem:s29+$0x70]  }
0x383: {  	v57 =	vld [tilespmem:s31+$0x6070];
	v6 =	vadd.f32 v54, v51  }
0x384: {  	v58 =	vld [tilespmem:s13+$0x6070];
	v0 =	vadd.f32 v53, v52  }
0x385: {  	v61 =	vld [tilespmem:s19+$0x6070];
	[tilespmem:s31+$0xC060] =	vst v6;
	v3 =	vadd.f32 v5, v55  }
0x386: {  	v60 =	vld [tilespmem:s2+$0x70];
	[tilespmem:s13+$0xC060] =	vst v0  }
0x387: {  	v59 =	vld [tilespmem:s18+$0x70];
	[tilespmem:s19+$0xC060] =	vst v3  }
0x388: {  	v3 =	vld [tilespmem:s20+$0x70]  }
0x389: {  	s23 =	smul.u32 $0x600000, s15;
	v1 =	vadd.f32 v2, v1  }
0x38a: {  	s24 =	sshrl.u32 s24, $0x3;
	s25 =	smul.u32 $0xC000, s16;
	v4 =	vadd.f32 v56, v50  }
0x38b: {  	p0 =	sne.s32 s14, $0x40;
	[tilespmem:s21+$0xC070] =	vst v1;
	s3 =	smul.u32 $0x1800, s24;
	v62 =	vadd.f32 v60, v57  }
.Ltmp1:
0x38c: {  	[tilespmem:s30+$0xC070] =	vst v4;
	v0 =	vadd.f32 v59, v58;
	(pc) =	sbr.rel @p0 .LBB2_2-.Ltmp1, $4  }
0x38d: {  	s28 =	sshrl.u32 s25, $0x2;
	s26 =	sadd.s32 s23, s3;
	[tilespmem:s31+$0xC070] =	vst v62;
	v63 =	vadd.f32 v3, v61  }
0x38e: {  	s29 =	sadd.s32 $0x5, s16;
	s30 =	rddreg [dreg:$0x2];
	s1 =	sshrl.u32 s26, $0x3;
	[tilespmem:s13+$0xC070] =	vst v0  }
0x38f: {  	s1 =	sadd.s32 s30, s1;
	s2 =	sor.u32 $0xC000, s28;
	s31 =	simm.s32 $0x0;
	[tilespmem:s19+$0xC070] =	vst v63  }
0x390: {  	[hbm4b:s1+s31] =	stream.linear.scatter [tilespmem:s2], [sflag:s29], $0x3000, $0x38;
	[tilespmem:$0x12000] =	vst v63  }
0x391: {  	s0 =	simm.s32 $0x5  }
0x392: {  	_ =	swait.ge [sflag:s0], $0x3000  }
0x393: {  	[sflag:s0] =	ssyncset.done $0x0  }
0x394: {  	s1 =	simm.s32 $0x6;
	[sflag:s0] =	ssyncadd.s32 $0xFFFFD000  }
0x395: {  	_ =	swait.ge [sflag:s1], $0x3000  }
0x396: {  	s2 =	rddreg [dreg:$0x9]  }
0x397: {  	s31 =	rddreg [dreg:$0x8];
	s2 =	sadd.s32 $0x1, s2  }
0x398: {  	p0 =	sne.s32 s2, s31  }
.Ltmp2:
0x399: {  	_ = 	snop;
	(pc) =	sbr.rel @p0 .LBB2_1-.Ltmp2, $3  }
0x39a: {  	_ =	sdelay $0x1  }
0x39b: {  	[sflag:s1] =	ssyncset.done $0x0  }
0x39c: {  	[sflag:s1] =	ssyncadd.s32 $0xFFFFD000  }
0x39d: {  	_ =	sfence.sel $0x180000  }
0x39e: {  	[bflag:$0x0] =	sbarrier.arrive $0xFFFF  }
0x39f: {  	_ =	strace $0x90000047  }
0x3a0: {  	s0 =	stileid.u32;
	[bflag:$0x2] =	sbarrier.arrive $0xFFFF  }
0x3a1: {  	p0 =	sne.s32 s0, $0x0;
	s0 =	rddreg [dreg:$0x3]  }
0x3a2: {  	s0 =	sadd.s32 @!p0 $0x100000, s0  }
0x3a3: {  	[sflag:s0] =	ssyncadd.tile.s32 @!p0 $0x1;
	_ =	shalt  }
.Lfunc_end2:
_tile_overlayer_lowered:
.L_overlay_start_2:
0x3a4: {  	(tag) =	ssettag $0x2  }
0x3a5: {  	s0 =	rddreg [dreg:$0x0];
	s2 =	stileid.u32  }
0x3a6: {  	s1 =	rddreg [dreg:$0x1];
	p0 =	sne.s32 s2, $0x0  }
0x3a7: {  	s3 =	rddreg [dreg:$0x2];
	[bflag:$0x3] =	sbarrier.arrive $0xFFFF;
	s2 =	simm.s32 @!p0 $0x1C07  }
0x3a8: {  	[timem:s3], [sflag:s2] =	dma.local @!p0 [hbm:s0], s1  }
0x3a9: {  	s0 =	simm.s32 @!p0 $0x7  }
0x3aa: {  	_ =	swait.ge @!p0 [sflag:s0], s1  }
0x3ab: {  	s1 =	ssub.s32 @!p0 $0x0, s1;
	[sflag:s0] =	ssyncset.done @!p0 $0x0  }
0x3ac: {  	[sflag:s0] =	ssyncadd.s32 @!p0 s1  }
0x3ad: {  	[bflag:$0x3] =	sbarrier.arrive $0xFFFF  }
0x3ae: {  	_ =	shalt  }

</sc_bundles>
